<compile_context>
chip_gen: v7x
topology: tpu7x:2x2x1
jax: 0.10.2.dev20260603
libtpu: 0.0.44.dev20260713+nightly
codegen_flags: <defaults>
</compile_context>

<pallas_src>
import dataclasses
import functools

import jax
import jax.numpy as jnp
from jax import lax
from jax.experimental import pallas as pl
from jax.experimental.pallas import tpu as pltpu
from jax.experimental.pallas import tpu_sc as plsc

D = 128
LANES = 16
NUM_CORES = 2
NUM_SUBCORES = 16
NW = NUM_CORES * NUM_SUBCORES


NBUF = 2


def _dot_kernel(E, W, ufeat_hbm, ifeat_hbm, src_hbm, dst_hbm, out_hbm,
                idx_u, idx_v, u_a, v_a, u_b, v_b, o_a, o_b,
                sem_ua, sem_va, sem_ub, sem_vb, sem_oa, sem_ob):
    per_w = E // NW
    n_chunks = per_w // W
    wid = lax.axis_index("s") * NUM_CORES + lax.axis_index("c")
    base_w = wid * per_w

    pltpu.sync_copy(src_hbm.at[pl.ds(base_w, per_w)], idx_u)
    pltpu.sync_copy(dst_hbm.at[pl.ds(base_w, per_w)], idx_v)

    bufs = [(u_a, v_a, sem_ua, sem_va, o_a, sem_oa),
            (u_b, v_b, sem_ub, sem_vb, o_b, sem_ob)]

    def gather(c, buf):
        u_buf, v_buf, sem_u, sem_v = buf[0], buf[1], buf[2], buf[3]
        pltpu.make_async_copy(
            ufeat_hbm.at[idx_u.at[pl.ds(c * W, W)]], u_buf, sem_u).start()
        pltpu.make_async_copy(
            ifeat_hbm.at[idx_v.at[pl.ds(c * W, W)]], v_buf, sem_v).start()

    def wait(c, buf):
        u_buf, v_buf, sem_u, sem_v = buf[0], buf[1], buf[2], buf[3]
        pltpu.make_async_copy(
            ufeat_hbm.at[idx_u.at[pl.ds(c * W, W)]], u_buf, sem_u).wait()
        pltpu.make_async_copy(
            ifeat_hbm.at[idx_v.at[pl.ds(c * W, W)]], v_buf, sem_v).wait()

    def out_start(c, buf):
        o_buf, sem_o = buf[4], buf[5]
        pltpu.make_async_copy(
            o_buf, out_hbm.at[pl.ds(base_w + c * W, W)], sem_o).start()

    def out_wait(c, buf):
        o_buf, sem_o = buf[4], buf[5]
        pltpu.make_async_copy(
            o_buf, out_hbm.at[pl.ds(base_w + c * W, W)], sem_o).wait()

    def compute(c, buf):
        u_buf, v_buf, o_buf = buf[0], buf[1], buf[4]
        @pl.loop(0, W // LANES)
        def _(g):
            for e in range(LANES):
                row = g * LANES + e
                prods = [u_buf[row, pl.ds(k * 2 * LANES, 2 * LANES)]
                         * v_buf[row, pl.ds(k * 2 * LANES, 2 * LANES)]
                         for k in range(D // (2 * LANES))]
                while len(prods) > 1:
                    prods = [prods[i] + prods[i + 1]
                             for i in range(0, len(prods) - 1, 2)] \
                        + ([prods[-1]] if len(prods) % 2 else [])
                o_buf[row, :] = prods[0]

    r = n_chunks - (n_chunks // NBUF) * NBUF
    if r == 0:
        r = NBUF
    body_hi = n_chunks - r

    for i in range(NBUF):
        gather(i, bufs[i])

    @pl.loop(0, body_hi, step=NBUF)
    def _(c):
        for i in range(NBUF):
            cc = c + i
            wait(cc, bufs[i])

            @pl.when(cc >= NBUF)
            def _():
                out_wait(cc - NBUF, bufs[i])

            compute(cc, bufs[i])
            out_start(cc, bufs[i])
            nxt = cc + NBUF

            @pl.when(nxt < n_chunks)
            def _():
                gather(nxt, bufs[i])

    for i in range(r):
        cc = body_hi + i
        wait(cc, bufs[i])
        out_wait(cc - NBUF, bufs[i])
        compute(cc, bufs[i])
        out_start(cc, bufs[i])

    for i in range(NBUF):
        last = n_chunks - 1 - ((n_chunks - 1 - i) % NBUF)
        out_wait(last, bufs[i])


def _build_sc_call(E, W):
    per_w = E // NW
    mesh = plsc.VectorSubcoreMesh(core_axis_name="c", subcore_axis_name="s")
    cp = pltpu.CompilerParams()
    if "needs_layout_passes" in pltpu.CompilerParams.__dataclass_fields__:
        cp = dataclasses.replace(cp, needs_layout_passes=False)
    if "use_tc_tiling_on_sc" in pltpu.CompilerParams.__dataclass_fields__:
        cp = dataclasses.replace(cp, use_tc_tiling_on_sc=False)
    return pl.kernel(
        functools.partial(_dot_kernel, E, W),
        out_type=jax.ShapeDtypeStruct((E, 2 * LANES), jnp.bfloat16),
        mesh=mesh,
        scratch_types=[
            pltpu.VMEM((per_w,), jnp.int32),
            pltpu.VMEM((per_w,), jnp.int32),
        ] + [pltpu.VMEM((W, D), jnp.bfloat16) for _ in range(2 * NBUF)]
        + [pltpu.VMEM((W, 2 * LANES), jnp.bfloat16) for _ in range(NBUF)]
        + [pltpu.SemaphoreType.DMA for _ in range(3 * NBUF)],
        compiler_params=cp,
    )


@jax.jit
def kernel(ufeat, ifeat, edge_index):
    E = edge_index.shape[1]
    src = edge_index[0].astype(jnp.int32)
    dst = edge_index[1].astype(jnp.int32)

    part = _build_sc_call(E, 80)(ufeat.astype(jnp.bfloat16),
                                 ifeat.astype(jnp.bfloat16), src, dst)
    sr = jnp.sum(part.astype(jnp.float32), axis=1)
    return sr.reshape(E, 1)

# --- scband reference (transcript-rebuilt; emitter-appended) ---
"""Pipeline reference for scband-bi-decoder-7739531067738 (READ-ONLY COPY).

The authoritative reference and input builder live on the scoring server;
editing this copy changes nothing except your own understanding.
"""

import jax, jax.numpy as jnp
import numpy as np


def setup_inputs(seed: int = 0) -> dict:
    key = jax.random.key(seed)
    k1, k2, k3 = jax.random.split(key, 3)
    ufeat = jax.random.normal(k1, (10000, 128), dtype=jnp.float32)
    ifeat = jax.random.normal(k2, (10000, 128), dtype=jnp.float32)
    edge_index = jax.random.randint(k3, (2, 320000), 0, 10000, dtype=jnp.int64)
    return {"ufeat": ufeat, "ifeat": ifeat, "edge_index": edge_index}


def reference(ufeat, ifeat, edge_index):
    # Faithful translation of BiDecoder.forward.
    # dropout_rate=0.0 -> dropout is identity (eval-equivalent).
    # The torch forward sets gene 'h'=ufeat (src), cell 'h'=ifeat (dst),
    # applies fn.u_dot_v('h','h','sr') and immediately returns graph.edata['sr']
    # (the early `return` inside the basis loop). sr[e] = <ufeat[src[e]], ifeat[dst[e]]>,
    # shape [E, 1]. Ps / W1 / W2 / combine_basis are never reached.
    src = edge_index[0]
    dst = edge_index[1]
    h_u = jnp.take(ufeat, src, axis=0)  # gather: [E, D]
    h_v = jnp.take(ifeat, dst, axis=0)  # gather: [E, D]
    sr = jnp.sum(h_u * h_v, axis=1, keepdims=True)  # u_dot_v -> [E, 1]
    return sr

if __name__ == "__main__":
    import jax
    _d = setup_inputs()
    print(jax.jit(kernel)(*tuple(_d.values())))

</pallas_src>

<mosaic_0001>
#map = affine_map<(d0, d1) -> (0, 0)>
#map1 = affine_map<(d0, d1) -> (0)>
module attributes {stable_mosaic.version = 14 : i64} {
  func.func @_dot_kernel(%arg0: i32, %arg1: i32, %arg2: memref<10000x128xbf16, #tpu.memory_space<hbm>>, %arg3: memref<10000x128xbf16, #tpu.memory_space<hbm>>, %arg4: memref<320000xi32, #tpu.memory_space<hbm>>, %arg5: memref<320000xi32, #tpu.memory_space<hbm>>, %arg6: memref<320000x32xbf16, #tpu.memory_space<hbm>>, %arg7: memref<10000xi32, #tpu.memory_space<vmem>>, %arg8: memref<10000xi32, #tpu.memory_space<vmem>>, %arg9: memref<80x128xbf16, #tpu.memory_space<vmem>>, %arg10: memref<80x128xbf16, #tpu.memory_space<vmem>>, %arg11: memref<80x128xbf16, #tpu.memory_space<vmem>>, %arg12: memref<80x128xbf16, #tpu.memory_space<vmem>>, %arg13: memref<80x32xbf16, #tpu.memory_space<vmem>>, %arg14: memref<80x32xbf16, #tpu.memory_space<vmem>>, %arg15: memref<!tpu.dma_semaphore, #tpu.memory_space<semaphore_mem>>, %arg16: memref<!tpu.dma_semaphore, #tpu.memory_space<semaphore_mem>>, %arg17: memref<!tpu.dma_semaphore, #tpu.memory_space<semaphore_mem>>, %arg18: memref<!tpu.dma_semaphore, #tpu.memory_space<semaphore_mem>>, %arg19: memref<!tpu.dma_semaphore, #tpu.memory_space<semaphore_mem>>, %arg20: memref<!tpu.dma_semaphore, #tpu.memory_space<semaphore_mem>>) attributes {dimension_semantics = [#tpu.dimension_semantics<core_parallel>, #tpu.dimension_semantics<subcore_parallel>], iteration_bounds = array<i64: 2, 16>, scalar_prefetch = 0 : i64, scratch_operands = 14 : i64, tpu.core_type = #tpu.core_type<sc_vector_subcore>, window_params = [{transform_indices = #map}, {transform_indices = #map}, {transform_indices = #map1}, {transform_indices = #map1}, {transform_indices = #map}]} {
    %mul3A = arith.constant 2 : i32
    %mul3A_0 = arith.muli %arg1, %mul3A : i32
    %add3A = arith.addi %mul3A_0, %arg0 : i32
    %mul3A_1 = arith.constant 10000 : i32
    %mul3A_2 = arith.muli %add3A, %mul3A_1 : i32
    "tpu.region"() ({
      %run_scoped3A = tpu.sem_alloc : memref<!tpu.dma_semaphore, #tpu.memory_space<semaphore_mem>>
      %dma_start3A_64 = tpu.memref_slice %arg4[%mul3A_2] : memref<320000xi32, #tpu.memory_space<hbm>> -> memref<10000xi32, #tpu.memory_space<hbm>>
      %dma_start3A_65 = tpu.memref_slice %arg4[%mul3A_2] : memref<320000xi32, #tpu.memory_space<hbm>> -> memref<10000xi32, #tpu.memory_space<hbm>>
      tpu.enqueue_dma source(%dma_start3A_65 : memref<10000xi32, #tpu.memory_space<hbm>>) target(%arg7 : memref<10000xi32, #tpu.memory_space<vmem>>) target_semaphore(%run_scoped3A : memref<!tpu.dma_semaphore, #tpu.memory_space<semaphore_mem>>)
      %dma_wait3A_66 = tpu.memref_slice %arg4[%mul3A_2] : memref<320000xi32, #tpu.memory_space<hbm>> -> memref<10000xi32, #tpu.memory_space<hbm>>
      %dma_wait3A_67 = tpu.memref_slice %arg4[%mul3A_2] : memref<320000xi32, #tpu.memory_space<hbm>> -> memref<10000xi32, #tpu.memory_space<hbm>>
      tpu.wait_dma2 semaphore(%run_scoped3A : memref<!tpu.dma_semaphore, #tpu.memory_space<semaphore_mem>>) src(%dma_wait3A_67 : memref<10000xi32, #tpu.memory_space<hbm>>) dst(%arg7 : memref<10000xi32, #tpu.memory_space<vmem>>)
      tpu.yield
    }) : () -> ()
    "tpu.region"() ({
      %run_scoped3A = tpu.sem_alloc : memref<!tpu.dma_semaphore, #tpu.memory_space<semaphore_mem>>
      %dma_start3A_64 = tpu.memref_slice %arg5[%mul3A_2] : memref<320000xi32, #tpu.memory_space<hbm>> -> memref<10000xi32, #tpu.memory_space<hbm>>
      %dma_start3A_65 = tpu.memref_slice %arg5[%mul3A_2] : memref<320000xi32, #tpu.memory_space<hbm>> -> memref<10000xi32, #tpu.memory_space<hbm>>
      tpu.enqueue_dma source(%dma_start3A_65 : memref<10000xi32, #tpu.memory_space<hbm>>) target(%arg8 : memref<10000xi32, #tpu.memory_space<vmem>>) target_semaphore(%run_scoped3A : memref<!tpu.dma_semaphore, #tpu.memory_space<semaphore_mem>>)
      %dma_wait3A_66 = tpu.memref_slice %arg5[%mul3A_2] : memref<320000xi32, #tpu.memory_space<hbm>> -> memref<10000xi32, #tpu.memory_space<hbm>>
      %dma_wait3A_67 = tpu.memref_slice %arg5[%mul3A_2] : memref<320000xi32, #tpu.memory_space<hbm>> -> memref<10000xi32, #tpu.memory_space<hbm>>
      tpu.wait_dma2 semaphore(%run_scoped3A : memref<!tpu.dma_semaphore, #tpu.memory_space<semaphore_mem>>) src(%dma_wait3A_67 : memref<10000xi32, #tpu.memory_space<hbm>>) dst(%arg8 : memref<10000xi32, #tpu.memory_space<vmem>>)
      tpu.yield
    }) : () -> ()
    %dma_start3A = arith.constant 0 : i32
    %dma_start3A_3 = tpu.memref_slice %arg7[%dma_start3A] : memref<10000xi32, #tpu.memory_space<vmem>> -> memref<80xi32, #tpu.memory_space<vmem>>
    %dma_start3A_4 = arith.constant 0 : i32
    %dma_start3A_5 = arith.constant 0 : i32
    %dma_start3A_6 = tpu.memref_slice %arg2[%dma_start3A_4, %dma_start3A_5] : memref<10000x128xbf16, #tpu.memory_space<hbm>> -> memref<10000x128xbf16, #tpu.memory_space<hbm>>
    tpu.enqueue_indirect_dma source(%dma_start3A_6 : memref<10000x128xbf16, #tpu.memory_space<hbm>>) target(%arg9 : memref<80x128xbf16, #tpu.memory_space<vmem>>) offsets(%dma_start3A_3 : memref<80xi32, #tpu.memory_space<vmem>>) semaphore(%arg15 : memref<!tpu.dma_semaphore, #tpu.memory_space<semaphore_mem>>)
    %dma_start3A_7 = arith.constant 0 : i32
    %dma_start3A_8 = tpu.memref_slice %arg8[%dma_start3A_7] : memref<10000xi32, #tpu.memory_space<vmem>> -> memref<80xi32, #tpu.memory_space<vmem>>
    %dma_start3A_9 = arith.constant 0 : i32
    %dma_start3A_10 = arith.constant 0 : i32
    %dma_start3A_11 = tpu.memref_slice %arg3[%dma_start3A_9, %dma_start3A_10] : memref<10000x128xbf16, #tpu.memory_space<hbm>> -> memref<10000x128xbf16, #tpu.memory_space<hbm>>
    tpu.enqueue_indirect_dma source(%dma_start3A_11 : memref<10000x128xbf16, #tpu.memory_space<hbm>>) target(%arg10 : memref<80x128xbf16, #tpu.memory_space<vmem>>) offsets(%dma_start3A_8 : memref<80xi32, #tpu.memory_space<vmem>>) semaphore(%arg16 : memref<!tpu.dma_semaphore, #tpu.memory_space<semaphore_mem>>)
    %dma_start3A_12 = arith.constant 80 : i32
    %dma_start3A_13 = tpu.memref_slice %arg7[%dma_start3A_12] : memref<10000xi32, #tpu.memory_space<vmem>> -> memref<80xi32, #tpu.memory_space<vmem>>
    %dma_start3A_14 = arith.constant 0 : i32
    %dma_start3A_15 = arith.constant 0 : i32
    %dma_start3A_16 = tpu.memref_slice %arg2[%dma_start3A_14, %dma_start3A_15] : memref<10000x128xbf16, #tpu.memory_space<hbm>> -> memref<10000x128xbf16, #tpu.memory_space<hbm>>
    tpu.enqueue_indirect_dma source(%dma_start3A_16 : memref<10000x128xbf16, #tpu.memory_space<hbm>>) target(%arg11 : memref<80x128xbf16, #tpu.memory_space<vmem>>) offsets(%dma_start3A_13 : memref<80xi32, #tpu.memory_space<vmem>>) semaphore(%arg17 : memref<!tpu.dma_semaphore, #tpu.memory_space<semaphore_mem>>)
    %dma_start3A_17 = arith.constant 80 : i32
    %dma_start3A_18 = tpu.memref_slice %arg8[%dma_start3A_17] : memref<10000xi32, #tpu.memory_space<vmem>> -> memref<80xi32, #tpu.memory_space<vmem>>
    %dma_start3A_19 = arith.constant 0 : i32
    %dma_start3A_20 = arith.constant 0 : i32
    %dma_start3A_21 = tpu.memref_slice %arg3[%dma_start3A_19, %dma_start3A_20] : memref<10000x128xbf16, #tpu.memory_space<hbm>> -> memref<10000x128xbf16, #tpu.memory_space<hbm>>
    tpu.enqueue_indirect_dma source(%dma_start3A_21 : memref<10000x128xbf16, #tpu.memory_space<hbm>>) target(%arg12 : memref<80x128xbf16, #tpu.memory_space<vmem>>) offsets(%dma_start3A_18 : memref<80xi32, #tpu.memory_space<vmem>>) semaphore(%arg18 : memref<!tpu.dma_semaphore, #tpu.memory_space<semaphore_mem>>)
    %scan3A = arith.constant 0 : i32
    %scan3A_22 = arith.constant 62 : i32
    %scan3A_23 = arith.addi %scan3A, %scan3A_22 : i32
    %scan3A_24 = arith.constant 1 : i32
    scf.for %scan3A_64 = %scan3A to %scan3A_23 step %scan3A_24  : i32 {
      %mul3A_65 = arith.constant 2 : i32
      %mul3A_66 = arith.muli %scan3A_64, %mul3A_65 : i32
      %add3A_67 = arith.constant 0 : i32
      %add3A_68 = arith.addi %add3A_67, %mul3A_66 : i32
      %add3A_69 = arith.constant 0 : i32
      %add3A_70 = arith.addi %add3A_68, %add3A_69 : i32
      %mul3A_71 = arith.constant 80 : i32
      %mul3A_72 = arith.muli %add3A_70, %mul3A_71 : i32
      %dma_wait3A_73 = tpu.memref_slice %arg7[%mul3A_72] : memref<10000xi32, #tpu.memory_space<vmem>> -> memref<80xi32, #tpu.memory_space<vmem>>
      %dma_wait3A_74 = arith.constant 0 : i32
      %dma_wait3A_75 = arith.constant 0 : i32
      %dma_wait3A_76 = tpu.memref_slice %arg2[%dma_wait3A_74, %dma_wait3A_75] : memref<10000x128xbf16, #tpu.memory_space<hbm>> -> memref<10000x128xbf16, #tpu.memory_space<hbm>>
      tpu.wait_indirect_dma semaphore(%arg15 : memref<!tpu.dma_semaphore, #tpu.memory_space<semaphore_mem>>) src(%dma_wait3A_76 : memref<10000x128xbf16, #tpu.memory_space<hbm>>) dst(%arg9 : memref<80x128xbf16, #tpu.memory_space<vmem>>)
      %mul3A_77 = arith.constant 80 : i32
      %mul3A_78 = arith.muli %add3A_70, %mul3A_77 : i32
      %dma_wait3A_79 = tpu.memref_slice %arg8[%mul3A_78] : memref<10000xi32, #tpu.memory_space<vmem>> -> memref<80xi32, #tpu.memory_space<vmem>>
      %dma_wait3A_80 = arith.constant 0 : i32
      %dma_wait3A_81 = arith.constant 0 : i32
      %dma_wait3A_82 = tpu.memref_slice %arg3[%dma_wait3A_80, %dma_wait3A_81] : memref<10000x128xbf16, #tpu.memory_space<hbm>> -> memref<10000x128xbf16, #tpu.memory_space<hbm>>
      tpu.wait_indirect_dma semaphore(%arg16 : memref<!tpu.dma_semaphore, #tpu.memory_space<semaphore_mem>>) src(%dma_wait3A_82 : memref<10000x128xbf16, #tpu.memory_space<hbm>>) dst(%arg10 : memref<80x128xbf16, #tpu.memory_space<vmem>>)
      %ge3A = arith.constant 2 : i32
      %ge3A_83 = arith.cmpi sge, %add3A_70, %ge3A : i32
      %convert_element_type3A = arith.extui %ge3A_83 : i1 to i32
      %cond3A = arith.constant 0 : i32
      %cond3A_84 = arith.cmpi ne, %convert_element_type3A, %cond3A : i32
      scf.if %cond3A_84 {
        %sub3A = arith.constant 2 : i32
        %sub3A_141 = arith.subi %add3A_70, %sub3A : i32
        %mul3A_142 = arith.constant 80 : i32
        %mul3A_143 = arith.muli %sub3A_141, %mul3A_142 : i32
        %add3A_144 = arith.addi %mul3A_2, %mul3A_143 : i32
        %dma_wait3A_145 = arith.constant 0 : i32
        %dma_wait3A_146 = tpu.memref_slice %arg6[%add3A_144, %dma_wait3A_145] : memref<320000x32xbf16, #tpu.memory_space<hbm>> -> memref<80x32xbf16, #tpu.memory_space<hbm>>
        %dma_wait3A_147 = arith.constant 0 : i32
        %dma_wait3A_148 = tpu.memref_slice %arg6[%add3A_144, %dma_wait3A_147] : memref<320000x32xbf16, #tpu.memory_space<hbm>> -> memref<80x32xbf16, #tpu.memory_space<hbm>>
        tpu.wait_dma2 semaphore(%arg19 : memref<!tpu.dma_semaphore, #tpu.memory_space<semaphore_mem>>) src(%arg13 : memref<80x32xbf16, #tpu.memory_space<vmem>>) dst(%dma_wait3A_148 : memref<80x32xbf16, #tpu.memory_space<hbm>>)
      } else {
      }
      %scan3A_85 = arith.constant 0 : i32
      %scan3A_86 = arith.constant 5 : i32
      %scan3A_87 = arith.addi %scan3A_85, %scan3A_86 : i32
      %scan3A_88 = arith.constant 1 : i32
      scf.for %scan3A_141 = %scan3A_85 to %scan3A_87 step %scan3A_88  : i32 {
        %mul3A_142 = arith.constant 1 : i32
        %mul3A_143 = arith.muli %scan3A_141, %mul3A_142 : i32
        %add3A_144 = arith.constant 0 : i32
        %add3A_145 = arith.addi %add3A_144, %mul3A_143 : i32
        %mul3A_146 = arith.constant 16 : i32
        %mul3A_147 = arith.muli %add3A_145, %mul3A_146 : i32
        %add3A_148 = arith.constant 0 : i32
        %add3A_149 = arith.addi %mul3A_147, %add3A_148 : i32
        %get3A = arith.index_cast %add3A_149 : i32 to index
        %get3A_150 = arith.constant 0 : index
        %get3A_151 = tpu.vector_load %arg9[%get3A, %get3A_150] {strides = array<i32>} : memref<80x128xbf16, #tpu.memory_space<vmem>>, vector<32xbf16>,
        %get3A_152 = arith.index_cast %add3A_149 : i32 to index
        %get3A_153 = arith.constant 0 : index
        %get3A_154 = tpu.vector_load %arg10[%get3A_152, %get3A_153] {strides = array<i32>} : memref<80x128xbf16, #tpu.memory_space<vmem>>, vector<32xbf16>,
        %mul3A_155 = arith.mulf %get3A_151, %get3A_154 : vector<32xbf16>
        %get3A_156 = arith.index_cast %add3A_149 : i32 to index
        %get3A_157 = arith.constant 32 : index
        %get3A_158 = tpu.vector_load %arg9[%get3A_156, %get3A_157] {strides = array<i32>} : memref<80x128xbf16, #tpu.memory_space<vmem>>, vector<32xbf16>,
        %get3A_159 = arith.index_cast %add3A_149 : i32 to index
        %get3A_160 = arith.constant 32 : index
        %get3A_161 = tpu.vector_load %arg10[%get3A_159, %get3A_160] {strides = array<i32>} : memref<80x128xbf16, #tpu.memory_space<vmem>>, vector<32xbf16>,
        %mul3A_162 = arith.mulf %get3A_158, %get3A_161 : vector<32xbf16>
        %get3A_163 = arith.index_cast %add3A_149 : i32 to index
        %get3A_164 = arith.constant 64 : index
        %get3A_165 = tpu.vector_load %arg9[%get3A_163, %get3A_164] {strides = array<i32>} : memref<80x128xbf16, #tpu.memory_space<vmem>>, vector<32xbf16>,
        %get3A_166 = arith.index_cast %add3A_149 : i32 to index
        %get3A_167 = arith.constant 64 : index
        %get3A_168 = tpu.vector_load %arg10[%get3A_166, %get3A_167] {strides = array<i32>} : memref<80x128xbf16, #tpu.memory_space<vmem>>, vector<32xbf16>,
        %mul3A_169 = arith.mulf %get3A_165, %get3A_168 : vector<32xbf16>
        %get3A_170 = arith.index_cast %add3A_149 : i32 to index
        %get3A_171 = arith.constant 96 : index
        %get3A_172 = tpu.vector_load %arg9[%get3A_170, %get3A_171] {strides = array<i32>} : memref<80x128xbf16, #tpu.memory_space<vmem>>, vector<32xbf16>,
        %get3A_173 = arith.index_cast %add3A_149 : i32 to index
        %get3A_174 = arith.constant 96 : index
        %get3A_175 = tpu.vector_load %arg10[%get3A_173, %get3A_174] {strides = array<i32>} : memref<80x128xbf16, #tpu.memory_space<vmem>>, vector<32xbf16>,
        %mul3A_176 = arith.mulf %get3A_172, %get3A_175 : vector<32xbf16>
        %add3A_177 = arith.addf %mul3A_155, %mul3A_162 : vector<32xbf16>
        %add3A_178 = arith.addf %mul3A_169, %mul3A_176 : vector<32xbf16>
        %add3A_179 = arith.addf %add3A_177, %add3A_178 : vector<32xbf16>
        %swap3A = arith.index_cast %add3A_149 : i32 to index
        %swap3A_180 = arith.constant 0 : index
        %swap3A_181 = tpu.vector_load %arg13[%swap3A, %swap3A_180] {strides = array<i32>} : memref<80x32xbf16, #tpu.memory_space<vmem>>, vector<32xbf16>,
        tpu.vector_store %arg13[%swap3A, %swap3A_180], %add3A_179 {strides = array<i32>} : memref<80x32xbf16, #tpu.memory_space<vmem>>, vector<32xbf16>,
        %mul3A_182 = arith.constant 16 : i32
        %mul3A_183 = arith.muli %add3A_145, %mul3A_182 : i32
        %add3A_184 = arith.constant 1 : i32
        %add3A_185 = arith.addi %mul3A_183, %add3A_184 : i32
        %get3A_186 = arith.index_cast %add3A_185 : i32 to index
        %get3A_187 = arith.constant 0 : index
        %get3A_188 = tpu.vector_load %arg9[%get3A_186, %get3A_187] {strides = array<i32>} : memref<80x128xbf16, #tpu.memory_space<vmem>>, vector<32xbf16>,
        %get3A_189 = arith.index_cast %add3A_185 : i32 to index
        %get3A_190 = arith.constant 0 : index
        %get3A_191 = tpu.vector_load %arg10[%get3A_189, %get3A_190] {strides = array<i32>} : memref<80x128xbf16, #tpu.memory_space<vmem>>, vector<32xbf16>,
        %mul3A_192 = arith.mulf %get3A_188, %get3A_191 : vector<32xbf16>
        %get3A_193 = arith.index_cast %add3A_185 : i32 to index
        %get3A_194 = arith.constant 32 : index
        %get3A_195 = tpu.vector_load %arg9[%get3A_193, %get3A_194] {strides = array<i32>} : memref<80x128xbf16, #tpu.memory_space<vmem>>, vector<32xbf16>,
        %get3A_196 = arith.index_cast %add3A_185 : i32 to index
        %get3A_197 = arith.constant 32 : index
        %get3A_198 = tpu.vector_load %arg10[%get3A_196, %get3A_197] {strides = array<i32>} : memref<80x128xbf16, #tpu.memory_space<vmem>>, vector<32xbf16>,
        %mul3A_199 = arith.mulf %get3A_195, %get3A_198 : vector<32xbf16>
        %get3A_200 = arith.index_cast %add3A_185 : i32 to index
        %get3A_201 = arith.constant 64 : index
        %get3A_202 = tpu.vector_load %arg9[%get3A_200, %get3A_201] {strides = array<i32>} : memref<80x128xbf16, #tpu.memory_space<vmem>>, vector<32xbf16>,
        %get3A_203 = arith.index_cast %add3A_185 : i32 to index
        %get3A_204 = arith.constant 64 : index
        %get3A_205 = tpu.vector_load %arg10[%get3A_203, %get3A_204] {strides = array<i32>} : memref<80x128xbf16, #tpu.memory_space<vmem>>, vector<32xbf16>,
        %mul3A_206 = arith.mulf %get3A_202, %get3A_205 : vector<32xbf16>
        %get3A_207 = arith.index_cast %add3A_185 : i32 to index
        %get3A_208 = arith.constant 96 : index
        %get3A_209 = tpu.vector_load %arg9[%get3A_207, %get3A_208] {strides = array<i32>} : memref<80x128xbf16, #tpu.memory_space<vmem>>, vector<32xbf16>,
        %get3A_210 = arith.index_cast %add3A_185 : i32 to index
        %get3A_211 = arith.constant 96 : index
        %get3A_212 = tpu.vector_load %arg10[%get3A_210, %get3A_211] {strides = array<i32>} : memref<80x128xbf16, #tpu.memory_space<vmem>>, vector<32xbf16>,
        %mul3A_213 = arith.mulf %get3A_209, %get3A_212 : vector<32xbf16>
        %add3A_214 = arith.addf %mul3A_192, %mul3A_199 : vector<32xbf16>
        %add3A_215 = arith.addf %mul3A_206, %mul3A_213 : vector<32xbf16>
        %add3A_216 = arith.addf %add3A_214, %add3A_215 : vector<32xbf16>
        %swap3A_217 = arith.index_cast %add3A_185 : i32 to index
        %swap3A_218 = arith.constant 0 : index
        %swap3A_219 = tpu.vector_load %arg13[%swap3A_217, %swap3A_218] {strides = array<i32>} : memref<80x32xbf16, #tpu.memory_space<vmem>>, vector<32xbf16>,
        tpu.vector_store %arg13[%swap3A_217, %swap3A_218], %add3A_216 {strides = array<i32>} : memref<80x32xbf16, #tpu.memory_space<vmem>>, vector<32xbf16>,
        %mul3A_220 = arith.constant 16 : i32
        %mul3A_221 = arith.muli %add3A_145, %mul3A_220 : i32
        %add3A_222 = arith.constant 2 : i32
        %add3A_223 = arith.addi %mul3A_221, %add3A_222 : i32
        %get3A_224 = arith.index_cast %add3A_223 : i32 to index
        %get3A_225 = arith.constant 0 : index
        %get3A_226 = tpu.vector_load %arg9[%get3A_224, %get3A_225] {strides = array<i32>} : memref<80x128xbf16, #tpu.memory_space<vmem>>, vector<32xbf16>,
        %get3A_227 = arith.index_cast %add3A_223 : i32 to index
        %get3A_228 = arith.constant 0 : index
        %get3A_229 = tpu.vector_load %arg10[%get3A_227, %get3A_228] {strides = array<i32>} : memref<80x128xbf16, #tpu.memory_space<vmem>>, vector<32xbf16>,
        %mul3A_230 = arith.mulf %get3A_226, %get3A_229 : vector<32xbf16>
        %get3A_231 = arith.index_cast %add3A_223 : i32 to index
        %get3A_232 = arith.constant 32 : index
        %get3A_233 = tpu.vector_load %arg9[%get3A_231, %get3A_232] {strides = array<i32>} : memref<80x128xbf16, #tpu.memory_space<vmem>>, vector<32xbf16>,
        %get3A_234 = arith.index_cast %add3A_223 : i32 to index
        %get3A_235 = arith.constant 32 : index
        %get3A_236 = tpu.vector_load %arg10[%get3A_234, %get3A_235] {strides = array<i32>} : memref<80x128xbf16, #tpu.memory_space<vmem>>, vector<32xbf16>,
        %mul3A_237 = arith.mulf %get3A_233, %get3A_236 : vector<32xbf16>
        %get3A_238 = arith.index_cast %add3A_223 : i32 to index
        %get3A_239 = arith.constant 64 : index
        %get3A_240 = tpu.vector_load %arg9[%get3A_238, %get3A_239] {strides = array<i32>} : memref<80x128xbf16, #tpu.memory_space<vmem>>, vector<32xbf16>,
        %get3A_241 = arith.index_cast %add3A_223 : i32 to index
        %get3A_242 = arith.constant 64 : index
        %get3A_243 = tpu.vector_load %arg10[%get3A_241, %get3A_242] {strides = array<i32>} : memref<80x128xbf16, #tpu.memory_space<vmem>>, vector<32xbf16>,
        %mul3A_244 = arith.mulf %get3A_240, %get3A_243 : vector<32xbf16>
        %get3A_245 = arith.index_cast %add3A_223 : i32 to index
        %get3A_246 = arith.constant 96 : index
        %get3A_247 = tpu.vector_load %arg9[%get3A_245, %get3A_246] {strides = array<i32>} : memref<80x128xbf16, #tpu.memory_space<vmem>>, vector<32xbf16>,
        %get3A_248 = arith.index_cast %add3A_223 : i32 to index
        %get3A_249 = arith.constant 96 : index
        %get3A_250 = tpu.vector_load %arg10[%get3A_248, %get3A_249] {strides = array<i32>} : memref<80x128xbf16, #tpu.memory_space<vmem>>, vector<32xbf16>,
        %mul3A_251 = arith.mulf %get3A_247, %get3A_250 : vector<32xbf16>
        %add3A_252 = arith.addf %mul3A_230, %mul3A_237 : vector<32xbf16>
        %add3A_253 = arith.addf %mul3A_244, %mul3A_251 : vector<32xbf16>
        %add3A_254 = arith.addf %add3A_252, %add3A_253 : vector<32xbf16>
        %swap3A_255 = arith.index_cast %add3A_223 : i32 to index
        %swap3A_256 = arith.constant 0 : index
        %swap3A_257 = tpu.vector_load %arg13[%swap3A_255, %swap3A_256] {strides = array<i32>} : memref<80x32xbf16, #tpu.memory_space<vmem>>, vector<32xbf16>,
        tpu.vector_store %arg13[%swap3A_255, %swap3A_256], %add3A_254 {strides = array<i32>} : memref<80x32xbf16, #tpu.memory_space<vmem>>, vector<32xbf16>,
        %mul3A_258 = arith.constant 16 : i32
        %mul3A_259 = arith.muli %add3A_145, %mul3A_258 : i32
        %add3A_260 = arith.constant 3 : i32
        %add3A_261 = arith.addi %mul3A_259, %add3A_260 : i32
        %get3A_262 = arith.index_cast %add3A_261 : i32 to index
        %get3A_263 = arith.constant 0 : index
        %get3A_264 = tpu.vector_load %arg9[%get3A_262, %get3A_263] {strides = array<i32>} : memref<80x128xbf16, #tpu.memory_space<vmem>>, vector<32xbf16>,
        %get3A_265 = arith.index_cast %add3A_261 : i32 to index
        %get3A_266 = arith.constant 0 : index
        %get3A_267 = tpu.vector_load %arg10[%get3A_265, %get3A_266] {strides = array<i32>} : memref<80x128xbf16, #tpu.memory_space<vmem>>, vector<32xbf16>,
        %mul3A_268 = arith.mulf %get3A_264, %get3A_267 : vector<32xbf16>
        %get3A_269 = arith.index_cast %add3A_261 : i32 to index
        %get3A_270 = arith.constant 32 : index
        %get3A_271 = tpu.vector_load %arg9[%get3A_269, %get3A_270] {strides = array<i32>} : memref<80x128xbf16, #tpu.memory_space<vmem>>, vector<32xbf16>,
        %get3A_272 = arith.index_cast %add3A_261 : i32 to index
        %get3A_273 = arith.constant 32 : index
        %get3A_274 = tpu.vector_load %arg10[%get3A_272, %get3A_273] {strides = array<i32>} : memref<80x128xbf16, #tpu.memory_space<vmem>>, vector<32xbf16>,
        %mul3A_275 = arith.mulf %get3A_271, %get3A_274 : vector<32xbf16>
        %get3A_276 = arith.index_cast %add3A_261 : i32 to index
        %get3A_277 = arith.constant 64 : index
        %get3A_278 = tpu.vector_load %arg9[%get3A_276, %get3A_277] {strides = array<i32>} : memref<80x128xbf16, #tpu.memory_space<vmem>>, vector<32xbf16>,
        %get3A_279 = arith.index_cast %add3A_261 : i32 to index
        %get3A_280 = arith.constant 64 : index
        %get3A_281 = tpu.vector_load %arg10[%get3A_279, %get3A_280] {strides = array<i32>} : memref<80x128xbf16, #tpu.memory_space<vmem>>, vector<32xbf16>,
        %mul3A_282 = arith.mulf %get3A_278, %get3A_281 : vector<32xbf16>
        %get3A_283 = arith.index_cast %add3A_261 : i32 to index
        %get3A_284 = arith.constant 96 : index
        %get3A_285 = tpu.vector_load %arg9[%get3A_283, %get3A_284] {strides = array<i32>} : memref<80x128xbf16, #tpu.memory_space<vmem>>, vector<32xbf16>,
        %get3A_286 = arith.index_cast %add3A_261 : i32 to index
        %get3A_287 = arith.constant 96 : index
        %get3A_288 = tpu.vector_load %arg10[%get3A_286, %get3A_287] {strides = array<i32>} : memref<80x128xbf16, #tpu.memory_space<vmem>>, vector<32xbf16>,
        %mul3A_289 = arith.mulf %get3A_285, %get3A_288 : vector<32xbf16>
        %add3A_290 = arith.addf %mul3A_268, %mul3A_275 : vector<32xbf16>
        %add3A_291 = arith.addf %mul3A_282, %mul3A_289 : vector<32xbf16>
        %add3A_292 = arith.addf %add3A_290, %add3A_291 : vector<32xbf16>
        %swap3A_293 = arith.index_cast %add3A_261 : i32 to index
        %swap3A_294 = arith.constant 0 : index
        %swap3A_295 = tpu.vector_load %arg13[%swap3A_293, %swap3A_294] {strides = array<i32>} : memref<80x32xbf16, #tpu.memory_space<vmem>>, vector<32xbf16>,
        tpu.vector_store %arg13[%swap3A_293, %swap3A_294], %add3A_292 {strides = array<i32>} : memref<80x32xbf16, #tpu.memory_space<vmem>>, vector<32xbf16>,
        %mul3A_296 = arith.constant 16 : i32
        %mul3A_297 = arith.muli %add3A_145, %mul3A_296 : i32
        %add3A_298 = arith.constant 4 : i32
        %add3A_299 = arith.addi %mul3A_297, %add3A_298 : i32
        %get3A_300 = arith.index_cast %add3A_299 : i32 to index
        %get3A_301 = arith.constant 0 : index
        %get3A_302 = tpu.vector_load %arg9[%get3A_300, %get3A_301] {strides = array<i32>} : memref<80x128xbf16, #tpu.memory_space<vmem>>, vector<32xbf16>,
        %get3A_303 = arith.index_cast %add3A_299 : i32 to index
        %get3A_304 = arith.constant 0 : index
        %get3A_305 = tpu.vector_load %arg10[%get3A_303, %get3A_304] {strides = array<i32>} : memref<80x128xbf16, #tpu.memory_space<vmem>>, vector<32xbf16>,
        %mul3A_306 = arith.mulf %get3A_302, %get3A_305 : vector<32xbf16>
        %get3A_307 = arith.index_cast %add3A_299 : i32 to index
        %get3A_308 = arith.constant 32 : index
        %get3A_309 = tpu.vector_load %arg9[%get3A_307, %get3A_308] {strides = array<i32>} : memref<80x128xbf16, #tpu.memory_space<vmem>>, vector<32xbf16>,
        %get3A_310 = arith.index_cast %add3A_299 : i32 to index
        %get3A_311 = arith.constant 32 : index
        %get3A_312 = tpu.vector_load %arg10[%get3A_310, %get3A_311] {strides = array<i32>} : memref<80x128xbf16, #tpu.memory_space<vmem>>, vector<32xbf16>,
        %mul3A_313 = arith.mulf %get3A_309, %get3A_312 : vector<32xbf16>
        %get3A_314 = arith.index_cast %add3A_299 : i32 to index
        %get3A_315 = arith.constant 64 : index
        %get3A_316 = tpu.vector_load %arg9[%get3A_314, %get3A_315] {strides = array<i32>} : memref<80x128xbf16, #tpu.memory_space<vmem>>, vector<32xbf16>,
        %get3A_317 = arith.index_cast %add3A_299 : i32 to index
        %get3A_318 = arith.constant 64 : index
        %get3A_319 = tpu.vector_load %arg10[%get3A_317, %get3A_318] {strides = array<i32>} : memref<80x128xbf16, #tpu.memory_space<vmem>>, vector<32xbf16>,
        %mul3A_320 = arith.mulf %get3A_316, %get3A_319 : vector<32xbf16>
        %get3A_321 = arith.index_cast %add3A_299 : i32 to index
        %get3A_322 = arith.constant 96 : index
        %get3A_323 = tpu.vector_load %arg9[%get3A_321, %get3A_322] {strides = array<i32>} : memref<80x128xbf16, #tpu.memory_space<vmem>>, vector<32xbf16>,
        %get3A_324 = arith.index_cast %add3A_299 : i32 to index
        %get3A_325 = arith.constant 96 : index
        %get3A_326 = tpu.vector_load %arg10[%get3A_324, %get3A_325] {strides = array<i32>} : memref<80x128xbf16, #tpu.memory_space<vmem>>, vector<32xbf16>,
        %mul3A_327 = arith.mulf %get3A_323, %get3A_326 : vector<32xbf16>
        %add3A_328 = arith.addf %mul3A_306, %mul3A_313 : vector<32xbf16>
        %add3A_329 = arith.addf %mul3A_320, %mul3A_327 : vector<32xbf16>
        %add3A_330 = arith.addf %add3A_328, %add3A_329 : vector<32xbf16>
        %swap3A_331 = arith.index_cast %add3A_299 : i32 to index
        %swap3A_332 = arith.constant 0 : index
        %swap3A_333 = tpu.vector_load %arg13[%swap3A_331, %swap3A_332] {strides = array<i32>} : memref<80x32xbf16, #tpu.memory_space<vmem>>, vector<32xbf16>,
        tpu.vector_store %arg13[%swap3A_331, %swap3A_332], %add3A_330 {strides = array<i32>} : memref<80x32xbf16, #tpu.memory_space<vmem>>, vector<32xbf16>,
        %mul3A_334 = arith.constant 16 : i32
        %mul3A_335 = arith.muli %add3A_145, %mul3A_334 : i32
        %add3A_336 = arith.constant 5 : i32
        %add3A_337 = arith.addi %mul3A_335, %add3A_336 : i32
        %get3A_338 = arith.index_cast %add3A_337 : i32 to index
        %get3A_339 = arith.constant 0 : index
        %get3A_340 = tpu.vector_load %arg9[%get3A_338, %get3A_339] {strides = array<i32>} : memref<80x128xbf16, #tpu.memory_space<vmem>>, vector<32xbf16>,
        %get3A_341 = arith.index_cast %add3A_337 : i32 to index
        %get3A_342 = arith.constant 0 : index
        %get3A_343 = tpu.vector_load %arg10[%get3A_341, %get3A_342] {strides = array<i32>} : memref<80x128xbf16, #tpu.memory_space<vmem>>, vector<32xbf16>,
        %mul3A_344 = arith.mulf %get3A_340, %get3A_343 : vector<32xbf16>
        %get3A_345 = arith.index_cast %add3A_337 : i32 to index
        %get3A_346 = arith.constant 32 : index
        %get3A_347 = tpu.vector_load %arg9[%get3A_345, %get3A_346] {strides = array<i32>} : memref<80x128xbf16, #tpu.memory_space<vmem>>, vector<32xbf16>,
        %get3A_348 = arith.index_cast %add3A_337 : i32 to index
        %get3A_349 = arith.constant 32 : index
        %get3A_350 = tpu.vector_load %arg10[%get3A_348, %get3A_349] {strides = array<i32>} : memref<80x128xbf16, #tpu.memory_space<vmem>>, vector<32xbf16>,
        %mul3A_351 = arith.mulf %get3A_347, %get3A_350 : vector<32xbf16>
        %get3A_352 = arith.index_cast %add3A_337 : i32 to index
        %get3A_353 = arith.constant 64 : index
        %get3A_354 = tpu.vector_load %arg9[%get3A_352, %get3A_353] {strides = array<i32>} : memref<80x128xbf16, #tpu.memory_space<vmem>>, vector<32xbf16>,
        %get3A_355 = arith.index_cast %add3A_337 : i32 to index
        %get3A_356 = arith.constant 64 : index
        %get3A_357 = tpu.vector_load %arg10[%get3A_355, %get3A_356] {strides = array<i32>} : memref<80x128xbf16, #tpu.memory_space<vmem>>, vector<32xbf16>,
        %mul3A_358 = arith.mulf %get3A_354, %get3A_357 : vector<32xbf16>
        %get3A_359 = arith.index_cast %add3A_337 : i32 to index
        %get3A_360 = arith.constant 96 : index
        %get3A_361 = tpu.vector_load %arg9[%get3A_359, %get3A_360] {strides = array<i32>} : memref<80x128xbf16, #tpu.memory_space<vmem>>, vector<32xbf16>,
        %get3A_362 = arith.index_cast %add3A_337 : i32 to index
        %get3A_363 = arith.constant 96 : index
        %get3A_364 = tpu.vector_load %arg10[%get3A_362, %get3A_363] {strides = array<i32>} : memref<80x128xbf16, #tpu.memory_space<vmem>>, vector<32xbf16>,
        %mul3A_365 = arith.mulf %get3A_361, %get3A_364 : vector<32xbf16>
        %add3A_366 = arith.addf %mul3A_344, %mul3A_351 : vector<32xbf16>
        %add3A_367 = arith.addf %mul3A_358, %mul3A_365 : vector<32xbf16>
        %add3A_368 = arith.addf %add3A_366, %add3A_367 : vector<32xbf16>
        %swap3A_369 = arith.index_cast %add3A_337 : i32 to index
        %swap3A_370 = arith.constant 0 : index
        %swap3A_371 = tpu.vector_load %arg13[%swap3A_369, %swap3A_370] {strides = array<i32>} : memref<80x32xbf16, #tpu.memory_space<vmem>>, vector<32xbf16>,
        tpu.vector_store %arg13[%swap3A_369, %swap3A_370], %add3A_368 {strides = array<i32>} : memref<80x32xbf16, #tpu.memory_space<vmem>>, vector<32xbf16>,
        %mul3A_372 = arith.constant 16 : i32
        %mul3A_373 = arith.muli %add3A_145, %mul3A_372 : i32
        %add3A_374 = arith.constant 6 : i32
        %add3A_375 = arith.addi %mul3A_373, %add3A_374 : i32
        %get3A_376 = arith.index_cast %add3A_375 : i32 to index
        %get3A_377 = arith.constant 0 : index
        %get3A_378 = tpu.vector_load %arg9[%get3A_376, %get3A_377] {strides = array<i32>} : memref<80x128xbf16, #tpu.memory_space<vmem>>, vector<32xbf16>,
        %get3A_379 = arith.index_cast %add3A_375 : i32 to index
        %get3A_380 = arith.constant 0 : index
        %get3A_381 = tpu.vector_load %arg10[%get3A_379, %get3A_380] {strides = array<i32>} : memref<80x128xbf16, #tpu.memory_space<vmem>>, vector<32xbf16>,
        %mul3A_382 = arith.mulf %get3A_378, %get3A_381 : vector<32xbf16>
        %get3A_383 = arith.index_cast %add3A_375 : i32 to index
        %get3A_384 = arith.constant 32 : index
        %get3A_385 = tpu.vector_load %arg9[%get3A_383, %get3A_384] {strides = array<i32>} : memref<80x128xbf16, #tpu.memory_space<vmem>>, vector<32xbf16>,
        %get3A_386 = arith.index_cast %add3A_375 : i32 to index
        %get3A_387 = arith.constant 32 : index
        %get3A_388 = tpu.vector_load %arg10[%get3A_386, %get3A_387] {strides = array<i32>} : memref<80x128xbf16, #tpu.memory_space<vmem>>, vector<32xbf16>,
        %mul3A_389 = arith.mulf %get3A_385, %get3A_388 : vector<32xbf16>
        %get3A_390 = arith.index_cast %add3A_375 : i32 to index
        %get3A_391 = arith.constant 64 : index
        %get3A_392 = tpu.vector_load %arg9[%get3A_390, %get3A_391] {strides = array<i32>} : memref<80x128xbf16, #tpu.memory_space<vmem>>, vector<32xbf16>,
        %get3A_393 = arith.index_cast %add3A_375 : i32 to index
        %get3A_394 = arith.constant 64 : index
        %get3A_395 = tpu.vector_load %arg10[%get3A_393, %get3A_394] {strides = array<i32>} : memref<80x128xbf16, #tpu.memory_space<vmem>>, vector<32xbf16>,
        %mul3A_396 = arith.mulf %get3A_392, %get3A_395 : vector<32xbf16>
        %get3A_397 = arith.index_cast %add3A_375 : i32 to index
        %get3A_398 = arith.constant 96 : index
        %get3A_399 = tpu.vector_load %arg9[%get3A_397, %get3A_398] {strides = array<i32>} : memref<80x128xbf16, #tpu.memory_space<vmem>>, vector<32xbf16>,
        %get3A_400 = arith.index_cast %add3A_375 : i32 to index
        %get3A_401 = arith.constant 96 : index
        %get3A_402 = tpu.vector_load %arg10[%get3A_400, %get3A_401] {strides = array<i32>} : memref<80x128xbf16, #tpu.memory_space<vmem>>, vector<32xbf16>,
        %mul3A_403 = arith.mulf %get3A_399, %get3A_402 : vector<32xbf16>
        %add3A_404 = arith.addf %mul3A_382, %mul3A_389 : vector<32xbf16>
        %add3A_405 = arith.addf %mul3A_396, %mul3A_403 : vector<32xbf16>
        %add3A_406 = arith.addf %add3A_404, %add3A_405 : vector<32xbf16>
        %swap3A_407 = arith.index_cast %add3A_375 : i32 to index
        %swap3A_408 = arith.constant 0 : index
        %swap3A_409 = tpu.vector_load %arg13[%swap3A_407, %swap3A_408] {strides = array<i32>} : memref<80x32xbf16, #tpu.memory_space<vmem>>, vector<32xbf16>,
        tpu.vector_store %arg13[%swap3A_407, %swap3A_408], %add3A_406 {strides = array<i32>} : memref<80x32xbf16, #tpu.memory_space<vmem>>, vector<32xbf16>,
        %mul3A_410 = arith.constant 16 : i32
        %mul3A_411 = arith.muli %add3A_145, %mul3A_410 : i32
        %add3A_412 = arith.constant 7 : i32
        %add3A_413 = arith.addi %mul3A_411, %add3A_412 : i32
        %get3A_414 = arith.index_cast %add3A_413 : i32 to index
        %get3A_415 = arith.constant 0 : index
        %get3A_416 = tpu.vector_load %arg9[%get3A_414, %get3A_415] {strides = array<i32>} : memref<80x128xbf16, #tpu.memory_space<vmem>>, vector<32xbf16>,
        %get3A_417 = arith.index_cast %add3A_413 : i32 to index
        %get3A_418 = arith.constant 0 : index
        %get3A_419 = tpu.vector_load %arg10[%get3A_417, %get3A_418] {strides = array<i32>} : memref<80x128xbf16, #tpu.memory_space<vmem>>, vector<32xbf16>,
        %mul3A_420 = arith.mulf %get3A_416, %get3A_419 : vector<32xbf16>
        %get3A_421 = arith.index_cast %add3A_413 : i32 to index
        %get3A_422 = arith.constant 32 : index
        %get3A_423 = tpu.vector_load %arg9[%get3A_421, %get3A_422] {strides = array<i32>} : memref<80x128xbf16, #tpu.memory_space<vmem>>, vector<32xbf16>,
        %get3A_424 = arith.index_cast %add3A_413 : i32 to index
        %get3A_425 = arith.constant 32 : index
        %get3A_426 = tpu.vector_load %arg10[%get3A_424, %get3A_425] {strides = array<i32>} : memref<80x128xbf16, #tpu.memory_space<vmem>>, vector<32xbf16>,
        %mul3A_427 = arith.mulf %get3A_423, %get3A_426 : vector<32xbf16>
        %get3A_428 = arith.index_cast %add3A_413 : i32 to index
        %get3A_429 = arith.constant 64 : index
        %get3A_430 = tpu.vector_load %arg9[%get3A_428, %get3A_429] {strides = array<i32>} : memref<80x128xbf16, #tpu.memory_space<vmem>>, vector<32xbf16>,
        %get3A_431 = arith.index_cast %add3A_413 : i32 to index
        %get3A_432 = arith.constant 64 : index
        %get3A_433 = tpu.vector_load %arg10[%get3A_431, %get3A_432] {strides = array<i32>} : memref<80x128xbf16, #tpu.memory_space<vmem>>, vector<32xbf16>,
        %mul3A_434 = arith.mulf %get3A_430, %get3A_433 : vector<32xbf16>
        %get3A_435 = arith.index_cast %add3A_413 : i32 to index
        %get3A_436 = arith.constant 96 : index
        %get3A_437 = tpu.vector_load %arg9[%get3A_435, %get3A_436] {strides = array<i32>} : memref<80x128xbf16, #tpu.memory_space<vmem>>, vector<32xbf16>,
        %get3A_438 = arith.index_cast %add3A_413 : i32 to index
        %get3A_439 = arith.constant 96 : index
        %get3A_440 = tpu.vector_load %arg10[%get3A_438, %get3A_439] {strides = array<i32>} : memref<80x128xbf16, #tpu.memory_space<vmem>>, vector<32xbf16>,
        %mul3A_441 = arith.mulf %get3A_437, %get3A_440 : vector<32xbf16>
        %add3A_442 = arith.addf %mul3A_420, %mul3A_427 : vector<32xbf16>
        %add3A_443 = arith.addf %mul3A_434, %mul3A_441 : vector<32xbf16>
        %add3A_444 = arith.addf %add3A_442, %add3A_443 : vector<32xbf16>
        %swap3A_445 = arith.index_cast %add3A_413 : i32 to index
        %swap3A_446 = arith.constant 0 : index
        %swap3A_447 = tpu.vector_load %arg13[%swap3A_445, %swap3A_446] {strides = array<i32>} : memref<80x32xbf16, #tpu.memory_space<vmem>>, vector<32xbf16>,
        tpu.vector_store %arg13[%swap3A_445, %swap3A_446], %add3A_444 {strides = array<i32>} : memref<80x32xbf16, #tpu.memory_space<vmem>>, vector<32xbf16>,
        %mul3A_448 = arith.constant 16 : i32
        %mul3A_449 = arith.muli %add3A_145, %mul3A_448 : i32
        %add3A_450 = arith.constant 8 : i32
        %add3A_451 = arith.addi %mul3A_449, %add3A_450 : i32
        %get3A_452 = arith.index_cast %add3A_451 : i32 to index
        %get3A_453 = arith.constant 0 : index
        %get3A_454 = tpu.vector_load %arg9[%get3A_452, %get3A_453] {strides = array<i32>} : memref<80x128xbf16, #tpu.memory_space<vmem>>, vector<32xbf16>,
        %get3A_455 = arith.index_cast %add3A_451 : i32 to index
        %get3A_456 = arith.constant 0 : index
        %get3A_457 = tpu.vector_load %arg10[%get3A_455, %get3A_456] {strides = array<i32>} : memref<80x128xbf16, #tpu.memory_space<vmem>>, vector<32xbf16>,
        %mul3A_458 = arith.mulf %get3A_454, %get3A_457 : vector<32xbf16>
        %get3A_459 = arith.index_cast %add3A_451 : i32 to index
        %get3A_460 = arith.constant 32 : index
        %get3A_461 = tpu.vector_load %arg9[%get3A_459, %get3A_460] {strides = array<i32>} : memref<80x128xbf16, #tpu.memory_space<vmem>>, vector<32xbf16>,
        %get3A_462 = arith.index_cast %add3A_451 : i32 to index
        %get3A_463 = arith.constant 32 : index
        %get3A_464 = tpu.vector_load %arg10[%get3A_462, %get3A_463] {strides = array<i32>} : memref<80x128xbf16, #tpu.memory_space<vmem>>, vector<32xbf16>,
        %mul3A_465 = arith.mulf %get3A_461, %get3A_464 : vector<32xbf16>
        %get3A_466 = arith.index_cast %add3A_451 : i32 to index
        %get3A_467 = arith.constant 64 : index
        %get3A_468 = tpu.vector_load %arg9[%get3A_466, %get3A_467] {strides = array<i32>} : memref<80x128xbf16, #tpu.memory_space<vmem>>, vector<32xbf16>,
        %get3A_469 = arith.index_cast %add3A_451 : i32 to index
        %get3A_470 = arith.constant 64 : index
        %get3A_471 = tpu.vector_load %arg10[%get3A_469, %get3A_470] {strides = array<i32>} : memref<80x128xbf16, #tpu.memory_space<vmem>>, vector<32xbf16>,
        %mul3A_472 = arith.mulf %get3A_468, %get3A_471 : vector<32xbf16>
        %get3A_473 = arith.index_cast %add3A_451 : i32 to index
        %get3A_474 = arith.constant 96 : index
        %get3A_475 = tpu.vector_load %arg9[%get3A_473, %get3A_474] {strides = array<i32>} : memref<80x128xbf16, #tpu.memory_space<vmem>>, vector<32xbf16>,
        %get3A_476 = arith.index_cast %add3A_451 : i32 to index
        %get3A_477 = arith.constant 96 : index
        %get3A_478 = tpu.vector_load %arg10[%get3A_476, %get3A_477] {strides = array<i32>} : memref<80x128xbf16, #tpu.memory_space<vmem>>, vector<32xbf16>,
        %mul3A_479 = arith.mulf %get3A_475, %get3A_478 : vector<32xbf16>
        %add3A_480 = arith.addf %mul3A_458, %mul3A_465 : vector<32xbf16>
        %add3A_481 = arith.addf %mul3A_472, %mul3A_479 : vector<32xbf16>
        %add3A_482 = arith.addf %add3A_480, %add3A_481 : vector<32xbf16>
        %swap3A_483 = arith.index_cast %add3A_451 : i32 to index
        %swap3A_484 = arith.constant 0 : index
        %swap3A_485 = tpu.vector_load %arg13[%swap3A_483, %swap3A_484] {strides = array<i32>} : memref<80x32xbf16, #tpu.memory_space<vmem>>, vector<32xbf16>,
        tpu.vector_store %arg13[%swap3A_483, %swap3A_484], %add3A_482 {strides = array<i32>} : memref<80x32xbf16, #tpu.memory_space<vmem>>, vector<32xbf16>,
        %mul3A_486 = arith.constant 16 : i32
        %mul3A_487 = arith.muli %add3A_145, %mul3A_486 : i32
        %add3A_488 = arith.constant 9 : i32
        %add3A_489 = arith.addi %mul3A_487, %add3A_488 : i32
        %get3A_490 = arith.index_cast %add3A_489 : i32 to index
        %get3A_491 = arith.constant 0 : index
        %get3A_492 = tpu.vector_load %arg9[%get3A_490, %get3A_491] {strides = array<i32>} : memref<80x128xbf16, #tpu.memory_space<vmem>>, vector<32xbf16>,
        %get3A_493 = arith.index_cast %add3A_489 : i32 to index
        %get3A_494 = arith.constant 0 : index
        %get3A_495 = tpu.vector_load %arg10[%get3A_493, %get3A_494] {strides = array<i32>} : memref<80x128xbf16, #tpu.memory_space<vmem>>, vector<32xbf16>,
        %mul3A_496 = arith.mulf %get3A_492, %get3A_495 : vector<32xbf16>
        %get3A_497 = arith.index_cast %add3A_489 : i32 to index
        %get3A_498 = arith.constant 32 : index
        %get3A_499 = tpu.vector_load %arg9[%get3A_497, %get3A_498] {strides = array<i32>} : memref<80x128xbf16, #tpu.memory_space<vmem>>, vector<32xbf16>,
        %get3A_500 = arith.index_cast %add3A_489 : i32 to index
        %get3A_501 = arith.constant 32 : index
        %get3A_502 = tpu.vector_load %arg10[%get3A_500, %get3A_501] {strides = array<i32>} : memref<80x128xbf16, #tpu.memory_space<vmem>>, vector<32xbf16>,
        %mul3A_503 = arith.mulf %get3A_499, %get3A_502 : vector<32xbf16>
        %get3A_504 = arith.index_cast %add3A_489 : i32 to index
        %get3A_505 = arith.constant 64 : index
        %get3A_506 = tpu.vector_load %arg9[%get3A_504, %get3A_505] {strides = array<i32>} : memref<80x128xbf16, #tpu.memory_space<vmem>>, vector<32xbf16>,
        %get3A_507 = arith.index_cast %add3A_489 : i32 to index
        %get3A_508 = arith.constant 64 : index
        %get3A_509 = tpu.vector_load %arg10[%get3A_507, %get3A_508] {strides = array<i32>} : memref<80x128xbf16, #tpu.memory_space<vmem>>, vector<32xbf16>,
        %mul3A_510 = arith.mulf %get3A_506, %get3A_509 : vector<32xbf16>
        %get3A_511 = arith.index_cast %add3A_489 : i32 to index
        %get3A_512 = arith.constant 96 : index
        %get3A_513 = tpu.vector_load %arg9[%get3A_511, %get3A_512] {strides = array<i32>} : memref<80x128xbf16, #tpu.memory_space<vmem>>, vector<32xbf16>,
        %get3A_514 = arith.index_cast %add3A_489 : i32 to index
        %get3A_515 = arith.constant 96 : index
        %get3A_516 = tpu.vector_load %arg10[%get3A_514, %get3A_515] {strides = array<i32>} : memref<80x128xbf16, #tpu.memory_space<vmem>>, vector<32xbf16>,
        %mul3A_517 = arith.mulf %get3A_513, %get3A_516 : vector<32xbf16>
        %add3A_518 = arith.addf %mul3A_496, %mul3A_503 : vector<32xbf16>
        %add3A_519 = arith.addf %mul3A_510, %mul3A_517 : vector<32xbf16>
        %add3A_520 = arith.addf %add3A_518, %add3A_519 : vector<32xbf16>
        %swap3A_521 = arith.index_cast %add3A_489 : i32 to index
        %swap3A_522 = arith.constant 0 : index
        %swap3A_523 = tpu.vector_load %arg13[%swap3A_521, %swap3A_522] {strides = array<i32>} : memref<80x32xbf16, #tpu.memory_space<vmem>>, vector<32xbf16>,
        tpu.vector_store %arg13[%swap3A_521, %swap3A_522], %add3A_520 {strides = array<i32>} : memref<80x32xbf16, #tpu.memory_space<vmem>>, vector<32xbf16>,
        %mul3A_524 = arith.constant 16 : i32
        %mul3A_525 = arith.muli %add3A_145, %mul3A_524 : i32
        %add3A_526 = arith.constant 10 : i32
        %add3A_527 = arith.addi %mul3A_525, %add3A_526 : i32
        %get3A_528 = arith.index_cast %add3A_527 : i32 to index
        %get3A_529 = arith.constant 0 : index
        %get3A_530 = tpu.vector_load %arg9[%get3A_528, %get3A_529] {strides = array<i32>} : memref<80x128xbf16, #tpu.memory_space<vmem>>, vector<32xbf16>,
        %get3A_531 = arith.index_cast %add3A_527 : i32 to index
        %get3A_532 = arith.constant 0 : index
        %get3A_533 = tpu.vector_load %arg10[%get3A_531, %get3A_532] {strides = array<i32>} : memref<80x128xbf16, #tpu.memory_space<vmem>>, vector<32xbf16>,
        %mul3A_534 = arith.mulf %get3A_530, %get3A_533 : vector<32xbf16>
        %get3A_535 = arith.index_cast %add3A_527 : i32 to index
        %get3A_536 = arith.constant 32 : index
        %get3A_537 = tpu.vector_load %arg9[%get3A_535, %get3A_536] {strides = array<i32>} : memref<80x128xbf16, #tpu.memory_space<vmem>>, vector<32xbf16>,
        %get3A_538 = arith.index_cast %add3A_527 : i32 to index
        %get3A_539 = arith.constant 32 : index
        %get3A_540 = tpu.vector_load %arg10[%get3A_538, %get3A_539] {strides = array<i32>} : memref<80x128xbf16, #tpu.memory_space<vmem>>, vector<32xbf16>,
        %mul3A_541 = arith.mulf %get3A_537, %get3A_540 : vector<32xbf16>
        %get3A_542 = arith.index_cast %add3A_527 : i32 to index
        %get3A_543 = arith.constant 64 : index
        %get3A_544 = tpu.vector_load %arg9[%get3A_542, %get3A_543] {strides = array<i32>} : memref<80x128xbf16, #tpu.memory_space<vmem>>, vector<32xbf16>,
        %get3A_545 = arith.index_cast %add3A_527 : i32 to index
        %get3A_546 = arith.constant 64 : index
        %get3A_547 = tpu.vector_load %arg10[%get3A_545, %get3A_546] {strides = array<i32>} : memref<80x128xbf16, #tpu.memory_space<vmem>>, vector<32xbf16>,
        %mul3A_548 = arith.mulf %get3A_544, %get3A_547 : vector<32xbf16>
        %get3A_549 = arith.index_cast %add3A_527 : i32 to index
        %get3A_550 = arith.constant 96 : index
        %get3A_551 = tpu.vector_load %arg9[%get3A_549, %get3A_550] {strides = array<i32>} : memref<80x128xbf16, #tpu.memory_space<vmem>>, vector<32xbf16>,
        %get3A_552 = arith.index_cast %add3A_527 : i32 to index
        %get3A_553 = arith.constant 96 : index
        %get3A_554 = tpu.vector_load %arg10[%get3A_552, %get3A_553] {strides = array<i32>} : memref<80x128xbf16, #tpu.memory_space<vmem>>, vector<32xbf16>,
        %mul3A_555 = arith.mulf %get3A_551, %get3A_554 : vector<32xbf16>
        %add3A_556 = arith.addf %mul3A_534, %mul3A_541 : vector<32xbf16>
        %add3A_557 = arith.addf %mul3A_548, %mul3A_555 : vector<32xbf16>
        %add3A_558 = arith.addf %add3A_556, %add3A_557 : vector<32xbf16>
        %swap3A_559 = arith.index_cast %add3A_527 : i32 to index
        %swap3A_560 = arith.constant 0 : index
        %swap3A_561 = tpu.vector_load %arg13[%swap3A_559, %swap3A_560] {strides = array<i32>} : memref<80x32xbf16, #tpu.memory_space<vmem>>, vector<32xbf16>,
        tpu.vector_store %arg13[%swap3A_559, %swap3A_560], %add3A_558 {strides = array<i32>} : memref<80x32xbf16, #tpu.memory_space<vmem>>, vector<32xbf16>,
        %mul3A_562 = arith.constant 16 : i32
        %mul3A_563 = arith.muli %add3A_145, %mul3A_562 : i32
        %add3A_564 = arith.constant 11 : i32
        %add3A_565 = arith.addi %mul3A_563, %add3A_564 : i32
        %get3A_566 = arith.index_cast %add3A_565 : i32 to index
        %get3A_567 = arith.constant 0 : index
        %get3A_568 = tpu.vector_load %arg9[%get3A_566, %get3A_567] {strides = array<i32>} : memref<80x128xbf16, #tpu.memory_space<vmem>>, vector<32xbf16>,
        %get3A_569 = arith.index_cast %add3A_565 : i32 to index
        %get3A_570 = arith.constant 0 : index
        %get3A_571 = tpu.vector_load %arg10[%get3A_569, %get3A_570] {strides = array<i32>} : memref<80x128xbf16, #tpu.memory_space<vmem>>, vector<32xbf16>,
        %mul3A_572 = arith.mulf %get3A_568, %get3A_571 : vector<32xbf16>
        %get3A_573 = arith.index_cast %add3A_565 : i32 to index
        %get3A_574 = arith.constant 32 : index
        %get3A_575 = tpu.vector_load %arg9[%get3A_573, %get3A_574] {strides = array<i32>} : memref<80x128xbf16, #tpu.memory_space<vmem>>, vector<32xbf16>,
        %get3A_576 = arith.index_cast %add3A_565 : i32 to index
        %get3A_577 = arith.constant 32 : index
        %get3A_578 = tpu.vector_load %arg10[%get3A_576, %get3A_577] {strides = array<i32>} : memref<80x128xbf16, #tpu.memory_space<vmem>>, vector<32xbf16>,
        %mul3A_579 = arith.mulf %get3A_575, %get3A_578 : vector<32xbf16>
        %get3A_580 = arith.index_cast %add3A_565 : i32 to index
        %get3A_581 = arith.constant 64 : index
        %get3A_582 = tpu.vector_load %arg9[%get3A_580, %get3A_581] {strides = array<i32>} : memref<80x128xbf16, #tpu.memory_space<vmem>>, vector<32xbf16>,
        %get3A_583 = arith.index_cast %add3A_565 : i32 to index
        %get3A_584 = arith.constant 64 : index
        %get3A_585 = tpu.vector_load %arg10[%get3A_583, %get3A_584] {strides = array<i32>} : memref<80x128xbf16, #tpu.memory_space<vmem>>, vector<32xbf16>,
        %mul3A_586 = arith.mulf %get3A_582, %get3A_585 : vector<32xbf16>
        %get3A_587 = arith.index_cast %add3A_565 : i32 to index
        %get3A_588 = arith.constant 96 : index
        %get3A_589 = tpu.vector_load %arg9[%get3A_587, %get3A_588] {strides = array<i32>} : memref<80x128xbf16, #tpu.memory_space<vmem>>, vector<32xbf16>,
        %get3A_590 = arith.index_cast %add3A_565 : i32 to index
        %get3A_591 = arith.constant 96 : index
        %get3A_592 = tpu.vector_load %arg10[%get3A_590, %get3A_591] {strides = array<i32>} : memref<80x128xbf16, #tpu.memory_space<vmem>>, vector<32xbf16>,
        %mul3A_593 = arith.mulf %get3A_589, %get3A_592 : vector<32xbf16>
        %add3A_594 = arith.addf %mul3A_572, %mul3A_579 : vector<32xbf16>
        %add3A_595 = arith.addf %mul3A_586, %mul3A_593 : vector<32xbf16>
        %add3A_596 = arith.addf %add3A_594, %add3A_595 : vector<32xbf16>
        %swap3A_597 = arith.index_cast %add3A_565 : i32 to index
        %swap3A_598 = arith.constant 0 : index
        %swap3A_599 = tpu.vector_load %arg13[%swap3A_597, %swap3A_598] {strides = array<i32>} : memref<80x32xbf16, #tpu.memory_space<vmem>>, vector<32xbf16>,
        tpu.vector_store %arg13[%swap3A_597, %swap3A_598], %add3A_596 {strides = array<i32>} : memref<80x32xbf16, #tpu.memory_space<vmem>>, vector<32xbf16>,
        %mul3A_600 = arith.constant 16 : i32
        %mul3A_601 = arith.muli %add3A_145, %mul3A_600 : i32
        %add3A_602 = arith.constant 12 : i32
        %add3A_603 = arith.addi %mul3A_601, %add3A_602 : i32
        %get3A_604 = arith.index_cast %add3A_603 : i32 to index
        %get3A_605 = arith.constant 0 : index
        %get3A_606 = tpu.vector_load %arg9[%get3A_604, %get3A_605] {strides = array<i32>} : memref<80x128xbf16, #tpu.memory_space<vmem>>, vector<32xbf16>,
        %get3A_607 = arith.index_cast %add3A_603 : i32 to index
        %get3A_608 = arith.constant 0 : index
        %get3A_609 = tpu.vector_load %arg10[%get3A_607, %get3A_608] {strides = array<i32>} : memref<80x128xbf16, #tpu.memory_space<vmem>>, vector<32xbf16>,
        %mul3A_610 = arith.mulf %get3A_606, %get3A_609 : vector<32xbf16>
        %get3A_611 = arith.index_cast %add3A_603 : i32 to index
        %get3A_612 = arith.constant 32 : index
        %get3A_613 = tpu.vector_load %arg9[%get3A_611, %get3A_612] {strides = array<i32>} : memref<80x128xbf16, #tpu.memory_space<vmem>>, vector<32xbf16>,
        %get3A_614 = arith.index_cast %add3A_603 : i32 to index
        %get3A_615 = arith.constant 32 : index
        %get3A_616 = tpu.vector_load %arg10[%get3A_614, %get3A_615] {strides = array<i32>} : memref<80x128xbf16, #tpu.memory_space<vmem>>, vector<32xbf16>,
        %mul3A_617 = arith.mulf %get3A_613, %get3A_616 : vector<32xbf16>
        %get3A_618 = arith.index_cast %add3A_603 : i32 to index
        %get3A_619 = arith.constant 64 : index
        %get3A_620 = tpu.vector_load %arg9[%get3A_618, %get3A_619] {strides = array<i32>} : memref<80x128xbf16, #tpu.memory_space<vmem>>, vector<32xbf16>,
        %get3A_621 = arith.index_cast %add3A_603 : i32 to index
        %get3A_622 = arith.constant 64 : index
        %get3A_623 = tpu.vector_load %arg10[%get3A_621, %get3A_622] {strides = array<i32>} : memref<80x128xbf16, #tpu.memory_space<vmem>>, vector<32xbf16>,
        %mul3A_624 = arith.mulf %get3A_620, %get3A_623 : vector<32xbf16>
        %get3A_625 = arith.index_cast %add3A_603 : i32 to index
        %get3A_626 = arith.constant 96 : index
        %get3A_627 = tpu.vector_load %arg9[%get3A_625, %get3A_626] {strides = array<i32>} : memref<80x128xbf16, #tpu.memory_space<vmem>>, vector<32xbf16>,
        %get3A_628 = arith.index_cast %add3A_603 : i32 to index
        %get3A_629 = arith.constant 96 : index
        %get3A_630 = tpu.vector_load %arg10[%get3A_628, %get3A_629] {strides = array<i32>} : memref<80x128xbf16, #tpu.memory_space<vmem>>, vector<32xbf16>,
        %mul3A_631 = arith.mulf %get3A_627, %get3A_630 : vector<32xbf16>
        %add3A_632 = arith.addf %mul3A_610, %mul3A_617 : vector<32xbf16>
        %add3A_633 = arith.addf %mul3A_624, %mul3A_631 : vector<32xbf16>
        %add3A_634 = arith.addf %add3A_632, %add3A_633 : vector<32xbf16>
        %swap3A_635 = arith.index_cast %add3A_603 : i32 to index
        %swap3A_636 = arith.constant 0 : index
        %swap3A_637 = tpu.vector_load %arg13[%swap3A_635, %swap3A_636] {strides = array<i32>} : memref<80x32xbf16, #tpu.memory_space<vmem>>, vector<32xbf16>,
        tpu.vector_store %arg13[%swap3A_635, %swap3A_636], %add3A_634 {strides = array<i32>} : memref<80x32xbf16, #tpu.memory_space<vmem>>, vector<32xbf16>,
        %mul3A_638 = arith.constant 16 : i32
        %mul3A_639 = arith.muli %add3A_145, %mul3A_638 : i32
        %add3A_640 = arith.constant 13 : i32
        %add3A_641 = arith.addi %mul3A_639, %add3A_640 : i32
        %get3A_642 = arith.index_cast %add3A_641 : i32 to index
        %get3A_643 = arith.constant 0 : index
        %get3A_644 = tpu.vector_load %arg9[%get3A_642, %get3A_643] {strides = array<i32>} : memref<80x128xbf16, #tpu.memory_space<vmem>>, vector<32xbf16>,
        %get3A_645 = arith.index_cast %add3A_641 : i32 to index
        %get3A_646 = arith.constant 0 : index
        %get3A_647 = tpu.vector_load %arg10[%get3A_645, %get3A_646] {strides = array<i32>} : memref<80x128xbf16, #tpu.memory_space<vmem>>, vector<32xbf16>,
        %mul3A_648 = arith.mulf %get3A_644, %get3A_647 : vector<32xbf16>
        %get3A_649 = arith.index_cast %add3A_641 : i32 to index
        %get3A_650 = arith.constant 32 : index
        %get3A_651 = tpu.vector_load %arg9[%get3A_649, %get3A_650] {strides = array<i32>} : memref<80x128xbf16, #tpu.memory_space<vmem>>, vector<32xbf16>,
        %get3A_652 = arith.index_cast %add3A_641 : i32 to index
        %get3A_653 = arith.constant 32 : index
        %get3A_654 = tpu.vector_load %arg10[%get3A_652, %get3A_653] {strides = array<i32>} : memref<80x128xbf16, #tpu.memory_space<vmem>>, vector<32xbf16>,
        %mul3A_655 = arith.mulf %get3A_651, %get3A_654 : vector<32xbf16>
        %get3A_656 = arith.index_cast %add3A_641 : i32 to index
        %get3A_657 = arith.constant 64 : index
        %get3A_658 = tpu.vector_load %arg9[%get3A_656, %get3A_657] {strides = array<i32>} : memref<80x128xbf16, #tpu.memory_space<vmem>>, vector<32xbf16>,
        %get3A_659 = arith.index_cast %add3A_641 : i32 to index
        %get3A_660 = arith.constant 64 : index
        %get3A_661 = tpu.vector_load %arg10[%get3A_659, %get3A_660] {strides = array<i32>} : memref<80x128xbf16, #tpu.memory_space<vmem>>, vector<32xbf16>,
        %mul3A_662 = arith.mulf %get3A_658, %get3A_661 : vector<32xbf16>
        %get3A_663 = arith.index_cast %add3A_641 : i32 to index
        %get3A_664 = arith.constant 96 : index
        %get3A_665 = tpu.vector_load %arg9[%get3A_663, %get3A_664] {strides = array<i32>} : memref<80x128xbf16, #tpu.memory_space<vmem>>, vector<32xbf16>,
        %get3A_666 = arith.index_cast %add3A_641 : i32 to index
        %get3A_667 = arith.constant 96 : index
        %get3A_668 = tpu.vector_load %arg10[%get3A_666, %get3A_667] {strides = array<i32>} : memref<80x128xbf16, #tpu.memory_space<vmem>>, vector<32xbf16>,
        %mul3A_669 = arith.mulf %get3A_665, %get3A_668 : vector<32xbf16>
        %add3A_670 = arith.addf %mul3A_648, %mul3A_655 : vector<32xbf16>
        %add3A_671 = arith.addf %mul3A_662, %mul3A_669 : vector<32xbf16>
        %add3A_672 = arith.addf %add3A_670, %add3A_671 : vector<32xbf16>
        %swap3A_673 = arith.index_cast %add3A_641 : i32 to index
        %swap3A_674 = arith.constant 0 : index
        %swap3A_675 = tpu.vector_load %arg13[%swap3A_673, %swap3A_674] {strides = array<i32>} : memref<80x32xbf16, #tpu.memory_space<vmem>>, vector<32xbf16>,
        tpu.vector_store %arg13[%swap3A_673, %swap3A_674], %add3A_672 {strides = array<i32>} : memref<80x32xbf16, #tpu.memory_space<vmem>>, vector<32xbf16>,
        %mul3A_676 = arith.constant 16 : i32
        %mul3A_677 = arith.muli %add3A_145, %mul3A_676 : i32
        %add3A_678 = arith.constant 14 : i32
        %add3A_679 = arith.addi %mul3A_677, %add3A_678 : i32
        %get3A_680 = arith.index_cast %add3A_679 : i32 to index
        %get3A_681 = arith.constant 0 : index
        %get3A_682 = tpu.vector_load %arg9[%get3A_680, %get3A_681] {strides = array<i32>} : memref<80x128xbf16, #tpu.memory_space<vmem>>, vector<32xbf16>,
        %get3A_683 = arith.index_cast %add3A_679 : i32 to index
        %get3A_684 = arith.constant 0 : index
        %get3A_685 = tpu.vector_load %arg10[%get3A_683, %get3A_684] {strides = array<i32>} : memref<80x128xbf16, #tpu.memory_space<vmem>>, vector<32xbf16>,
        %mul3A_686 = arith.mulf %get3A_682, %get3A_685 : vector<32xbf16>
        %get3A_687 = arith.index_cast %add3A_679 : i32 to index
        %get3A_688 = arith.constant 32 : index
        %get3A_689 = tpu.vector_load %arg9[%get3A_687, %get3A_688] {strides = array<i32>} : memref<80x128xbf16, #tpu.memory_space<vmem>>, vector<32xbf16>,
        %get3A_690 = arith.index_cast %add3A_679 : i32 to index
        %get3A_691 = arith.constant 32 : index
        %get3A_692 = tpu.vector_load %arg10[%get3A_690, %get3A_691] {strides = array<i32>} : memref<80x128xbf16, #tpu.memory_space<vmem>>, vector<32xbf16>,
        %mul3A_693 = arith.mulf %get3A_689, %get3A_692 : vector<32xbf16>
        %get3A_694 = arith.index_cast %add3A_679 : i32 to index
        %get3A_695 = arith.constant 64 : index
        %get3A_696 = tpu.vector_load %arg9[%get3A_694, %get3A_695] {strides = array<i32>} : memref<80x128xbf16, #tpu.memory_space<vmem>>, vector<32xbf16>,
        %get3A_697 = arith.index_cast %add3A_679 : i32 to index
        %get3A_698 = arith.constant 64 : index
        %get3A_699 = tpu.vector_load %arg10[%get3A_697, %get3A_698] {strides = array<i32>} : memref<80x128xbf16, #tpu.memory_space<vmem>>, vector<32xbf16>,
        %mul3A_700 = arith.mulf %get3A_696, %get3A_699 : vector<32xbf16>
        %get3A_701 = arith.index_cast %add3A_679 : i32 to index
        %get3A_702 = arith.constant 96 : index
        %get3A_703 = tpu.vector_load %arg9[%get3A_701, %get3A_702] {strides = array<i32>} : memref<80x128xbf16, #tpu.memory_space<vmem>>, vector<32xbf16>,
        %get3A_704 = arith.index_cast %add3A_679 : i32 to index
        %get3A_705 = arith.constant 96 : index
        %get3A_706 = tpu.vector_load %arg10[%get3A_704, %get3A_705] {strides = array<i32>} : memref<80x128xbf16, #tpu.memory_space<vmem>>, vector<32xbf16>,
        %mul3A_707 = arith.mulf %get3A_703, %get3A_706 : vector<32xbf16>
        %add3A_708 = arith.addf %mul3A_686, %mul3A_693 : vector<32xbf16>
        %add3A_709 = arith.addf %mul3A_700, %mul3A_707 : vector<32xbf16>
        %add3A_710 = arith.addf %add3A_708, %add3A_709 : vector<32xbf16>
        %swap3A_711 = arith.index_cast %add3A_679 : i32 to index
        %swap3A_712 = arith.constant 0 : index
        %swap3A_713 = tpu.vector_load %arg13[%swap3A_711, %swap3A_712] {strides = array<i32>} : memref<80x32xbf16, #tpu.memory_space<vmem>>, vector<32xbf16>,
        tpu.vector_store %arg13[%swap3A_711, %swap3A_712], %add3A_710 {strides = array<i32>} : memref<80x32xbf16, #tpu.memory_space<vmem>>, vector<32xbf16>,
        %mul3A_714 = arith.constant 16 : i32
        %mul3A_715 = arith.muli %add3A_145, %mul3A_714 : i32
        %add3A_716 = arith.constant 15 : i32
        %add3A_717 = arith.addi %mul3A_715, %add3A_716 : i32
        %get3A_718 = arith.index_cast %add3A_717 : i32 to index
        %get3A_719 = arith.constant 0 : index
        %get3A_720 = tpu.vector_load %arg9[%get3A_718, %get3A_719] {strides = array<i32>} : memref<80x128xbf16, #tpu.memory_space<vmem>>, vector<32xbf16>,
        %get3A_721 = arith.index_cast %add3A_717 : i32 to index
        %get3A_722 = arith.constant 0 : index
        %get3A_723 = tpu.vector_load %arg10[%get3A_721, %get3A_722] {strides = array<i32>} : memref<80x128xbf16, #tpu.memory_space<vmem>>, vector<32xbf16>,
        %mul3A_724 = arith.mulf %get3A_720, %get3A_723 : vector<32xbf16>
        %get3A_725 = arith.index_cast %add3A_717 : i32 to index
        %get3A_726 = arith.constant 32 : index
        %get3A_727 = tpu.vector_load %arg9[%get3A_725, %get3A_726] {strides = array<i32>} : memref<80x128xbf16, #tpu.memory_space<vmem>>, vector<32xbf16>,
        %get3A_728 = arith.index_cast %add3A_717 : i32 to index
        %get3A_729 = arith.constant 32 : index
        %get3A_730 = tpu.vector_load %arg10[%get3A_728, %get3A_729] {strides = array<i32>} : memref<80x128xbf16, #tpu.memory_space<vmem>>, vector<32xbf16>,
        %mul3A_731 = arith.mulf %get3A_727, %get3A_730 : vector<32xbf16>
        %get3A_732 = arith.index_cast %add3A_717 : i32 to index
        %get3A_733 = arith.constant 64 : index
        %get3A_734 = tpu.vector_load %arg9[%get3A_732, %get3A_733] {strides = array<i32>} : memref<80x128xbf16, #tpu.memory_space<vmem>>, vector<32xbf16>,
        %get3A_735 = arith.index_cast %add3A_717 : i32 to index
        %get3A_736 = arith.constant 64 : index
        %get3A_737 = tpu.vector_load %arg10[%get3A_735, %get3A_736] {strides = array<i32>} : memref<80x128xbf16, #tpu.memory_space<vmem>>, vector<32xbf16>,
        %mul3A_738 = arith.mulf %get3A_734, %get3A_737 : vector<32xbf16>
        %get3A_739 = arith.index_cast %add3A_717 : i32 to index
        %get3A_740 = arith.constant 96 : index
        %get3A_741 = tpu.vector_load %arg9[%get3A_739, %get3A_740] {strides = array<i32>} : memref<80x128xbf16, #tpu.memory_space<vmem>>, vector<32xbf16>,
        %get3A_742 = arith.index_cast %add3A_717 : i32 to index
        %get3A_743 = arith.constant 96 : index
        %get3A_744 = tpu.vector_load %arg10[%get3A_742, %get3A_743] {strides = array<i32>} : memref<80x128xbf16, #tpu.memory_space<vmem>>, vector<32xbf16>,
        %mul3A_745 = arith.mulf %get3A_741, %get3A_744 : vector<32xbf16>
        %add3A_746 = arith.addf %mul3A_724, %mul3A_731 : vector<32xbf16>
        %add3A_747 = arith.addf %mul3A_738, %mul3A_745 : vector<32xbf16>
        %add3A_748 = arith.addf %add3A_746, %add3A_747 : vector<32xbf16>
        %swap3A_749 = arith.index_cast %add3A_717 : i32 to index
        %swap3A_750 = arith.constant 0 : index
        %swap3A_751 = tpu.vector_load %arg13[%swap3A_749, %swap3A_750] {strides = array<i32>} : memref<80x32xbf16, #tpu.memory_space<vmem>>, vector<32xbf16>,
        tpu.vector_store %arg13[%swap3A_749, %swap3A_750], %add3A_748 {strides = array<i32>} : memref<80x32xbf16, #tpu.memory_space<vmem>>, vector<32xbf16>,
      }
      %scan3A_89 = arith.constant 5 : i32
      %mul3A_90 = arith.constant 80 : i32
      %mul3A_91 = arith.muli %add3A_70, %mul3A_90 : i32
      %add3A_92 = arith.addi %mul3A_2, %mul3A_91 : i32
      %dma_start3A_93 = arith.constant 0 : i32
      %dma_start3A_94 = tpu.memref_slice %arg6[%add3A_92, %dma_start3A_93] : memref<320000x32xbf16, #tpu.memory_space<hbm>> -> memref<80x32xbf16, #tpu.memory_space<hbm>>
      %dma_start3A_95 = arith.constant 0 : i32
      %dma_start3A_96 = tpu.memref_slice %arg6[%add3A_92, %dma_start3A_95] : memref<320000x32xbf16, #tpu.memory_space<hbm>> -> memref<80x32xbf16, #tpu.memory_space<hbm>>
      tpu.enqueue_dma source(%arg13 : memref<80x32xbf16, #tpu.memory_space<vmem>>) target(%dma_start3A_96 : memref<80x32xbf16, #tpu.memory_space<hbm>>) target_semaphore(%arg19 : memref<!tpu.dma_semaphore, #tpu.memory_space<semaphore_mem>>)
      %add3A_97 = arith.constant 2 : i32
      %add3A_98 = arith.addi %add3A_70, %add3A_97 : i32
      %lt3A = arith.constant 125 : i32
      %lt3A_99 = arith.cmpi slt, %add3A_98, %lt3A : i32
      %convert_element_type3A_100 = arith.extui %lt3A_99 : i1 to i32
      %cond3A_101 = arith.constant 0 : i32
      %cond3A_102 = arith.cmpi ne, %convert_element_type3A_100, %cond3A_101 : i32
      scf.if %cond3A_102 {
        %mul3A_141 = arith.constant 80 : i32
        %mul3A_142 = arith.muli %add3A_98, %mul3A_141 : i32
        %dma_start3A_143 = tpu.memref_slice %arg7[%mul3A_142] : memref<10000xi32, #tpu.memory_space<vmem>> -> memref<80xi32, #tpu.memory_space<vmem>>
        %dma_start3A_144 = arith.constant 0 : i32
        %dma_start3A_145 = arith.constant 0 : i32
        %dma_start3A_146 = tpu.memref_slice %arg2[%dma_start3A_144, %dma_start3A_145] : memref<10000x128xbf16, #tpu.memory_space<hbm>> -> memref<10000x128xbf16, #tpu.memory_space<hbm>>
        tpu.enqueue_indirect_dma source(%dma_start3A_146 : memref<10000x128xbf16, #tpu.memory_space<hbm>>) target(%arg9 : memref<80x128xbf16, #tpu.memory_space<vmem>>) offsets(%dma_start3A_143 : memref<80xi32, #tpu.memory_space<vmem>>) semaphore(%arg15 : memref<!tpu.dma_semaphore, #tpu.memory_space<semaphore_mem>>)
        %mul3A_147 = arith.constant 80 : i32
        %mul3A_148 = arith.muli %add3A_98, %mul3A_147 : i32
        %dma_start3A_149 = tpu.memref_slice %arg8[%mul3A_148] : memref<10000xi32, #tpu.memory_space<vmem>> -> memref<80xi32, #tpu.memory_space<vmem>>
        %dma_start3A_150 = arith.constant 0 : i32
        %dma_start3A_151 = arith.constant 0 : i32
        %dma_start3A_152 = tpu.memref_slice %arg3[%dma_start3A_150, %dma_start3A_151] : memref<10000x128xbf16, #tpu.memory_space<hbm>> -> memref<10000x128xbf16, #tpu.memory_space<hbm>>
        tpu.enqueue_indirect_dma source(%dma_start3A_152 : memref<10000x128xbf16, #tpu.memory_space<hbm>>) target(%arg10 : memref<80x128xbf16, #tpu.memory_space<vmem>>) offsets(%dma_start3A_149 : memref<80xi32, #tpu.memory_space<vmem>>) semaphore(%arg16 : memref<!tpu.dma_semaphore, #tpu.memory_space<semaphore_mem>>)
      } else {
      }
      %add3A_103 = arith.constant 1 : i32
      %add3A_104 = arith.addi %add3A_68, %add3A_103 : i32
      %mul3A_105 = arith.constant 80 : i32
      %mul3A_106 = arith.muli %add3A_104, %mul3A_105 : i32
      %dma_wait3A_107 = tpu.memref_slice %arg7[%mul3A_106] : memref<10000xi32, #tpu.memory_space<vmem>> -> memref<80xi32, #tpu.memory_space<vmem>>
      %dma_wait3A_108 = arith.constant 0 : i32
      %dma_wait3A_109 = arith.constant 0 : i32
      %dma_wait3A_110 = tpu.memref_slice %arg2[%dma_wait3A_108, %dma_wait3A_109] : memref<10000x128xbf16, #tpu.memory_space<hbm>> -> memref<10000x128xbf16, #tpu.memory_space<hbm>>
      tpu.wait_indirect_dma semaphore(%arg17 : memref<!tpu.dma_semaphore, #tpu.memory_space<semaphore_mem>>) src(%dma_wait3A_110 : memref<10000x128xbf16, #tpu.memory_space<hbm>>) dst(%arg11 : memref<80x128xbf16, #tpu.memory_space<vmem>>)
      %mul3A_111 = arith.constant 80 : i32
      %mul3A_112 = arith.muli %add3A_104, %mul3A_111 : i32
      %dma_wait3A_113 = tpu.memref_slice %arg8[%mul3A_112] : memref<10000xi32, #tpu.memory_space<vmem>> -> memref<80xi32, #tpu.memory_space<vmem>>
      %dma_wait3A_114 = arith.constant 0 : i32
      %dma_wait3A_115 = arith.constant 0 : i32
      %dma_wait3A_116 = tpu.memref_slice %arg3[%dma_wait3A_114, %dma_wait3A_115] : memref<10000x128xbf16, #tpu.memory_space<hbm>> -> memref<10000x128xbf16, #tpu.memory_space<hbm>>
      tpu.wait_indirect_dma semaphore(%arg18 : memref<!tpu.dma_semaphore, #tpu.memory_space<semaphore_mem>>) src(%dma_wait3A_116 : memref<10000x128xbf16, #tpu.memory_space<hbm>>) dst(%arg12 : memref<80x128xbf16, #tpu.memory_space<vmem>>)
      %ge3A_117 = arith.constant 2 : i32
      %ge3A_118 = arith.cmpi sge, %add3A_104, %ge3A_117 : i32
      %convert_element_type3A_119 = arith.extui %ge3A_118 : i1 to i32
      %cond3A_120 = arith.constant 0 : i32
      %cond3A_121 = arith.cmpi ne, %convert_element_type3A_119, %cond3A_120 : i32
      scf.if %cond3A_121 {
        %sub3A = arith.constant 2 : i32
        %sub3A_141 = arith.subi %add3A_104, %sub3A : i32
        %mul3A_142 = arith.constant 80 : i32
        %mul3A_143 = arith.muli %sub3A_141, %mul3A_142 : i32
        %add3A_144 = arith.addi %mul3A_2, %mul3A_143 : i32
        %dma_wait3A_145 = arith.constant 0 : i32
        %dma_wait3A_146 = tpu.memref_slice %arg6[%add3A_144, %dma_wait3A_145] : memref<320000x32xbf16, #tpu.memory_space<hbm>> -> memref<80x32xbf16, #tpu.memory_space<hbm>>
        %dma_wait3A_147 = arith.constant 0 : i32
        %dma_wait3A_148 = tpu.memref_slice %arg6[%add3A_144, %dma_wait3A_147] : memref<320000x32xbf16, #tpu.memory_space<hbm>> -> memref<80x32xbf16, #tpu.memory_space<hbm>>
        tpu.wait_dma2 semaphore(%arg20 : memref<!tpu.dma_semaphore, #tpu.memory_space<semaphore_mem>>) src(%arg14 : memref<80x32xbf16, #tpu.memory_space<vmem>>) dst(%dma_wait3A_148 : memref<80x32xbf16, #tpu.memory_space<hbm>>)
      } else {
      }
      %scan3A_122 = arith.constant 0 : i32
      %scan3A_123 = arith.constant 5 : i32
      %scan3A_124 = arith.addi %scan3A_122, %scan3A_123 : i32
      %scan3A_125 = arith.constant 1 : i32
      scf.for %scan3A_141 = %scan3A_122 to %scan3A_124 step %scan3A_125  : i32 {
        %mul3A_142 = arith.constant 1 : i32
        %mul3A_143 = arith.muli %scan3A_141, %mul3A_142 : i32
        %add3A_144 = arith.constant 0 : i32
        %add3A_145 = arith.addi %add3A_144, %mul3A_143 : i32
        %mul3A_146 = arith.constant 16 : i32
        %mul3A_147 = arith.muli %add3A_145, %mul3A_146 : i32
        %add3A_148 = arith.constant 0 : i32
        %add3A_149 = arith.addi %mul3A_147, %add3A_148 : i32
        %get3A = arith.index_cast %add3A_149 : i32 to index
        %get3A_150 = arith.constant 0 : index
        %get3A_151 = tpu.vector_load %arg11[%get3A, %get3A_150] {strides = array<i32>} : memref<80x128xbf16, #tpu.memory_space<vmem>>, vector<32xbf16>,
        %get3A_152 = arith.index_cast %add3A_149 : i32 to index
        %get3A_153 = arith.constant 0 : index
        %get3A_154 = tpu.vector_load %arg12[%get3A_152, %get3A_153] {strides = array<i32>} : memref<80x128xbf16, #tpu.memory_space<vmem>>, vector<32xbf16>,
        %mul3A_155 = arith.mulf %get3A_151, %get3A_154 : vector<32xbf16>
        %get3A_156 = arith.index_cast %add3A_149 : i32 to index
        %get3A_157 = arith.constant 32 : index
        %get3A_158 = tpu.vector_load %arg11[%get3A_156, %get3A_157] {strides = array<i32>} : memref<80x128xbf16, #tpu.memory_space<vmem>>, vector<32xbf16>,
        %get3A_159 = arith.index_cast %add3A_149 : i32 to index
        %get3A_160 = arith.constant 32 : index
        %get3A_161 = tpu.vector_load %arg12[%get3A_159, %get3A_160] {strides = array<i32>} : memref<80x128xbf16, #tpu.memory_space<vmem>>, vector<32xbf16>,
        %mul3A_162 = arith.mulf %get3A_158, %get3A_161 : vector<32xbf16>
        %get3A_163 = arith.index_cast %add3A_149 : i32 to index
        %get3A_164 = arith.constant 64 : index
        %get3A_165 = tpu.vector_load %arg11[%get3A_163, %get3A_164] {strides = array<i32>} : memref<80x128xbf16, #tpu.memory_space<vmem>>, vector<32xbf16>,
        %get3A_166 = arith.index_cast %add3A_149 : i32 to index
        %get3A_167 = arith.constant 64 : index
        %get3A_168 = tpu.vector_load %arg12[%get3A_166, %get3A_167] {strides = array<i32>} : memref<80x128xbf16, #tpu.memory_space<vmem>>, vector<32xbf16>,
        %mul3A_169 = arith.mulf %get3A_165, %get3A_168 : vector<32xbf16>
        %get3A_170 = arith.index_cast %add3A_149 : i32 to index
        %get3A_171 = arith.constant 96 : index
        %get3A_172 = tpu.vector_load %arg11[%get3A_170, %get3A_171] {strides = array<i32>} : memref<80x128xbf16, #tpu.memory_space<vmem>>, vector<32xbf16>,
        %get3A_173 = arith.index_cast %add3A_149 : i32 to index
        %get3A_174 = arith.constant 96 : index
        %get3A_175 = tpu.vector_load %arg12[%get3A_173, %get3A_174] {strides = array<i32>} : memref<80x128xbf16, #tpu.memory_space<vmem>>, vector<32xbf16>,
        %mul3A_176 = arith.mulf %get3A_172, %get3A_175 : vector<32xbf16>
        %add3A_177 = arith.addf %mul3A_155, %mul3A_162 : vector<32xbf16>
        %add3A_178 = arith.addf %mul3A_169, %mul3A_176 : vector<32xbf16>
        %add3A_179 = arith.addf %add3A_177, %add3A_178 : vector<32xbf16>
        %swap3A = arith.index_cast %add3A_149 : i32 to index
        %swap3A_180 = arith.constant 0 : index
        %swap3A_181 = tpu.vector_load %arg14[%swap3A, %swap3A_180] {strides = array<i32>} : memref<80x32xbf16, #tpu.memory_space<vmem>>, vector<32xbf16>,
        tpu.vector_store %arg14[%swap3A, %swap3A_180], %add3A_179 {strides = array<i32>} : memref<80x32xbf16, #tpu.memory_space<vmem>>, vector<32xbf16>,
        %mul3A_182 = arith.constant 16 : i32
        %mul3A_183 = arith.muli %add3A_145, %mul3A_182 : i32
        %add3A_184 = arith.constant 1 : i32
        %add3A_185 = arith.addi %mul3A_183, %add3A_184 : i32
        %get3A_186 = arith.index_cast %add3A_185 : i32 to index
        %get3A_187 = arith.constant 0 : index
        %get3A_188 = tpu.vector_load %arg11[%get3A_186, %get3A_187] {strides = array<i32>} : memref<80x128xbf16, #tpu.memory_space<vmem>>, vector<32xbf16>,
        %get3A_189 = arith.index_cast %add3A_185 : i32 to index
        %get3A_190 = arith.constant 0 : index
        %get3A_191 = tpu.vector_load %arg12[%get3A_189, %get3A_190] {strides = array<i32>} : memref<80x128xbf16, #tpu.memory_space<vmem>>, vector<32xbf16>,
        %mul3A_192 = arith.mulf %get3A_188, %get3A_191 : vector<32xbf16>
        %get3A_193 = arith.index_cast %add3A_185 : i32 to index
        %get3A_194 = arith.constant 32 : index
        %get3A_195 = tpu.vector_load %arg11[%get3A_193, %get3A_194] {strides = array<i32>} : memref<80x128xbf16, #tpu.memory_space<vmem>>, vector<32xbf16>,
        %get3A_196 = arith.index_cast %add3A_185 : i32 to index
        %get3A_197 = arith.constant 32 : index
        %get3A_198 = tpu.vector_load %arg12[%get3A_196, %get3A_197] {strides = array<i32>} : memref<80x128xbf16, #tpu.memory_space<vmem>>, vector<32xbf16>,
        %mul3A_199 = arith.mulf %get3A_195, %get3A_198 : vector<32xbf16>
        %get3A_200 = arith.index_cast %add3A_185 : i32 to index
        %get3A_201 = arith.constant 64 : index
        %get3A_202 = tpu.vector_load %arg11[%get3A_200, %get3A_201] {strides = array<i32>} : memref<80x128xbf16, #tpu.memory_space<vmem>>, vector<32xbf16>,
        %get3A_203 = arith.index_cast %add3A_185 : i32 to index
        %get3A_204 = arith.constant 64 : index
        %get3A_205 = tpu.vector_load %arg12[%get3A_203, %get3A_204] {strides = array<i32>} : memref<80x128xbf16, #tpu.memory_space<vmem>>, vector<32xbf16>,
        %mul3A_206 = arith.mulf %get3A_202, %get3A_205 : vector<32xbf16>
        %get3A_207 = arith.index_cast %add3A_185 : i32 to index
        %get3A_208 = arith.constant 96 : index
        %get3A_209 = tpu.vector_load %arg11[%get3A_207, %get3A_208] {strides = array<i32>} : memref<80x128xbf16, #tpu.memory_space<vmem>>, vector<32xbf16>,
        %get3A_210 = arith.index_cast %add3A_185 : i32 to index
        %get3A_211 = arith.constant 96 : index
        %get3A_212 = tpu.vector_load %arg12[%get3A_210, %get3A_211] {strides = array<i32>} : memref<80x128xbf16, #tpu.memory_space<vmem>>, vector<32xbf16>,
        %mul3A_213 = arith.mulf %get3A_209, %get3A_212 : vector<32xbf16>
        %add3A_214 = arith.addf %mul3A_192, %mul3A_199 : vector<32xbf16>
        %add3A_215 = arith.addf %mul3A_206, %mul3A_213 : vector<32xbf16>
        %add3A_216 = arith.addf %add3A_214, %add3A_215 : vector<32xbf16>
        %swap3A_217 = arith.index_cast %add3A_185 : i32 to index
        %swap3A_218 = arith.constant 0 : index
        %swap3A_219 = tpu.vector_load %arg14[%swap3A_217, %swap3A_218] {strides = array<i32>} : memref<80x32xbf16, #tpu.memory_space<vmem>>, vector<32xbf16>,
        tpu.vector_store %arg14[%swap3A_217, %swap3A_218], %add3A_216 {strides = array<i32>} : memref<80x32xbf16, #tpu.memory_space<vmem>>, vector<32xbf16>,
        %mul3A_220 = arith.constant 16 : i32
        %mul3A_221 = arith.muli %add3A_145, %mul3A_220 : i32
        %add3A_222 = arith.constant 2 : i32
        %add3A_223 = arith.addi %mul3A_221, %add3A_222 : i32
        %get3A_224 = arith.index_cast %add3A_223 : i32 to index
        %get3A_225 = arith.constant 0 : index
        %get3A_226 = tpu.vector_load %arg11[%get3A_224, %get3A_225] {strides = array<i32>} : memref<80x128xbf16, #tpu.memory_space<vmem>>, vector<32xbf16>,
        %get3A_227 = arith.index_cast %add3A_223 : i32 to index
        %get3A_228 = arith.constant 0 : index
        %get3A_229 = tpu.vector_load %arg12[%get3A_227, %get3A_228] {strides = array<i32>} : memref<80x128xbf16, #tpu.memory_space<vmem>>, vector<32xbf16>,
        %mul3A_230 = arith.mulf %get3A_226, %get3A_229 : vector<32xbf16>
        %get3A_231 = arith.index_cast %add3A_223 : i32 to index
        %get3A_232 = arith.constant 32 : index
        %get3A_233 = tpu.vector_load %arg11[%get3A_231, %get3A_232] {strides = array<i32>} : memref<80x128xbf16, #tpu.memory_space<vmem>>, vector<32xbf16>,
        %get3A_234 = arith.index_cast %add3A_223 : i32 to index
        %get3A_235 = arith.constant 32 : index
        %get3A_236 = tpu.vector_load %arg12[%get3A_234, %get3A_235] {strides = array<i32>} : memref<80x128xbf16, #tpu.memory_space<vmem>>, vector<32xbf16>,
        %mul3A_237 = arith.mulf %get3A_233, %get3A_236 : vector<32xbf16>
        %get3A_238 = arith.index_cast %add3A_223 : i32 to index
        %get3A_239 = arith.constant 64 : index
        %get3A_240 = tpu.vector_load %arg11[%get3A_238, %get3A_239] {strides = array<i32>} : memref<80x128xbf16, #tpu.memory_space<vmem>>, vector<32xbf16>,
        %get3A_241 = arith.index_cast %add3A_223 : i32 to index
        %get3A_242 = arith.constant 64 : index
        %get3A_243 = tpu.vector_load %arg12[%get3A_241, %get3A_242] {strides = array<i32>} : memref<80x128xbf16, #tpu.memory_space<vmem>>, vector<32xbf16>,
        %mul3A_244 = arith.mulf %get3A_240, %get3A_243 : vector<32xbf16>
        %get3A_245 = arith.index_cast %add3A_223 : i32 to index
        %get3A_246 = arith.constant 96 : index
        %get3A_247 = tpu.vector_load %arg11[%get3A_245, %get3A_246] {strides = array<i32>} : memref<80x128xbf16, #tpu.memory_space<vmem>>, vector<32xbf16>,
        %get3A_248 = arith.index_cast %add3A_223 : i32 to index
        %get3A_249 = arith.constant 96 : index
        %get3A_250 = tpu.vector_load %arg12[%get3A_248, %get3A_249] {strides = array<i32>} : memref<80x128xbf16, #tpu.memory_space<vmem>>, vector<32xbf16>,
        %mul3A_251 = arith.mulf %get3A_247, %get3A_250 : vector<32xbf16>
        %add3A_252 = arith.addf %mul3A_230, %mul3A_237 : vector<32xbf16>
        %add3A_253 = arith.addf %mul3A_244, %mul3A_251 : vector<32xbf16>
        %add3A_254 = arith.addf %add3A_252, %add3A_253 : vector<32xbf16>
        %swap3A_255 = arith.index_cast %add3A_223 : i32 to index
        %swap3A_256 = arith.constant 0 : index
        %swap3A_257 = tpu.vector_load %arg14[%swap3A_255, %swap3A_256] {strides = array<i32>} : memref<80x32xbf16, #tpu.memory_space<vmem>>, vector<32xbf16>,
        tpu.vector_store %arg14[%swap3A_255, %swap3A_256], %add3A_254 {strides = array<i32>} : memref<80x32xbf16, #tpu.memory_space<vmem>>, vector<32xbf16>,
        %mul3A_258 = arith.constant 16 : i32
        %mul3A_259 = arith.muli %add3A_145, %mul3A_258 : i32
        %add3A_260 = arith.constant 3 : i32
        %add3A_261 = arith.addi %mul3A_259, %add3A_260 : i32
        %get3A_262 = arith.index_cast %add3A_261 : i32 to index
        %get3A_263 = arith.constant 0 : index
        %get3A_264 = tpu.vector_load %arg11[%get3A_262, %get3A_263] {strides = array<i32>} : memref<80x128xbf16, #tpu.memory_space<vmem>>, vector<32xbf16>,
        %get3A_265 = arith.index_cast %add3A_261 : i32 to index
        %get3A_266 = arith.constant 0 : index
        %get3A_267 = tpu.vector_load %arg12[%get3A_265, %get3A_266] {strides = array<i32>} : memref<80x128xbf16, #tpu.memory_space<vmem>>, vector<32xbf16>,
        %mul3A_268 = arith.mulf %get3A_264, %get3A_267 : vector<32xbf16>
        %get3A_269 = arith.index_cast %add3A_261 : i32 to index
        %get3A_270 = arith.constant 32 : index
        %get3A_271 = tpu.vector_load %arg11[%get3A_269, %get3A_270] {strides = array<i32>} : memref<80x128xbf16, #tpu.memory_space<vmem>>, vector<32xbf16>,
        %get3A_272 = arith.index_cast %add3A_261 : i32 to index
        %get3A_273 = arith.constant 32 : index
        %get3A_274 = tpu.vector_load %arg12[%get3A_272, %get3A_273] {strides = array<i32>} : memref<80x128xbf16, #tpu.memory_space<vmem>>, vector<32xbf16>,
        %mul3A_275 = arith.mulf %get3A_271, %get3A_274 : vector<32xbf16>
        %get3A_276 = arith.index_cast %add3A_261 : i32 to index
        %get3A_277 = arith.constant 64 : index
        %get3A_278 = tpu.vector_load %arg11[%get3A_276, %get3A_277] {strides = array<i32>} : memref<80x128xbf16, #tpu.memory_space<vmem>>, vector<32xbf16>,
        %get3A_279 = arith.index_cast %add3A_261 : i32 to index
        %get3A_280 = arith.constant 64 : index
        %get3A_281 = tpu.vector_load %arg12[%get3A_279, %get3A_280] {strides = array<i32>} : memref<80x128xbf16, #tpu.memory_space<vmem>>, vector<32xbf16>,
        %mul3A_282 = arith.mulf %get3A_278, %get3A_281 : vector<32xbf16>
        %get3A_283 = arith.index_cast %add3A_261 : i32 to index
        %get3A_284 = arith.constant 96 : index
        %get3A_285 = tpu.vector_load %arg11[%get3A_283, %get3A_284] {strides = array<i32>} : memref<80x128xbf16, #tpu.memory_space<vmem>>, vector<32xbf16>,
        %get3A_286 = arith.index_cast %add3A_261 : i32 to index
        %get3A_287 = arith.constant 96 : index
        %get3A_288 = tpu.vector_load %arg12[%get3A_286, %get3A_287] {strides = array<i32>} : memref<80x128xbf16, #tpu.memory_space<vmem>>, vector<32xbf16>,
        %mul3A_289 = arith.mulf %get3A_285, %get3A_288 : vector<32xbf16>
        %add3A_290 = arith.addf %mul3A_268, %mul3A_275 : vector<32xbf16>
        %add3A_291 = arith.addf %mul3A_282, %mul3A_289 : vector<32xbf16>
        %add3A_292 = arith.addf %add3A_290, %add3A_291 : vector<32xbf16>
        %swap3A_293 = arith.index_cast %add3A_261 : i32 to index
        %swap3A_294 = arith.constant 0 : index
        %swap3A_295 = tpu.vector_load %arg14[%swap3A_293, %swap3A_294] {strides = array<i32>} : memref<80x32xbf16, #tpu.memory_space<vmem>>, vector<32xbf16>,
        tpu.vector_store %arg14[%swap3A_293, %swap3A_294], %add3A_292 {strides = array<i32>} : memref<80x32xbf16, #tpu.memory_space<vmem>>, vector<32xbf16>,
        %mul3A_296 = arith.constant 16 : i32
        %mul3A_297 = arith.muli %add3A_145, %mul3A_296 : i32
        %add3A_298 = arith.constant 4 : i32
        %add3A_299 = arith.addi %mul3A_297, %add3A_298 : i32
        %get3A_300 = arith.index_cast %add3A_299 : i32 to index
        %get3A_301 = arith.constant 0 : index
        %get3A_302 = tpu.vector_load %arg11[%get3A_300, %get3A_301] {strides = array<i32>} : memref<80x128xbf16, #tpu.memory_space<vmem>>, vector<32xbf16>,
        %get3A_303 = arith.index_cast %add3A_299 : i32 to index
        %get3A_304 = arith.constant 0 : index
        %get3A_305 = tpu.vector_load %arg12[%get3A_303, %get3A_304] {strides = array<i32>} : memref<80x128xbf16, #tpu.memory_space<vmem>>, vector<32xbf16>,
        %mul3A_306 = arith.mulf %get3A_302, %get3A_305 : vector<32xbf16>
        %get3A_307 = arith.index_cast %add3A_299 : i32 to index
        %get3A_308 = arith.constant 32 : index
        %get3A_309 = tpu.vector_load %arg11[%get3A_307, %get3A_308] {strides = array<i32>} : memref<80x128xbf16, #tpu.memory_space<vmem>>, vector<32xbf16>,
        %get3A_310 = arith.index_cast %add3A_299 : i32 to index
        %get3A_311 = arith.constant 32 : index
        %get3A_312 = tpu.vector_load %arg12[%get3A_310, %get3A_311] {strides = array<i32>} : memref<80x128xbf16, #tpu.memory_space<vmem>>, vector<32xbf16>,
        %mul3A_313 = arith.mulf %get3A_309, %get3A_312 : vector<32xbf16>
        %get3A_314 = arith.index_cast %add3A_299 : i32 to index
        %get3A_315 = arith.constant 64 : index
        %get3A_316 = tpu.vector_load %arg11[%get3A_314, %get3A_315] {strides = array<i32>} : memref<80x128xbf16, #tpu.memory_space<vmem>>, vector<32xbf16>,
        %get3A_317 = arith.index_cast %add3A_299 : i32 to index
        %get3A_318 = arith.constant 64 : index
        %get3A_319 = tpu.vector_load %arg12[%get3A_317, %get3A_318] {strides = array<i32>} : memref<80x128xbf16, #tpu.memory_space<vmem>>, vector<32xbf16>,
        %mul3A_320 = arith.mulf %get3A_316, %get3A_319 : vector<32xbf16>
        %get3A_321 = arith.index_cast %add3A_299 : i32 to index
        %get3A_322 = arith.constant 96 : index
        %get3A_323 = tpu.vector_load %arg11[%get3A_321, %get3A_322] {strides = array<i32>} : memref<80x128xbf16, #tpu.memory_space<vmem>>, vector<32xbf16>,
        %get3A_324 = arith.index_cast %add3A_299 : i32 to index
        %get3A_325 = arith.constant 96 : index
        %get3A_326 = tpu.vector_load %arg12[%get3A_324, %get3A_325] {strides = array<i32>} : memref<80x128xbf16, #tpu.memory_space<vmem>>, vector<32xbf16>,
        %mul3A_327 = arith.mulf %get3A_323, %get3A_326 : vector<32xbf16>
        %add3A_328 = arith.addf %mul3A_306, %mul3A_313 : vector<32xbf16>
        %add3A_329 = arith.addf %mul3A_320, %mul3A_327 : vector<32xbf16>
        %add3A_330 = arith.addf %add3A_328, %add3A_329 : vector<32xbf16>
        %swap3A_331 = arith.index_cast %add3A_299 : i32 to index
        %swap3A_332 = arith.constant 0 : index
        %swap3A_333 = tpu.vector_load %arg14[%swap3A_331, %swap3A_332] {strides = array<i32>} : memref<80x32xbf16, #tpu.memory_space<vmem>>, vector<32xbf16>,
        tpu.vector_store %arg14[%swap3A_331, %swap3A_332], %add3A_330 {strides = array<i32>} : memref<80x32xbf16, #tpu.memory_space<vmem>>, vector<32xbf16>,
        %mul3A_334 = arith.constant 16 : i32
        %mul3A_335 = arith.muli %add3A_145, %mul3A_334 : i32
        %add3A_336 = arith.constant 5 : i32
        %add3A_337 = arith.addi %mul3A_335, %add3A_336 : i32
        %get3A_338 = arith.index_cast %add3A_337 : i32 to index
        %get3A_339 = arith.constant 0 : index
        %get3A_340 = tpu.vector_load %arg11[%get3A_338, %get3A_339] {strides = array<i32>} : memref<80x128xbf16, #tpu.memory_space<vmem>>, vector<32xbf16>,
        %get3A_341 = arith.index_cast %add3A_337 : i32 to index
        %get3A_342 = arith.constant 0 : index
        %get3A_343 = tpu.vector_load %arg12[%get3A_341, %get3A_342] {strides = array<i32>} : memref<80x128xbf16, #tpu.memory_space<vmem>>, vector<32xbf16>,
        %mul3A_344 = arith.mulf %get3A_340, %get3A_343 : vector<32xbf16>
        %get3A_345 = arith.index_cast %add3A_337 : i32 to index
        %get3A_346 = arith.constant 32 : index
        %get3A_347 = tpu.vector_load %arg11[%get3A_345, %get3A_346] {strides = array<i32>} : memref<80x128xbf16, #tpu.memory_space<vmem>>, vector<32xbf16>,
        %get3A_348 = arith.index_cast %add3A_337 : i32 to index
        %get3A_349 = arith.constant 32 : index
        %get3A_350 = tpu.vector_load %arg12[%get3A_348, %get3A_349] {strides = array<i32>} : memref<80x128xbf16, #tpu.memory_space<vmem>>, vector<32xbf16>,
        %mul3A_351 = arith.mulf %get3A_347, %get3A_350 : vector<32xbf16>
        %get3A_352 = arith.index_cast %add3A_337 : i32 to index
        %get3A_353 = arith.constant 64 : index
        %get3A_354 = tpu.vector_load %arg11[%get3A_352, %get3A_353] {strides = array<i32>} : memref<80x128xbf16, #tpu.memory_space<vmem>>, vector<32xbf16>,
        %get3A_355 = arith.index_cast %add3A_337 : i32 to index
        %get3A_356 = arith.constant 64 : index
        %get3A_357 = tpu.vector_load %arg12[%get3A_355, %get3A_356] {strides = array<i32>} : memref<80x128xbf16, #tpu.memory_space<vmem>>, vector<32xbf16>,
        %mul3A_358 = arith.mulf %get3A_354, %get3A_357 : vector<32xbf16>
        %get3A_359 = arith.index_cast %add3A_337 : i32 to index
        %get3A_360 = arith.constant 96 : index
        %get3A_361 = tpu.vector_load %arg11[%get3A_359, %get3A_360] {strides = array<i32>} : memref<80x128xbf16, #tpu.memory_space<vmem>>, vector<32xbf16>,
        %get3A_362 = arith.index_cast %add3A_337 : i32 to index
        %get3A_363 = arith.constant 96 : index
        %get3A_364 = tpu.vector_load %arg12[%get3A_362, %get3A_363] {strides = array<i32>} : memref<80x128xbf16, #tpu.memory_space<vmem>>, vector<32xbf16>,
        %mul3A_365 = arith.mulf %get3A_361, %get3A_364 : vector<32xbf16>
        %add3A_366 = arith.addf %mul3A_344, %mul3A_351 : vector<32xbf16>
        %add3A_367 = arith.addf %mul3A_358, %mul3A_365 : vector<32xbf16>
        %add3A_368 = arith.addf %add3A_366, %add3A_367 : vector<32xbf16>
        %swap3A_369 = arith.index_cast %add3A_337 : i32 to index
        %swap3A_370 = arith.constant 0 : index
        %swap3A_371 = tpu.vector_load %arg14[%swap3A_369, %swap3A_370] {strides = array<i32>} : memref<80x32xbf16, #tpu.memory_space<vmem>>, vector<32xbf16>,
        tpu.vector_store %arg14[%swap3A_369, %swap3A_370], %add3A_368 {strides = array<i32>} : memref<80x32xbf16, #tpu.memory_space<vmem>>, vector<32xbf16>,
        %mul3A_372 = arith.constant 16 : i32
        %mul3A_373 = arith.muli %add3A_145, %mul3A_372 : i32
        %add3A_374 = arith.constant 6 : i32
        %add3A_375 = arith.addi %mul3A_373, %add3A_374 : i32
        %get3A_376 = arith.index_cast %add3A_375 : i32 to index
        %get3A_377 = arith.constant 0 : index
        %get3A_378 = tpu.vector_load %arg11[%get3A_376, %get3A_377] {strides = array<i32>} : memref<80x128xbf16, #tpu.memory_space<vmem>>, vector<32xbf16>,
        %get3A_379 = arith.index_cast %add3A_375 : i32 to index
        %get3A_380 = arith.constant 0 : index
        %get3A_381 = tpu.vector_load %arg12[%get3A_379, %get3A_380] {strides = array<i32>} : memref<80x128xbf16, #tpu.memory_space<vmem>>, vector<32xbf16>,
        %mul3A_382 = arith.mulf %get3A_378, %get3A_381 : vector<32xbf16>
        %get3A_383 = arith.index_cast %add3A_375 : i32 to index
        %get3A_384 = arith.constant 32 : index
        %get3A_385 = tpu.vector_load %arg11[%get3A_383, %get3A_384] {strides = array<i32>} : memref<80x128xbf16, #tpu.memory_space<vmem>>, vector<32xbf16>,
        %get3A_386 = arith.index_cast %add3A_375 : i32 to index
        %get3A_387 = arith.constant 32 : index
        %get3A_388 = tpu.vector_load %arg12[%get3A_386, %get3A_387] {strides = array<i32>} : memref<80x128xbf16, #tpu.memory_space<vmem>>, vector<32xbf16>,
        %mul3A_389 = arith.mulf %get3A_385, %get3A_388 : vector<32xbf16>
        %get3A_390 = arith.index_cast %add3A_375 : i32 to index
        %get3A_391 = arith.constant 64 : index
        %get3A_392 = tpu.vector_load %arg11[%get3A_390, %get3A_391] {strides = array<i32>} : memref<80x128xbf16, #tpu.memory_space<vmem>>, vector<32xbf16>,
        %get3A_393 = arith.index_cast %add3A_375 : i32 to index
        %get3A_394 = arith.constant 64 : index
        %get3A_395 = tpu.vector_load %arg12[%get3A_393, %get3A_394] {strides = array<i32>} : memref<80x128xbf16, #tpu.memory_space<vmem>>, vector<32xbf16>,
        %mul3A_396 = arith.mulf %get3A_392, %get3A_395 : vector<32xbf16>
        %get3A_397 = arith.index_cast %add3A_375 : i32 to index
        %get3A_398 = arith.constant 96 : index
        %get3A_399 = tpu.vector_load %arg11[%get3A_397, %get3A_398] {strides = array<i32>} : memref<80x128xbf16, #tpu.memory_space<vmem>>, vector<32xbf16>,
        %get3A_400 = arith.index_cast %add3A_375 : i32 to index
        %get3A_401 = arith.constant 96 : index
        %get3A_402 = tpu.vector_load %arg12[%get3A_400, %get3A_401] {strides = array<i32>} : memref<80x128xbf16, #tpu.memory_space<vmem>>, vector<32xbf16>,
        %mul3A_403 = arith.mulf %get3A_399, %get3A_402 : vector<32xbf16>
        %add3A_404 = arith.addf %mul3A_382, %mul3A_389 : vector<32xbf16>
        %add3A_405 = arith.addf %mul3A_396, %mul3A_403 : vector<32xbf16>
        %add3A_406 = arith.addf %add3A_404, %add3A_405 : vector<32xbf16>
        %swap3A_407 = arith.index_cast %add3A_375 : i32 to index
        %swap3A_408 = arith.constant 0 : index
        %swap3A_409 = tpu.vector_load %arg14[%swap3A_407, %swap3A_408] {strides = array<i32>} : memref<80x32xbf16, #tpu.memory_space<vmem>>, vector<32xbf16>,
        tpu.vector_store %arg14[%swap3A_407, %swap3A_408], %add3A_406 {strides = array<i32>} : memref<80x32xbf16, #tpu.memory_space<vmem>>, vector<32xbf16>,
        %mul3A_410 = arith.constant 16 : i32
        %mul3A_411 = arith.muli %add3A_145, %mul3A_410 : i32
        %add3A_412 = arith.constant 7 : i32
        %add3A_413 = arith.addi %mul3A_411, %add3A_412 : i32
        %get3A_414 = arith.index_cast %add3A_413 : i32 to index
        %get3A_415 = arith.constant 0 : index
        %get3A_416 = tpu.vector_load %arg11[%get3A_414, %get3A_415] {strides = array<i32>} : memref<80x128xbf16, #tpu.memory_space<vmem>>, vector<32xbf16>,
        %get3A_417 = arith.index_cast %add3A_413 : i32 to index
        %get3A_418 = arith.constant 0 : index
        %get3A_419 = tpu.vector_load %arg12[%get3A_417, %get3A_418] {strides = array<i32>} : memref<80x128xbf16, #tpu.memory_space<vmem>>, vector<32xbf16>,
        %mul3A_420 = arith.mulf %get3A_416, %get3A_419 : vector<32xbf16>
        %get3A_421 = arith.index_cast %add3A_413 : i32 to index
        %get3A_422 = arith.constant 32 : index
        %get3A_423 = tpu.vector_load %arg11[%get3A_421, %get3A_422] {strides = array<i32>} : memref<80x128xbf16, #tpu.memory_space<vmem>>, vector<32xbf16>,
        %get3A_424 = arith.index_cast %add3A_413 : i32 to index
        %get3A_425 = arith.constant 32 : index
        %get3A_426 = tpu.vector_load %arg12[%get3A_424, %get3A_425] {strides = array<i32>} : memref<80x128xbf16, #tpu.memory_space<vmem>>, vector<32xbf16>,
        %mul3A_427 = arith.mulf %get3A_423, %get3A_426 : vector<32xbf16>
        %get3A_428 = arith.index_cast %add3A_413 : i32 to index
        %get3A_429 = arith.constant 64 : index
        %get3A_430 = tpu.vector_load %arg11[%get3A_428, %get3A_429] {strides = array<i32>} : memref<80x128xbf16, #tpu.memory_space<vmem>>, vector<32xbf16>,
        %get3A_431 = arith.index_cast %add3A_413 : i32 to index
        %get3A_432 = arith.constant 64 : index
        %get3A_433 = tpu.vector_load %arg12[%get3A_431, %get3A_432] {strides = array<i32>} : memref<80x128xbf16, #tpu.memory_space<vmem>>, vector<32xbf16>,
        %mul3A_434 = arith.mulf %get3A_430, %get3A_433 : vector<32xbf16>
        %get3A_435 = arith.index_cast %add3A_413 : i32 to index
        %get3A_436 = arith.constant 96 : index
        %get3A_437 = tpu.vector_load %arg11[%get3A_435, %get3A_436] {strides = array<i32>} : memref<80x128xbf16, #tpu.memory_space<vmem>>, vector<32xbf16>,
        %get3A_438 = arith.index_cast %add3A_413 : i32 to index
        %get3A_439 = arith.constant 96 : index
        %get3A_440 = tpu.vector_load %arg12[%get3A_438, %get3A_439] {strides = array<i32>} : memref<80x128xbf16, #tpu.memory_space<vmem>>, vector<32xbf16>,
        %mul3A_441 = arith.mulf %get3A_437, %get3A_440 : vector<32xbf16>
        %add3A_442 = arith.addf %mul3A_420, %mul3A_427 : vector<32xbf16>
        %add3A_443 = arith.addf %mul3A_434, %mul3A_441 : vector<32xbf16>
        %add3A_444 = arith.addf %add3A_442, %add3A_443 : vector<32xbf16>
        %swap3A_445 = arith.index_cast %add3A_413 : i32 to index
        %swap3A_446 = arith.constant 0 : index
        %swap3A_447 = tpu.vector_load %arg14[%swap3A_445, %swap3A_446] {strides = array<i32>} : memref<80x32xbf16, #tpu.memory_space<vmem>>, vector<32xbf16>,
        tpu.vector_store %arg14[%swap3A_445, %swap3A_446], %add3A_444 {strides = array<i32>} : memref<80x32xbf16, #tpu.memory_space<vmem>>, vector<32xbf16>,
        %mul3A_448 = arith.constant 16 : i32
        %mul3A_449 = arith.muli %add3A_145, %mul3A_448 : i32
        %add3A_450 = arith.constant 8 : i32
        %add3A_451 = arith.addi %mul3A_449, %add3A_450 : i32
        %get3A_452 = arith.index_cast %add3A_451 : i32 to index
        %get3A_453 = arith.constant 0 : index
        %get3A_454 = tpu.vector_load %arg11[%get3A_452, %get3A_453] {strides = array<i32>} : memref<80x128xbf16, #tpu.memory_space<vmem>>, vector<32xbf16>,
        %get3A_455 = arith.index_cast %add3A_451 : i32 to index
        %get3A_456 = arith.constant 0 : index
        %get3A_457 = tpu.vector_load %arg12[%get3A_455, %get3A_456] {strides = array<i32>} : memref<80x128xbf16, #tpu.memory_space<vmem>>, vector<32xbf16>,
        %mul3A_458 = arith.mulf %get3A_454, %get3A_457 : vector<32xbf16>
        %get3A_459 = arith.index_cast %add3A_451 : i32 to index
        %get3A_460 = arith.constant 32 : index
        %get3A_461 = tpu.vector_load %arg11[%get3A_459, %get3A_460] {strides = array<i32>} : memref<80x128xbf16, #tpu.memory_space<vmem>>, vector<32xbf16>,
        %get3A_462 = arith.index_cast %add3A_451 : i32 to index
        %get3A_463 = arith.constant 32 : index
        %get3A_464 = tpu.vector_load %arg12[%get3A_462, %get3A_463] {strides = array<i32>} : memref<80x128xbf16, #tpu.memory_space<vmem>>, vector<32xbf16>,
        %mul3A_465 = arith.mulf %get3A_461, %get3A_464 : vector<32xbf16>
        %get3A_466 = arith.index_cast %add3A_451 : i32 to index
        %get3A_467 = arith.constant 64 : index
        %get3A_468 = tpu.vector_load %arg11[%get3A_466, %get3A_467] {strides = array<i32>} : memref<80x128xbf16, #tpu.memory_space<vmem>>, vector<32xbf16>,
        %get3A_469 = arith.index_cast %add3A_451 : i32 to index
        %get3A_470 = arith.constant 64 : index
        %get3A_471 = tpu.vector_load %arg12[%get3A_469, %get3A_470] {strides = array<i32>} : memref<80x128xbf16, #tpu.memory_space<vmem>>, vector<32xbf16>,
        %mul3A_472 = arith.mulf %get3A_468, %get3A_471 : vector<32xbf16>
        %get3A_473 = arith.index_cast %add3A_451 : i32 to index
        %get3A_474 = arith.constant 96 : index
        %get3A_475 = tpu.vector_load %arg11[%get3A_473, %get3A_474] {strides = array<i32>} : memref<80x128xbf16, #tpu.memory_space<vmem>>, vector<32xbf16>,
        %get3A_476 = arith.index_cast %add3A_451 : i32 to index
        %get3A_477 = arith.constant 96 : index
        %get3A_478 = tpu.vector_load %arg12[%get3A_476, %get3A_477] {strides = array<i32>} : memref<80x128xbf16, #tpu.memory_space<vmem>>, vector<32xbf16>,
        %mul3A_479 = arith.mulf %get3A_475, %get3A_478 : vector<32xbf16>
        %add3A_480 = arith.addf %mul3A_458, %mul3A_465 : vector<32xbf16>
        %add3A_481 = arith.addf %mul3A_472, %mul3A_479 : vector<32xbf16>
        %add3A_482 = arith.addf %add3A_480, %add3A_481 : vector<32xbf16>
        %swap3A_483 = arith.index_cast %add3A_451 : i32 to index
        %swap3A_484 = arith.constant 0 : index
        %swap3A_485 = tpu.vector_load %arg14[%swap3A_483, %swap3A_484] {strides = array<i32>} : memref<80x32xbf16, #tpu.memory_space<vmem>>, vector<32xbf16>,
        tpu.vector_store %arg14[%swap3A_483, %swap3A_484], %add3A_482 {strides = array<i32>} : memref<80x32xbf16, #tpu.memory_space<vmem>>, vector<32xbf16>,
        %mul3A_486 = arith.constant 16 : i32
        %mul3A_487 = arith.muli %add3A_145, %mul3A_486 : i32
        %add3A_488 = arith.constant 9 : i32
        %add3A_489 = arith.addi %mul3A_487, %add3A_488 : i32
        %get3A_490 = arith.index_cast %add3A_489 : i32 to index
        %get3A_491 = arith.constant 0 : index
        %get3A_492 = tpu.vector_load %arg11[%get3A_490, %get3A_491] {strides = array<i32>} : memref<80x128xbf16, #tpu.memory_space<vmem>>, vector<32xbf16>,
        %get3A_493 = arith.index_cast %add3A_489 : i32 to index
        %get3A_494 = arith.constant 0 : index
        %get3A_495 = tpu.vector_load %arg12[%get3A_493, %get3A_494] {strides = array<i32>} : memref<80x128xbf16, #tpu.memory_space<vmem>>, vector<32xbf16>,
        %mul3A_496 = arith.mulf %get3A_492, %get3A_495 : vector<32xbf16>
        %get3A_497 = arith.index_cast %add3A_489 : i32 to index
        %get3A_498 = arith.constant 32 : index
        %get3A_499 = tpu.vector_load %arg11[%get3A_497, %get3A_498] {strides = array<i32>} : memref<80x128xbf16, #tpu.memory_space<vmem>>, vector<32xbf16>,
        %get3A_500 = arith.index_cast %add3A_489 : i32 to index
        %get3A_501 = arith.constant 32 : index
        %get3A_502 = tpu.vector_load %arg12[%get3A_500, %get3A_501] {strides = array<i32>} : memref<80x128xbf16, #tpu.memory_space<vmem>>, vector<32xbf16>,
        %mul3A_503 = arith.mulf %get3A_499, %get3A_502 : vector<32xbf16>
        %get3A_504 = arith.index_cast %add3A_489 : i32 to index
        %get3A_505 = arith.constant 64 : index
        %get3A_506 = tpu.vector_load %arg11[%get3A_504, %get3A_505] {strides = array<i32>} : memref<80x128xbf16, #tpu.memory_space<vmem>>, vector<32xbf16>,
        %get3A_507 = arith.index_cast %add3A_489 : i32 to index
        %get3A_508 = arith.constant 64 : index
        %get3A_509 = tpu.vector_load %arg12[%get3A_507, %get3A_508] {strides = array<i32>} : memref<80x128xbf16, #tpu.memory_space<vmem>>, vector<32xbf16>,
        %mul3A_510 = arith.mulf %get3A_506, %get3A_509 : vector<32xbf16>
        %get3A_511 = arith.index_cast %add3A_489 : i32 to index
        %get3A_512 = arith.constant 96 : index
        %get3A_513 = tpu.vector_load %arg11[%get3A_511, %get3A_512] {strides = array<i32>} : memref<80x128xbf16, #tpu.memory_space<vmem>>, vector<32xbf16>,
        %get3A_514 = arith.index_cast %add3A_489 : i32 to index
        %get3A_515 = arith.constant 96 : index
        %get3A_516 = tpu.vector_load %arg12[%get3A_514, %get3A_515] {strides = array<i32>} : memref<80x128xbf16, #tpu.memory_space<vmem>>, vector<32xbf16>,
        %mul3A_517 = arith.mulf %get3A_513, %get3A_516 : vector<32xbf16>
        %add3A_518 = arith.addf %mul3A_496, %mul3A_503 : vector<32xbf16>
        %add3A_519 = arith.addf %mul3A_510, %mul3A_517 : vector<32xbf16>
        %add3A_520 = arith.addf %add3A_518, %add3A_519 : vector<32xbf16>
        %swap3A_521 = arith.index_cast %add3A_489 : i32 to index
        %swap3A_522 = arith.constant 0 : index
        %swap3A_523 = tpu.vector_load %arg14[%swap3A_521, %swap3A_522] {strides = array<i32>} : memref<80x32xbf16, #tpu.memory_space<vmem>>, vector<32xbf16>,
        tpu.vector_store %arg14[%swap3A_521, %swap3A_522], %add3A_520 {strides = array<i32>} : memref<80x32xbf16, #tpu.memory_space<vmem>>, vector<32xbf16>,
        %mul3A_524 = arith.constant 16 : i32
        %mul3A_525 = arith.muli %add3A_145, %mul3A_524 : i32
        %add3A_526 = arith.constant 10 : i32
        %add3A_527 = arith.addi %mul3A_525, %add3A_526 : i32
        %get3A_528 = arith.index_cast %add3A_527 : i32 to index
        %get3A_529 = arith.constant 0 : index
        %get3A_530 = tpu.vector_load %arg11[%get3A_528, %get3A_529] {strides = array<i32>} : memref<80x128xbf16, #tpu.memory_space<vmem>>, vector<32xbf16>,
        %get3A_531 = arith.index_cast %add3A_527 : i32 to index
        %get3A_532 = arith.constant 0 : index
        %get3A_533 = tpu.vector_load %arg12[%get3A_531, %get3A_532] {strides = array<i32>} : memref<80x128xbf16, #tpu.memory_space<vmem>>, vector<32xbf16>,
        %mul3A_534 = arith.mulf %get3A_530, %get3A_533 : vector<32xbf16>
        %get3A_535 = arith.index_cast %add3A_527 : i32 to index
        %get3A_536 = arith.constant 32 : index
        %get3A_537 = tpu.vector_load %arg11[%get3A_535, %get3A_536] {strides = array<i32>} : memref<80x128xbf16, #tpu.memory_space<vmem>>, vector<32xbf16>,
        %get3A_538 = arith.index_cast %add3A_527 : i32 to index
        %get3A_539 = arith.constant 32 : index
        %get3A_540 = tpu.vector_load %arg12[%get3A_538, %get3A_539] {strides = array<i32>} : memref<80x128xbf16, #tpu.memory_space<vmem>>, vector<32xbf16>,
        %mul3A_541 = arith.mulf %get3A_537, %get3A_540 : vector<32xbf16>
        %get3A_542 = arith.index_cast %add3A_527 : i32 to index
        %get3A_543 = arith.constant 64 : index
        %get3A_544 = tpu.vector_load %arg11[%get3A_542, %get3A_543] {strides = array<i32>} : memref<80x128xbf16, #tpu.memory_space<vmem>>, vector<32xbf16>,
        %get3A_545 = arith.index_cast %add3A_527 : i32 to index
        %get3A_546 = arith.constant 64 : index
        %get3A_547 = tpu.vector_load %arg12[%get3A_545, %get3A_546] {strides = array<i32>} : memref<80x128xbf16, #tpu.memory_space<vmem>>, vector<32xbf16>,
        %mul3A_548 = arith.mulf %get3A_544, %get3A_547 : vector<32xbf16>
        %get3A_549 = arith.index_cast %add3A_527 : i32 to index
        %get3A_550 = arith.constant 96 : index
        %get3A_551 = tpu.vector_load %arg11[%get3A_549, %get3A_550] {strides = array<i32>} : memref<80x128xbf16, #tpu.memory_space<vmem>>, vector<32xbf16>,
        %get3A_552 = arith.index_cast %add3A_527 : i32 to index
        %get3A_553 = arith.constant 96 : index
        %get3A_554 = tpu.vector_load %arg12[%get3A_552, %get3A_553] {strides = array<i32>} : memref<80x128xbf16, #tpu.memory_space<vmem>>, vector<32xbf16>,
        %mul3A_555 = arith.mulf %get3A_551, %get3A_554 : vector<32xbf16>
        %add3A_556 = arith.addf %mul3A_534, %mul3A_541 : vector<32xbf16>
        %add3A_557 = arith.addf %mul3A_548, %mul3A_555 : vector<32xbf16>
        %add3A_558 = arith.addf %add3A_556, %add3A_557 : vector<32xbf16>
        %swap3A_559 = arith.index_cast %add3A_527 : i32 to index
        %swap3A_560 = arith.constant 0 : index
        %swap3A_561 = tpu.vector_load %arg14[%swap3A_559, %swap3A_560] {strides = array<i32>} : memref<80x32xbf16, #tpu.memory_space<vmem>>, vector<32xbf16>,
        tpu.vector_store %arg14[%swap3A_559, %swap3A_560], %add3A_558 {strides = array<i32>} : memref<80x32xbf16, #tpu.memory_space<vmem>>, vector<32xbf16>,
        %mul3A_562 = arith.constant 16 : i32
        %mul3A_563 = arith.muli %add3A_145, %mul3A_562 : i32
        %add3A_564 = arith.constant 11 : i32
        %add3A_565 = arith.addi %mul3A_563, %add3A_564 : i32
        %get3A_566 = arith.index_cast %add3A_565 : i32 to index
        %get3A_567 = arith.constant 0 : index
        %get3A_568 = tpu.vector_load %arg11[%get3A_566, %get3A_567] {strides = array<i32>} : memref<80x128xbf16, #tpu.memory_space<vmem>>, vector<32xbf16>,
        %get3A_569 = arith.index_cast %add3A_565 : i32 to index
        %get3A_570 = arith.constant 0 : index
        %get3A_571 = tpu.vector_load %arg12[%get3A_569, %get3A_570] {strides = array<i32>} : memref<80x128xbf16, #tpu.memory_space<vmem>>, vector<32xbf16>,
        %mul3A_572 = arith.mulf %get3A_568, %get3A_571 : vector<32xbf16>
        %get3A_573 = arith.index_cast %add3A_565 : i32 to index
        %get3A_574 = arith.constant 32 : index
        %get3A_575 = tpu.vector_load %arg11[%get3A_573, %get3A_574] {strides = array<i32>} : memref<80x128xbf16, #tpu.memory_space<vmem>>, vector<32xbf16>,
        %get3A_576 = arith.index_cast %add3A_565 : i32 to index
        %get3A_577 = arith.constant 32 : index
        %get3A_578 = tpu.vector_load %arg12[%get3A_576, %get3A_577] {strides = array<i32>} : memref<80x128xbf16, #tpu.memory_space<vmem>>, vector<32xbf16>,
        %mul3A_579 = arith.mulf %get3A_575, %get3A_578 : vector<32xbf16>
        %get3A_580 = arith.index_cast %add3A_565 : i32 to index
        %get3A_581 = arith.constant 64 : index
        %get3A_582 = tpu.vector_load %arg11[%get3A_580, %get3A_581] {strides = array<i32>} : memref<80x128xbf16, #tpu.memory_space<vmem>>, vector<32xbf16>,
        %get3A_583 = arith.index_cast %add3A_565 : i32 to index
        %get3A_584 = arith.constant 64 : index
        %get3A_585 = tpu.vector_load %arg12[%get3A_583, %get3A_584] {strides = array<i32>} : memref<80x128xbf16, #tpu.memory_space<vmem>>, vector<32xbf16>,
        %mul3A_586 = arith.mulf %get3A_582, %get3A_585 : vector<32xbf16>
        %get3A_587 = arith.index_cast %add3A_565 : i32 to index
        %get3A_588 = arith.constant 96 : index
        %get3A_589 = tpu.vector_load %arg11[%get3A_587, %get3A_588] {strides = array<i32>} : memref<80x128xbf16, #tpu.memory_space<vmem>>, vector<32xbf16>,
        %get3A_590 = arith.index_cast %add3A_565 : i32 to index
        %get3A_591 = arith.constant 96 : index
        %get3A_592 = tpu.vector_load %arg12[%get3A_590, %get3A_591] {strides = array<i32>} : memref<80x128xbf16, #tpu.memory_space<vmem>>, vector<32xbf16>,
        %mul3A_593 = arith.mulf %get3A_589, %get3A_592 : vector<32xbf16>
        %add3A_594 = arith.addf %mul3A_572, %mul3A_579 : vector<32xbf16>
        %add3A_595 = arith.addf %mul3A_586, %mul3A_593 : vector<32xbf16>
        %add3A_596 = arith.addf %add3A_594, %add3A_595 : vector<32xbf16>
        %swap3A_597 = arith.index_cast %add3A_565 : i32 to index
        %swap3A_598 = arith.constant 0 : index
        %swap3A_599 = tpu.vector_load %arg14[%swap3A_597, %swap3A_598] {strides = array<i32>} : memref<80x32xbf16, #tpu.memory_space<vmem>>, vector<32xbf16>,
        tpu.vector_store %arg14[%swap3A_597, %swap3A_598], %add3A_596 {strides = array<i32>} : memref<80x32xbf16, #tpu.memory_space<vmem>>, vector<32xbf16>,
        %mul3A_600 = arith.constant 16 : i32
        %mul3A_601 = arith.muli %add3A_145, %mul3A_600 : i32
        %add3A_602 = arith.constant 12 : i32
        %add3A_603 = arith.addi %mul3A_601, %add3A_602 : i32
        %get3A_604 = arith.index_cast %add3A_603 : i32 to index
        %get3A_605 = arith.constant 0 : index
        %get3A_606 = tpu.vector_load %arg11[%get3A_604, %get3A_605] {strides = array<i32>} : memref<80x128xbf16, #tpu.memory_space<vmem>>, vector<32xbf16>,
        %get3A_607 = arith.index_cast %add3A_603 : i32 to index
        %get3A_608 = arith.constant 0 : index
        %get3A_609 = tpu.vector_load %arg12[%get3A_607, %get3A_608] {strides = array<i32>} : memref<80x128xbf16, #tpu.memory_space<vmem>>, vector<32xbf16>,
        %mul3A_610 = arith.mulf %get3A_606, %get3A_609 : vector<32xbf16>
        %get3A_611 = arith.index_cast %add3A_603 : i32 to index
        %get3A_612 = arith.constant 32 : index
        %get3A_613 = tpu.vector_load %arg11[%get3A_611, %get3A_612] {strides = array<i32>} : memref<80x128xbf16, #tpu.memory_space<vmem>>, vector<32xbf16>,
        %get3A_614 = arith.index_cast %add3A_603 : i32 to index
        %get3A_615 = arith.constant 32 : index
        %get3A_616 = tpu.vector_load %arg12[%get3A_614, %get3A_615] {strides = array<i32>} : memref<80x128xbf16, #tpu.memory_space<vmem>>, vector<32xbf16>,
        %mul3A_617 = arith.mulf %get3A_613, %get3A_616 : vector<32xbf16>
        %get3A_618 = arith.index_cast %add3A_603 : i32 to index
        %get3A_619 = arith.constant 64 : index
        %get3A_620 = tpu.vector_load %arg11[%get3A_618, %get3A_619] {strides = array<i32>} : memref<80x128xbf16, #tpu.memory_space<vmem>>, vector<32xbf16>,
        %get3A_621 = arith.index_cast %add3A_603 : i32 to index
        %get3A_622 = arith.constant 64 : index
        %get3A_623 = tpu.vector_load %arg12[%get3A_621, %get3A_622] {strides = array<i32>} : memref<80x128xbf16, #tpu.memory_space<vmem>>, vector<32xbf16>,
        %mul3A_624 = arith.mulf %get3A_620, %get3A_623 : vector<32xbf16>
        %get3A_625 = arith.index_cast %add3A_603 : i32 to index
        %get3A_626 = arith.constant 96 : index
        %get3A_627 = tpu.vector_load %arg11[%get3A_625, %get3A_626] {strides = array<i32>} : memref<80x128xbf16, #tpu.memory_space<vmem>>, vector<32xbf16>,
        %get3A_628 = arith.index_cast %add3A_603 : i32 to index
        %get3A_629 = arith.constant 96 : index
        %get3A_630 = tpu.vector_load %arg12[%get3A_628, %get3A_629] {strides = array<i32>} : memref<80x128xbf16, #tpu.memory_space<vmem>>, vector<32xbf16>,
        %mul3A_631 = arith.mulf %get3A_627, %get3A_630 : vector<32xbf16>
        %add3A_632 = arith.addf %mul3A_610, %mul3A_617 : vector<32xbf16>
        %add3A_633 = arith.addf %mul3A_624, %mul3A_631 : vector<32xbf16>
        %add3A_634 = arith.addf %add3A_632, %add3A_633 : vector<32xbf16>
        %swap3A_635 = arith.index_cast %add3A_603 : i32 to index
        %swap3A_636 = arith.constant 0 : index
        %swap3A_637 = tpu.vector_load %arg14[%swap3A_635, %swap3A_636] {strides = array<i32>} : memref<80x32xbf16, #tpu.memory_space<vmem>>, vector<32xbf16>,
        tpu.vector_store %arg14[%swap3A_635, %swap3A_636], %add3A_634 {strides = array<i32>} : memref<80x32xbf16, #tpu.memory_space<vmem>>, vector<32xbf16>,
        %mul3A_638 = arith.constant 16 : i32
        %mul3A_639 = arith.muli %add3A_145, %mul3A_638 : i32
        %add3A_640 = arith.constant 13 : i32
        %add3A_641 = arith.addi %mul3A_639, %add3A_640 : i32
        %get3A_642 = arith.index_cast %add3A_641 : i32 to index
        %get3A_643 = arith.constant 0 : index
        %get3A_644 = tpu.vector_load %arg11[%get3A_642, %get3A_643] {strides = array<i32>} : memref<80x128xbf16, #tpu.memory_space<vmem>>, vector<32xbf16>,
        %get3A_645 = arith.index_cast %add3A_641 : i32 to index
        %get3A_646 = arith.constant 0 : index
        %get3A_647 = tpu.vector_load %arg12[%get3A_645, %get3A_646] {strides = array<i32>} : memref<80x128xbf16, #tpu.memory_space<vmem>>, vector<32xbf16>,
        %mul3A_648 = arith.mulf %get3A_644, %get3A_647 : vector<32xbf16>
        %get3A_649 = arith.index_cast %add3A_641 : i32 to index
        %get3A_650 = arith.constant 32 : index
        %get3A_651 = tpu.vector_load %arg11[%get3A_649, %get3A_650] {strides = array<i32>} : memref<80x128xbf16, #tpu.memory_space<vmem>>, vector<32xbf16>,
        %get3A_652 = arith.index_cast %add3A_641 : i32 to index
        %get3A_653 = arith.constant 32 : index
        %get3A_654 = tpu.vector_load %arg12[%get3A_652, %get3A_653] {strides = array<i32>} : memref<80x128xbf16, #tpu.memory_space<vmem>>, vector<32xbf16>,
        %mul3A_655 = arith.mulf %get3A_651, %get3A_654 : vector<32xbf16>
        %get3A_656 = arith.index_cast %add3A_641 : i32 to index
        %get3A_657 = arith.constant 64 : index
        %get3A_658 = tpu.vector_load %arg11[%get3A_656, %get3A_657] {strides = array<i32>} : memref<80x128xbf16, #tpu.memory_space<vmem>>, vector<32xbf16>,
        %get3A_659 = arith.index_cast %add3A_641 : i32 to index
        %get3A_660 = arith.constant 64 : index
        %get3A_661 = tpu.vector_load %arg12[%get3A_659, %get3A_660] {strides = array<i32>} : memref<80x128xbf16, #tpu.memory_space<vmem>>, vector<32xbf16>,
        %mul3A_662 = arith.mulf %get3A_658, %get3A_661 : vector<32xbf16>
        %get3A_663 = arith.index_cast %add3A_641 : i32 to index
        %get3A_664 = arith.constant 96 : index
        %get3A_665 = tpu.vector_load %arg11[%get3A_663, %get3A_664] {strides = array<i32>} : memref<80x128xbf16, #tpu.memory_space<vmem>>, vector<32xbf16>,
        %get3A_666 = arith.index_cast %add3A_641 : i32 to index
        %get3A_667 = arith.constant 96 : index
        %get3A_668 = tpu.vector_load %arg12[%get3A_666, %get3A_667] {strides = array<i32>} : memref<80x128xbf16, #tpu.memory_space<vmem>>, vector<32xbf16>,
        %mul3A_669 = arith.mulf %get3A_665, %get3A_668 : vector<32xbf16>
        %add3A_670 = arith.addf %mul3A_648, %mul3A_655 : vector<32xbf16>
        %add3A_671 = arith.addf %mul3A_662, %mul3A_669 : vector<32xbf16>
        %add3A_672 = arith.addf %add3A_670, %add3A_671 : vector<32xbf16>
        %swap3A_673 = arith.index_cast %add3A_641 : i32 to index
        %swap3A_674 = arith.constant 0 : index
        %swap3A_675 = tpu.vector_load %arg14[%swap3A_673, %swap3A_674] {strides = array<i32>} : memref<80x32xbf16, #tpu.memory_space<vmem>>, vector<32xbf16>,
        tpu.vector_store %arg14[%swap3A_673, %swap3A_674], %add3A_672 {strides = array<i32>} : memref<80x32xbf16, #tpu.memory_space<vmem>>, vector<32xbf16>,
        %mul3A_676 = arith.constant 16 : i32
        %mul3A_677 = arith.muli %add3A_145, %mul3A_676 : i32
        %add3A_678 = arith.constant 14 : i32
        %add3A_679 = arith.addi %mul3A_677, %add3A_678 : i32
        %get3A_680 = arith.index_cast %add3A_679 : i32 to index
        %get3A_681 = arith.constant 0 : index
        %get3A_682 = tpu.vector_load %arg11[%get3A_680, %get3A_681] {strides = array<i32>} : memref<80x128xbf16, #tpu.memory_space<vmem>>, vector<32xbf16>,
        %get3A_683 = arith.index_cast %add3A_679 : i32 to index
        %get3A_684 = arith.constant 0 : index
        %get3A_685 = tpu.vector_load %arg12[%get3A_683, %get3A_684] {strides = array<i32>} : memref<80x128xbf16, #tpu.memory_space<vmem>>, vector<32xbf16>,
        %mul3A_686 = arith.mulf %get3A_682, %get3A_685 : vector<32xbf16>
        %get3A_687 = arith.index_cast %add3A_679 : i32 to index
        %get3A_688 = arith.constant 32 : index
        %get3A_689 = tpu.vector_load %arg11[%get3A_687, %get3A_688] {strides = array<i32>} : memref<80x128xbf16, #tpu.memory_space<vmem>>, vector<32xbf16>,
        %get3A_690 = arith.index_cast %add3A_679 : i32 to index
        %get3A_691 = arith.constant 32 : index
        %get3A_692 = tpu.vector_load %arg12[%get3A_690, %get3A_691] {strides = array<i32>} : memref<80x128xbf16, #tpu.memory_space<vmem>>, vector<32xbf16>,
        %mul3A_693 = arith.mulf %get3A_689, %get3A_692 : vector<32xbf16>
        %get3A_694 = arith.index_cast %add3A_679 : i32 to index
        %get3A_695 = arith.constant 64 : index
        %get3A_696 = tpu.vector_load %arg11[%get3A_694, %get3A_695] {strides = array<i32>} : memref<80x128xbf16, #tpu.memory_space<vmem>>, vector<32xbf16>,
        %get3A_697 = arith.index_cast %add3A_679 : i32 to index
        %get3A_698 = arith.constant 64 : index
        %get3A_699 = tpu.vector_load %arg12[%get3A_697, %get3A_698] {strides = array<i32>} : memref<80x128xbf16, #tpu.memory_space<vmem>>, vector<32xbf16>,
        %mul3A_700 = arith.mulf %get3A_696, %get3A_699 : vector<32xbf16>
        %get3A_701 = arith.index_cast %add3A_679 : i32 to index
        %get3A_702 = arith.constant 96 : index
        %get3A_703 = tpu.vector_load %arg11[%get3A_701, %get3A_702] {strides = array<i32>} : memref<80x128xbf16, #tpu.memory_space<vmem>>, vector<32xbf16>,
        %get3A_704 = arith.index_cast %add3A_679 : i32 to index
        %get3A_705 = arith.constant 96 : index
        %get3A_706 = tpu.vector_load %arg12[%get3A_704, %get3A_705] {strides = array<i32>} : memref<80x128xbf16, #tpu.memory_space<vmem>>, vector<32xbf16>,
        %mul3A_707 = arith.mulf %get3A_703, %get3A_706 : vector<32xbf16>
        %add3A_708 = arith.addf %mul3A_686, %mul3A_693 : vector<32xbf16>
        %add3A_709 = arith.addf %mul3A_700, %mul3A_707 : vector<32xbf16>
        %add3A_710 = arith.addf %add3A_708, %add3A_709 : vector<32xbf16>
        %swap3A_711 = arith.index_cast %add3A_679 : i32 to index
        %swap3A_712 = arith.constant 0 : index
        %swap3A_713 = tpu.vector_load %arg14[%swap3A_711, %swap3A_712] {strides = array<i32>} : memref<80x32xbf16, #tpu.memory_space<vmem>>, vector<32xbf16>,
        tpu.vector_store %arg14[%swap3A_711, %swap3A_712], %add3A_710 {strides = array<i32>} : memref<80x32xbf16, #tpu.memory_space<vmem>>, vector<32xbf16>,
        %mul3A_714 = arith.constant 16 : i32
        %mul3A_715 = arith.muli %add3A_145, %mul3A_714 : i32
        %add3A_716 = arith.constant 15 : i32
        %add3A_717 = arith.addi %mul3A_715, %add3A_716 : i32
        %get3A_718 = arith.index_cast %add3A_717 : i32 to index
        %get3A_719 = arith.constant 0 : index
        %get3A_720 = tpu.vector_load %arg11[%get3A_718, %get3A_719] {strides = array<i32>} : memref<80x128xbf16, #tpu.memory_space<vmem>>, vector<32xbf16>,
        %get3A_721 = arith.index_cast %add3A_717 : i32 to index
        %get3A_722 = arith.constant 0 : index
        %get3A_723 = tpu.vector_load %arg12[%get3A_721, %get3A_722] {strides = array<i32>} : memref<80x128xbf16, #tpu.memory_space<vmem>>, vector<32xbf16>,
        %mul3A_724 = arith.mulf %get3A_720, %get3A_723 : vector<32xbf16>
        %get3A_725 = arith.index_cast %add3A_717 : i32 to index
        %get3A_726 = arith.constant 32 : index
        %get3A_727 = tpu.vector_load %arg11[%get3A_725, %get3A_726] {strides = array<i32>} : memref<80x128xbf16, #tpu.memory_space<vmem>>, vector<32xbf16>,
        %get3A_728 = arith.index_cast %add3A_717 : i32 to index
        %get3A_729 = arith.constant 32 : index
        %get3A_730 = tpu.vector_load %arg12[%get3A_728, %get3A_729] {strides = array<i32>} : memref<80x128xbf16, #tpu.memory_space<vmem>>, vector<32xbf16>,
        %mul3A_731 = arith.mulf %get3A_727, %get3A_730 : vector<32xbf16>
        %get3A_732 = arith.index_cast %add3A_717 : i32 to index
        %get3A_733 = arith.constant 64 : index
        %get3A_734 = tpu.vector_load %arg11[%get3A_732, %get3A_733] {strides = array<i32>} : memref<80x128xbf16, #tpu.memory_space<vmem>>, vector<32xbf16>,
        %get3A_735 = arith.index_cast %add3A_717 : i32 to index
        %get3A_736 = arith.constant 64 : index
        %get3A_737 = tpu.vector_load %arg12[%get3A_735, %get3A_736] {strides = array<i32>} : memref<80x128xbf16, #tpu.memory_space<vmem>>, vector<32xbf16>,
        %mul3A_738 = arith.mulf %get3A_734, %get3A_737 : vector<32xbf16>
        %get3A_739 = arith.index_cast %add3A_717 : i32 to index
        %get3A_740 = arith.constant 96 : index
        %get3A_741 = tpu.vector_load %arg11[%get3A_739, %get3A_740] {strides = array<i32>} : memref<80x128xbf16, #tpu.memory_space<vmem>>, vector<32xbf16>,
        %get3A_742 = arith.index_cast %add3A_717 : i32 to index
        %get3A_743 = arith.constant 96 : index
        %get3A_744 = tpu.vector_load %arg12[%get3A_742, %get3A_743] {strides = array<i32>} : memref<80x128xbf16, #tpu.memory_space<vmem>>, vector<32xbf16>,
        %mul3A_745 = arith.mulf %get3A_741, %get3A_744 : vector<32xbf16>
        %add3A_746 = arith.addf %mul3A_724, %mul3A_731 : vector<32xbf16>
        %add3A_747 = arith.addf %mul3A_738, %mul3A_745 : vector<32xbf16>
        %add3A_748 = arith.addf %add3A_746, %add3A_747 : vector<32xbf16>
        %swap3A_749 = arith.index_cast %add3A_717 : i32 to index
        %swap3A_750 = arith.constant 0 : index
        %swap3A_751 = tpu.vector_load %arg14[%swap3A_749, %swap3A_750] {strides = array<i32>} : memref<80x32xbf16, #tpu.memory_space<vmem>>, vector<32xbf16>,
        tpu.vector_store %arg14[%swap3A_749, %swap3A_750], %add3A_748 {strides = array<i32>} : memref<80x32xbf16, #tpu.memory_space<vmem>>, vector<32xbf16>,
      }
      %scan3A_126 = arith.constant 5 : i32
      %mul3A_127 = arith.constant 80 : i32
      %mul3A_128 = arith.muli %add3A_104, %mul3A_127 : i32
      %add3A_129 = arith.addi %mul3A_2, %mul3A_128 : i32
      %dma_start3A_130 = arith.constant 0 : i32
      %dma_start3A_131 = tpu.memref_slice %arg6[%add3A_129, %dma_start3A_130] : memref<320000x32xbf16, #tpu.memory_space<hbm>> -> memref<80x32xbf16, #tpu.memory_space<hbm>>
      %dma_start3A_132 = arith.constant 0 : i32
      %dma_start3A_133 = tpu.memref_slice %arg6[%add3A_129, %dma_start3A_132] : memref<320000x32xbf16, #tpu.memory_space<hbm>> -> memref<80x32xbf16, #tpu.memory_space<hbm>>
      tpu.enqueue_dma source(%arg14 : memref<80x32xbf16, #tpu.memory_space<vmem>>) target(%dma_start3A_133 : memref<80x32xbf16, #tpu.memory_space<hbm>>) target_semaphore(%arg20 : memref<!tpu.dma_semaphore, #tpu.memory_space<semaphore_mem>>)
      %add3A_134 = arith.constant 2 : i32
      %add3A_135 = arith.addi %add3A_104, %add3A_134 : i32
      %lt3A_136 = arith.constant 125 : i32
      %lt3A_137 = arith.cmpi slt, %add3A_135, %lt3A_136 : i32
      %convert_element_type3A_138 = arith.extui %lt3A_137 : i1 to i32
      %cond3A_139 = arith.constant 0 : i32
      %cond3A_140 = arith.cmpi ne, %convert_element_type3A_138, %cond3A_139 : i32
      scf.if %cond3A_140 {
        %mul3A_141 = arith.constant 80 : i32
        %mul3A_142 = arith.muli %add3A_135, %mul3A_141 : i32
        %dma_start3A_143 = tpu.memref_slice %arg7[%mul3A_142] : memref<10000xi32, #tpu.memory_space<vmem>> -> memref<80xi32, #tpu.memory_space<vmem>>
        %dma_start3A_144 = arith.constant 0 : i32
        %dma_start3A_145 = arith.constant 0 : i32
        %dma_start3A_146 = tpu.memref_slice %arg2[%dma_start3A_144, %dma_start3A_145] : memref<10000x128xbf16, #tpu.memory_space<hbm>> -> memref<10000x128xbf16, #tpu.memory_space<hbm>>
        tpu.enqueue_indirect_dma source(%dma_start3A_146 : memref<10000x128xbf16, #tpu.memory_space<hbm>>) target(%arg11 : memref<80x128xbf16, #tpu.memory_space<vmem>>) offsets(%dma_start3A_143 : memref<80xi32, #tpu.memory_space<vmem>>) semaphore(%arg17 : memref<!tpu.dma_semaphore, #tpu.memory_space<semaphore_mem>>)
        %mul3A_147 = arith.constant 80 : i32
        %mul3A_148 = arith.muli %add3A_135, %mul3A_147 : i32
        %dma_start3A_149 = tpu.memref_slice %arg8[%mul3A_148] : memref<10000xi32, #tpu.memory_space<vmem>> -> memref<80xi32, #tpu.memory_space<vmem>>
        %dma_start3A_150 = arith.constant 0 : i32
        %dma_start3A_151 = arith.constant 0 : i32
        %dma_start3A_152 = tpu.memref_slice %arg3[%dma_start3A_150, %dma_start3A_151] : memref<10000x128xbf16, #tpu.memory_space<hbm>> -> memref<10000x128xbf16, #tpu.memory_space<hbm>>
        tpu.enqueue_indirect_dma source(%dma_start3A_152 : memref<10000x128xbf16, #tpu.memory_space<hbm>>) target(%arg12 : memref<80x128xbf16, #tpu.memory_space<vmem>>) offsets(%dma_start3A_149 : memref<80xi32, #tpu.memory_space<vmem>>) semaphore(%arg18 : memref<!tpu.dma_semaphore, #tpu.memory_space<semaphore_mem>>)
      } else {
      }
    }
    %scan3A_25 = arith.constant 62 : i32
    %dma_wait3A = arith.constant 9920 : i32
    %dma_wait3A_26 = tpu.memref_slice %arg7[%dma_wait3A] : memref<10000xi32, #tpu.memory_space<vmem>> -> memref<80xi32, #tpu.memory_space<vmem>>
    %dma_wait3A_27 = arith.constant 0 : i32
    %dma_wait3A_28 = arith.constant 0 : i32
    %dma_wait3A_29 = tpu.memref_slice %arg2[%dma_wait3A_27, %dma_wait3A_28] : memref<10000x128xbf16, #tpu.memory_space<hbm>> -> memref<10000x128xbf16, #tpu.memory_space<hbm>>
    tpu.wait_indirect_dma semaphore(%arg15 : memref<!tpu.dma_semaphore, #tpu.memory_space<semaphore_mem>>) src(%dma_wait3A_29 : memref<10000x128xbf16, #tpu.memory_space<hbm>>) dst(%arg9 : memref<80x128xbf16, #tpu.memory_space<vmem>>)
    %dma_wait3A_30 = arith.constant 9920 : i32
    %dma_wait3A_31 = tpu.memref_slice %arg8[%dma_wait3A_30] : memref<10000xi32, #tpu.memory_space<vmem>> -> memref<80xi32, #tpu.memory_space<vmem>>
    %dma_wait3A_32 = arith.constant 0 : i32
    %dma_wait3A_33 = arith.constant 0 : i32
    %dma_wait3A_34 = tpu.memref_slice %arg3[%dma_wait3A_32, %dma_wait3A_33] : memref<10000x128xbf16, #tpu.memory_space<hbm>> -> memref<10000x128xbf16, #tpu.memory_space<hbm>>
    tpu.wait_indirect_dma semaphore(%arg16 : memref<!tpu.dma_semaphore, #tpu.memory_space<semaphore_mem>>) src(%dma_wait3A_34 : memref<10000x128xbf16, #tpu.memory_space<hbm>>) dst(%arg10 : memref<80x128xbf16, #tpu.memory_space<vmem>>)
    %add3A_35 = arith.constant 9760 : i32
    %add3A_36 = arith.addi %mul3A_2, %add3A_35 : i32
    %dma_wait3A_37 = arith.constant 0 : i32
    %dma_wait3A_38 = tpu.memref_slice %arg6[%add3A_36, %dma_wait3A_37] : memref<320000x32xbf16, #tpu.memory_space<hbm>> -> memref<80x32xbf16, #tpu.memory_space<hbm>>
    %dma_wait3A_39 = arith.constant 0 : i32
    %dma_wait3A_40 = tpu.memref_slice %arg6[%add3A_36, %dma_wait3A_39] : memref<320000x32xbf16, #tpu.memory_space<hbm>> -> memref<80x32xbf16, #tpu.memory_space<hbm>>
    tpu.wait_dma2 semaphore(%arg19 : memref<!tpu.dma_semaphore, #tpu.memory_space<semaphore_mem>>) src(%arg13 : memref<80x32xbf16, #tpu.memory_space<vmem>>) dst(%dma_wait3A_40 : memref<80x32xbf16, #tpu.memory_space<hbm>>)
    %scan3A_41 = arith.constant 0 : i32
    %scan3A_42 = arith.constant 5 : i32
    %scan3A_43 = arith.addi %scan3A_41, %scan3A_42 : i32
    %scan3A_44 = arith.constant 1 : i32
    scf.for %scan3A_64 = %scan3A_41 to %scan3A_43 step %scan3A_44  : i32 {
      %mul3A_65 = arith.constant 1 : i32
      %mul3A_66 = arith.muli %scan3A_64, %mul3A_65 : i32
      %add3A_67 = arith.constant 0 : i32
      %add3A_68 = arith.addi %add3A_67, %mul3A_66 : i32
      %mul3A_69 = arith.constant 16 : i32
      %mul3A_70 = arith.muli %add3A_68, %mul3A_69 : i32
      %add3A_71 = arith.constant 0 : i32
      %add3A_72 = arith.addi %mul3A_70, %add3A_71 : i32
      %get3A = arith.index_cast %add3A_72 : i32 to index
      %get3A_73 = arith.constant 0 : index
      %get3A_74 = tpu.vector_load %arg9[%get3A, %get3A_73] {strides = array<i32>} : memref<80x128xbf16, #tpu.memory_space<vmem>>, vector<32xbf16>,
      %get3A_75 = arith.index_cast %add3A_72 : i32 to index
      %get3A_76 = arith.constant 0 : index
      %get3A_77 = tpu.vector_load %arg10[%get3A_75, %get3A_76] {strides = array<i32>} : memref<80x128xbf16, #tpu.memory_space<vmem>>, vector<32xbf16>,
      %mul3A_78 = arith.mulf %get3A_74, %get3A_77 : vector<32xbf16>
      %get3A_79 = arith.index_cast %add3A_72 : i32 to index
      %get3A_80 = arith.constant 32 : index
      %get3A_81 = tpu.vector_load %arg9[%get3A_79, %get3A_80] {strides = array<i32>} : memref<80x128xbf16, #tpu.memory_space<vmem>>, vector<32xbf16>,
      %get3A_82 = arith.index_cast %add3A_72 : i32 to index
      %get3A_83 = arith.constant 32 : index
      %get3A_84 = tpu.vector_load %arg10[%get3A_82, %get3A_83] {strides = array<i32>} : memref<80x128xbf16, #tpu.memory_space<vmem>>, vector<32xbf16>,
      %mul3A_85 = arith.mulf %get3A_81, %get3A_84 : vector<32xbf16>
      %get3A_86 = arith.index_cast %add3A_72 : i32 to index
      %get3A_87 = arith.constant 64 : index
      %get3A_88 = tpu.vector_load %arg9[%get3A_86, %get3A_87] {strides = array<i32>} : memref<80x128xbf16, #tpu.memory_space<vmem>>, vector<32xbf16>,
      %get3A_89 = arith.index_cast %add3A_72 : i32 to index
      %get3A_90 = arith.constant 64 : index
      %get3A_91 = tpu.vector_load %arg10[%get3A_89, %get3A_90] {strides = array<i32>} : memref<80x128xbf16, #tpu.memory_space<vmem>>, vector<32xbf16>,
      %mul3A_92 = arith.mulf %get3A_88, %get3A_91 : vector<32xbf16>
      %get3A_93 = arith.index_cast %add3A_72 : i32 to index
      %get3A_94 = arith.constant 96 : index
      %get3A_95 = tpu.vector_load %arg9[%get3A_93, %get3A_94] {strides = array<i32>} : memref<80x128xbf16, #tpu.memory_space<vmem>>, vector<32xbf16>,
      %get3A_96 = arith.index_cast %add3A_72 : i32 to index
      %get3A_97 = arith.constant 96 : index
      %get3A_98 = tpu.vector_load %arg10[%get3A_96, %get3A_97] {strides = array<i32>} : memref<80x128xbf16, #tpu.memory_space<vmem>>, vector<32xbf16>,
      %mul3A_99 = arith.mulf %get3A_95, %get3A_98 : vector<32xbf16>
      %add3A_100 = arith.addf %mul3A_78, %mul3A_85 : vector<32xbf16>
      %add3A_101 = arith.addf %mul3A_92, %mul3A_99 : vector<32xbf16>
      %add3A_102 = arith.addf %add3A_100, %add3A_101 : vector<32xbf16>
      %swap3A = arith.index_cast %add3A_72 : i32 to index
      %swap3A_103 = arith.constant 0 : index
      %swap3A_104 = tpu.vector_load %arg13[%swap3A, %swap3A_103] {strides = array<i32>} : memref<80x32xbf16, #tpu.memory_space<vmem>>, vector<32xbf16>,
      tpu.vector_store %arg13[%swap3A, %swap3A_103], %add3A_102 {strides = array<i32>} : memref<80x32xbf16, #tpu.memory_space<vmem>>, vector<32xbf16>,
      %mul3A_105 = arith.constant 16 : i32
      %mul3A_106 = arith.muli %add3A_68, %mul3A_105 : i32
      %add3A_107 = arith.constant 1 : i32
      %add3A_108 = arith.addi %mul3A_106, %add3A_107 : i32
      %get3A_109 = arith.index_cast %add3A_108 : i32 to index
      %get3A_110 = arith.constant 0 : index
      %get3A_111 = tpu.vector_load %arg9[%get3A_109, %get3A_110] {strides = array<i32>} : memref<80x128xbf16, #tpu.memory_space<vmem>>, vector<32xbf16>,
      %get3A_112 = arith.index_cast %add3A_108 : i32 to index
      %get3A_113 = arith.constant 0 : index
      %get3A_114 = tpu.vector_load %arg10[%get3A_112, %get3A_113] {strides = array<i32>} : memref<80x128xbf16, #tpu.memory_space<vmem>>, vector<32xbf16>,
      %mul3A_115 = arith.mulf %get3A_111, %get3A_114 : vector<32xbf16>
      %get3A_116 = arith.index_cast %add3A_108 : i32 to index
      %get3A_117 = arith.constant 32 : index
      %get3A_118 = tpu.vector_load %arg9[%get3A_116, %get3A_117] {strides = array<i32>} : memref<80x128xbf16, #tpu.memory_space<vmem>>, vector<32xbf16>,
      %get3A_119 = arith.index_cast %add3A_108 : i32 to index
      %get3A_120 = arith.constant 32 : index
      %get3A_121 = tpu.vector_load %arg10[%get3A_119, %get3A_120] {strides = array<i32>} : memref<80x128xbf16, #tpu.memory_space<vmem>>, vector<32xbf16>,
      %mul3A_122 = arith.mulf %get3A_118, %get3A_121 : vector<32xbf16>
      %get3A_123 = arith.index_cast %add3A_108 : i32 to index
      %get3A_124 = arith.constant 64 : index
      %get3A_125 = tpu.vector_load %arg9[%get3A_123, %get3A_124] {strides = array<i32>} : memref<80x128xbf16, #tpu.memory_space<vmem>>, vector<32xbf16>,
      %get3A_126 = arith.index_cast %add3A_108 : i32 to index
      %get3A_127 = arith.constant 64 : index
      %get3A_128 = tpu.vector_load %arg10[%get3A_126, %get3A_127] {strides = array<i32>} : memref<80x128xbf16, #tpu.memory_space<vmem>>, vector<32xbf16>,
      %mul3A_129 = arith.mulf %get3A_125, %get3A_128 : vector<32xbf16>
      %get3A_130 = arith.index_cast %add3A_108 : i32 to index
      %get3A_131 = arith.constant 96 : index
      %get3A_132 = tpu.vector_load %arg9[%get3A_130, %get3A_131] {strides = array<i32>} : memref<80x128xbf16, #tpu.memory_space<vmem>>, vector<32xbf16>,
      %get3A_133 = arith.index_cast %add3A_108 : i32 to index
      %get3A_134 = arith.constant 96 : index
      %get3A_135 = tpu.vector_load %arg10[%get3A_133, %get3A_134] {strides = array<i32>} : memref<80x128xbf16, #tpu.memory_space<vmem>>, vector<32xbf16>,
      %mul3A_136 = arith.mulf %get3A_132, %get3A_135 : vector<32xbf16>
      %add3A_137 = arith.addf %mul3A_115, %mul3A_122 : vector<32xbf16>
      %add3A_138 = arith.addf %mul3A_129, %mul3A_136 : vector<32xbf16>
      %add3A_139 = arith.addf %add3A_137, %add3A_138 : vector<32xbf16>
      %swap3A_140 = arith.index_cast %add3A_108 : i32 to index
      %swap3A_141 = arith.constant 0 : index
      %swap3A_142 = tpu.vector_load %arg13[%swap3A_140, %swap3A_141] {strides = array<i32>} : memref<80x32xbf16, #tpu.memory_space<vmem>>, vector<32xbf16>,
      tpu.vector_store %arg13[%swap3A_140, %swap3A_141], %add3A_139 {strides = array<i32>} : memref<80x32xbf16, #tpu.memory_space<vmem>>, vector<32xbf16>,
      %mul3A_143 = arith.constant 16 : i32
      %mul3A_144 = arith.muli %add3A_68, %mul3A_143 : i32
      %add3A_145 = arith.constant 2 : i32
      %add3A_146 = arith.addi %mul3A_144, %add3A_145 : i32
      %get3A_147 = arith.index_cast %add3A_146 : i32 to index
      %get3A_148 = arith.constant 0 : index
      %get3A_149 = tpu.vector_load %arg9[%get3A_147, %get3A_148] {strides = array<i32>} : memref<80x128xbf16, #tpu.memory_space<vmem>>, vector<32xbf16>,
      %get3A_150 = arith.index_cast %add3A_146 : i32 to index
      %get3A_151 = arith.constant 0 : index
      %get3A_152 = tpu.vector_load %arg10[%get3A_150, %get3A_151] {strides = array<i32>} : memref<80x128xbf16, #tpu.memory_space<vmem>>, vector<32xbf16>,
      %mul3A_153 = arith.mulf %get3A_149, %get3A_152 : vector<32xbf16>
      %get3A_154 = arith.index_cast %add3A_146 : i32 to index
      %get3A_155 = arith.constant 32 : index
      %get3A_156 = tpu.vector_load %arg9[%get3A_154, %get3A_155] {strides = array<i32>} : memref<80x128xbf16, #tpu.memory_space<vmem>>, vector<32xbf16>,
      %get3A_157 = arith.index_cast %add3A_146 : i32 to index
      %get3A_158 = arith.constant 32 : index
      %get3A_159 = tpu.vector_load %arg10[%get3A_157, %get3A_158] {strides = array<i32>} : memref<80x128xbf16, #tpu.memory_space<vmem>>, vector<32xbf16>,
      %mul3A_160 = arith.mulf %get3A_156, %get3A_159 : vector<32xbf16>
      %get3A_161 = arith.index_cast %add3A_146 : i32 to index
      %get3A_162 = arith.constant 64 : index
      %get3A_163 = tpu.vector_load %arg9[%get3A_161, %get3A_162] {strides = array<i32>} : memref<80x128xbf16, #tpu.memory_space<vmem>>, vector<32xbf16>,
      %get3A_164 = arith.index_cast %add3A_146 : i32 to index
      %get3A_165 = arith.constant 64 : index
      %get3A_166 = tpu.vector_load %arg10[%get3A_164, %get3A_165] {strides = array<i32>} : memref<80x128xbf16, #tpu.memory_space<vmem>>, vector<32xbf16>,
      %mul3A_167 = arith.mulf %get3A_163, %get3A_166 : vector<32xbf16>
      %get3A_168 = arith.index_cast %add3A_146 : i32 to index
      %get3A_169 = arith.constant 96 : index
      %get3A_170 = tpu.vector_load %arg9[%get3A_168, %get3A_169] {strides = array<i32>} : memref<80x128xbf16, #tpu.memory_space<vmem>>, vector<32xbf16>,
      %get3A_171 = arith.index_cast %add3A_146 : i32 to index
      %get3A_172 = arith.constant 96 : index
      %get3A_173 = tpu.vector_load %arg10[%get3A_171, %get3A_172] {strides = array<i32>} : memref<80x128xbf16, #tpu.memory_space<vmem>>, vector<32xbf16>,
      %mul3A_174 = arith.mulf %get3A_170, %get3A_173 : vector<32xbf16>
      %add3A_175 = arith.addf %mul3A_153, %mul3A_160 : vector<32xbf16>
      %add3A_176 = arith.addf %mul3A_167, %mul3A_174 : vector<32xbf16>
      %add3A_177 = arith.addf %add3A_175, %add3A_176 : vector<32xbf16>
      %swap3A_178 = arith.index_cast %add3A_146 : i32 to index
      %swap3A_179 = arith.constant 0 : index
      %swap3A_180 = tpu.vector_load %arg13[%swap3A_178, %swap3A_179] {strides = array<i32>} : memref<80x32xbf16, #tpu.memory_space<vmem>>, vector<32xbf16>,
      tpu.vector_store %arg13[%swap3A_178, %swap3A_179], %add3A_177 {strides = array<i32>} : memref<80x32xbf16, #tpu.memory_space<vmem>>, vector<32xbf16>,
      %mul3A_181 = arith.constant 16 : i32
      %mul3A_182 = arith.muli %add3A_68, %mul3A_181 : i32
      %add3A_183 = arith.constant 3 : i32
      %add3A_184 = arith.addi %mul3A_182, %add3A_183 : i32
      %get3A_185 = arith.index_cast %add3A_184 : i32 to index
      %get3A_186 = arith.constant 0 : index
      %get3A_187 = tpu.vector_load %arg9[%get3A_185, %get3A_186] {strides = array<i32>} : memref<80x128xbf16, #tpu.memory_space<vmem>>, vector<32xbf16>,
      %get3A_188 = arith.index_cast %add3A_184 : i32 to index
      %get3A_189 = arith.constant 0 : index
      %get3A_190 = tpu.vector_load %arg10[%get3A_188, %get3A_189] {strides = array<i32>} : memref<80x128xbf16, #tpu.memory_space<vmem>>, vector<32xbf16>,
      %mul3A_191 = arith.mulf %get3A_187, %get3A_190 : vector<32xbf16>
      %get3A_192 = arith.index_cast %add3A_184 : i32 to index
      %get3A_193 = arith.constant 32 : index
      %get3A_194 = tpu.vector_load %arg9[%get3A_192, %get3A_193] {strides = array<i32>} : memref<80x128xbf16, #tpu.memory_space<vmem>>, vector<32xbf16>,
      %get3A_195 = arith.index_cast %add3A_184 : i32 to index
      %get3A_196 = arith.constant 32 : index
      %get3A_197 = tpu.vector_load %arg10[%get3A_195, %get3A_196] {strides = array<i32>} : memref<80x128xbf16, #tpu.memory_space<vmem>>, vector<32xbf16>,
      %mul3A_198 = arith.mulf %get3A_194, %get3A_197 : vector<32xbf16>
      %get3A_199 = arith.index_cast %add3A_184 : i32 to index
      %get3A_200 = arith.constant 64 : index
      %get3A_201 = tpu.vector_load %arg9[%get3A_199, %get3A_200] {strides = array<i32>} : memref<80x128xbf16, #tpu.memory_space<vmem>>, vector<32xbf16>,
      %get3A_202 = arith.index_cast %add3A_184 : i32 to index
      %get3A_203 = arith.constant 64 : index
      %get3A_204 = tpu.vector_load %arg10[%get3A_202, %get3A_203] {strides = array<i32>} : memref<80x128xbf16, #tpu.memory_space<vmem>>, vector<32xbf16>,
      %mul3A_205 = arith.mulf %get3A_201, %get3A_204 : vector<32xbf16>
      %get3A_206 = arith.index_cast %add3A_184 : i32 to index
      %get3A_207 = arith.constant 96 : index
      %get3A_208 = tpu.vector_load %arg9[%get3A_206, %get3A_207] {strides = array<i32>} : memref<80x128xbf16, #tpu.memory_space<vmem>>, vector<32xbf16>,
      %get3A_209 = arith.index_cast %add3A_184 : i32 to index
      %get3A_210 = arith.constant 96 : index
      %get3A_211 = tpu.vector_load %arg10[%get3A_209, %get3A_210] {strides = array<i32>} : memref<80x128xbf16, #tpu.memory_space<vmem>>, vector<32xbf16>,
      %mul3A_212 = arith.mulf %get3A_208, %get3A_211 : vector<32xbf16>
      %add3A_213 = arith.addf %mul3A_191, %mul3A_198 : vector<32xbf16>
      %add3A_214 = arith.addf %mul3A_205, %mul3A_212 : vector<32xbf16>
      %add3A_215 = arith.addf %add3A_213, %add3A_214 : vector<32xbf16>
      %swap3A_216 = arith.index_cast %add3A_184 : i32 to index
      %swap3A_217 = arith.constant 0 : index
      %swap3A_218 = tpu.vector_load %arg13[%swap3A_216, %swap3A_217] {strides = array<i32>} : memref<80x32xbf16, #tpu.memory_space<vmem>>, vector<32xbf16>,
      tpu.vector_store %arg13[%swap3A_216, %swap3A_217], %add3A_215 {strides = array<i32>} : memref<80x32xbf16, #tpu.memory_space<vmem>>, vector<32xbf16>,
      %mul3A_219 = arith.constant 16 : i32
      %mul3A_220 = arith.muli %add3A_68, %mul3A_219 : i32
      %add3A_221 = arith.constant 4 : i32
      %add3A_222 = arith.addi %mul3A_220, %add3A_221 : i32
      %get3A_223 = arith.index_cast %add3A_222 : i32 to index
      %get3A_224 = arith.constant 0 : index
      %get3A_225 = tpu.vector_load %arg9[%get3A_223, %get3A_224] {strides = array<i32>} : memref<80x128xbf16, #tpu.memory_space<vmem>>, vector<32xbf16>,
      %get3A_226 = arith.index_cast %add3A_222 : i32 to index
      %get3A_227 = arith.constant 0 : index
      %get3A_228 = tpu.vector_load %arg10[%get3A_226, %get3A_227] {strides = array<i32>} : memref<80x128xbf16, #tpu.memory_space<vmem>>, vector<32xbf16>,
      %mul3A_229 = arith.mulf %get3A_225, %get3A_228 : vector<32xbf16>
      %get3A_230 = arith.index_cast %add3A_222 : i32 to index
      %get3A_231 = arith.constant 32 : index
      %get3A_232 = tpu.vector_load %arg9[%get3A_230, %get3A_231] {strides = array<i32>} : memref<80x128xbf16, #tpu.memory_space<vmem>>, vector<32xbf16>,
      %get3A_233 = arith.index_cast %add3A_222 : i32 to index
      %get3A_234 = arith.constant 32 : index
      %get3A_235 = tpu.vector_load %arg10[%get3A_233, %get3A_234] {strides = array<i32>} : memref<80x128xbf16, #tpu.memory_space<vmem>>, vector<32xbf16>,
      %mul3A_236 = arith.mulf %get3A_232, %get3A_235 : vector<32xbf16>
      %get3A_237 = arith.index_cast %add3A_222 : i32 to index
      %get3A_238 = arith.constant 64 : index
      %get3A_239 = tpu.vector_load %arg9[%get3A_237, %get3A_238] {strides = array<i32>} : memref<80x128xbf16, #tpu.memory_space<vmem>>, vector<32xbf16>,
      %get3A_240 = arith.index_cast %add3A_222 : i32 to index
      %get3A_241 = arith.constant 64 : index
      %get3A_242 = tpu.vector_load %arg10[%get3A_240, %get3A_241] {strides = array<i32>} : memref<80x128xbf16, #tpu.memory_space<vmem>>, vector<32xbf16>,
      %mul3A_243 = arith.mulf %get3A_239, %get3A_242 : vector<32xbf16>
      %get3A_244 = arith.index_cast %add3A_222 : i32 to index
      %get3A_245 = arith.constant 96 : index
      %get3A_246 = tpu.vector_load %arg9[%get3A_244, %get3A_245] {strides = array<i32>} : memref<80x128xbf16, #tpu.memory_space<vmem>>, vector<32xbf16>,
      %get3A_247 = arith.index_cast %add3A_222 : i32 to index
      %get3A_248 = arith.constant 96 : index
      %get3A_249 = tpu.vector_load %arg10[%get3A_247, %get3A_248] {strides = array<i32>} : memref<80x128xbf16, #tpu.memory_space<vmem>>, vector<32xbf16>,
      %mul3A_250 = arith.mulf %get3A_246, %get3A_249 : vector<32xbf16>
      %add3A_251 = arith.addf %mul3A_229, %mul3A_236 : vector<32xbf16>
      %add3A_252 = arith.addf %mul3A_243, %mul3A_250 : vector<32xbf16>
      %add3A_253 = arith.addf %add3A_251, %add3A_252 : vector<32xbf16>
      %swap3A_254 = arith.index_cast %add3A_222 : i32 to index
      %swap3A_255 = arith.constant 0 : index
      %swap3A_256 = tpu.vector_load %arg13[%swap3A_254, %swap3A_255] {strides = array<i32>} : memref<80x32xbf16, #tpu.memory_space<vmem>>, vector<32xbf16>,
      tpu.vector_store %arg13[%swap3A_254, %swap3A_255], %add3A_253 {strides = array<i32>} : memref<80x32xbf16, #tpu.memory_space<vmem>>, vector<32xbf16>,
      %mul3A_257 = arith.constant 16 : i32
      %mul3A_258 = arith.muli %add3A_68, %mul3A_257 : i32
      %add3A_259 = arith.constant 5 : i32
      %add3A_260 = arith.addi %mul3A_258, %add3A_259 : i32
      %get3A_261 = arith.index_cast %add3A_260 : i32 to index
      %get3A_262 = arith.constant 0 : index
      %get3A_263 = tpu.vector_load %arg9[%get3A_261, %get3A_262] {strides = array<i32>} : memref<80x128xbf16, #tpu.memory_space<vmem>>, vector<32xbf16>,
      %get3A_264 = arith.index_cast %add3A_260 : i32 to index
      %get3A_265 = arith.constant 0 : index
      %get3A_266 = tpu.vector_load %arg10[%get3A_264, %get3A_265] {strides = array<i32>} : memref<80x128xbf16, #tpu.memory_space<vmem>>, vector<32xbf16>,
      %mul3A_267 = arith.mulf %get3A_263, %get3A_266 : vector<32xbf16>
      %get3A_268 = arith.index_cast %add3A_260 : i32 to index
      %get3A_269 = arith.constant 32 : index
      %get3A_270 = tpu.vector_load %arg9[%get3A_268, %get3A_269] {strides = array<i32>} : memref<80x128xbf16, #tpu.memory_space<vmem>>, vector<32xbf16>,
      %get3A_271 = arith.index_cast %add3A_260 : i32 to index
      %get3A_272 = arith.constant 32 : index
      %get3A_273 = tpu.vector_load %arg10[%get3A_271, %get3A_272] {strides = array<i32>} : memref<80x128xbf16, #tpu.memory_space<vmem>>, vector<32xbf16>,
      %mul3A_274 = arith.mulf %get3A_270, %get3A_273 : vector<32xbf16>
      %get3A_275 = arith.index_cast %add3A_260 : i32 to index
      %get3A_276 = arith.constant 64 : index
      %get3A_277 = tpu.vector_load %arg9[%get3A_275, %get3A_276] {strides = array<i32>} : memref<80x128xbf16, #tpu.memory_space<vmem>>, vector<32xbf16>,
      %get3A_278 = arith.index_cast %add3A_260 : i32 to index
      %get3A_279 = arith.constant 64 : index
      %get3A_280 = tpu.vector_load %arg10[%get3A_278, %get3A_279] {strides = array<i32>} : memref<80x128xbf16, #tpu.memory_space<vmem>>, vector<32xbf16>,
      %mul3A_281 = arith.mulf %get3A_277, %get3A_280 : vector<32xbf16>
      %get3A_282 = arith.index_cast %add3A_260 : i32 to index
      %get3A_283 = arith.constant 96 : index
      %get3A_284 = tpu.vector_load %arg9[%get3A_282, %get3A_283] {strides = array<i32>} : memref<80x128xbf16, #tpu.memory_space<vmem>>, vector<32xbf16>,
      %get3A_285 = arith.index_cast %add3A_260 : i32 to index
      %get3A_286 = arith.constant 96 : index
      %get3A_287 = tpu.vector_load %arg10[%get3A_285, %get3A_286] {strides = array<i32>} : memref<80x128xbf16, #tpu.memory_space<vmem>>, vector<32xbf16>,
      %mul3A_288 = arith.mulf %get3A_284, %get3A_287 : vector<32xbf16>
      %add3A_289 = arith.addf %mul3A_267, %mul3A_274 : vector<32xbf16>
      %add3A_290 = arith.addf %mul3A_281, %mul3A_288 : vector<32xbf16>
      %add3A_291 = arith.addf %add3A_289, %add3A_290 : vector<32xbf16>
      %swap3A_292 = arith.index_cast %add3A_260 : i32 to index
      %swap3A_293 = arith.constant 0 : index
      %swap3A_294 = tpu.vector_load %arg13[%swap3A_292, %swap3A_293] {strides = array<i32>} : memref<80x32xbf16, #tpu.memory_space<vmem>>, vector<32xbf16>,
      tpu.vector_store %arg13[%swap3A_292, %swap3A_293], %add3A_291 {strides = array<i32>} : memref<80x32xbf16, #tpu.memory_space<vmem>>, vector<32xbf16>,
      %mul3A_295 = arith.constant 16 : i32
      %mul3A_296 = arith.muli %add3A_68, %mul3A_295 : i32
      %add3A_297 = arith.constant 6 : i32
      %add3A_298 = arith.addi %mul3A_296, %add3A_297 : i32
      %get3A_299 = arith.index_cast %add3A_298 : i32 to index
      %get3A_300 = arith.constant 0 : index
      %get3A_301 = tpu.vector_load %arg9[%get3A_299, %get3A_300] {strides = array<i32>} : memref<80x128xbf16, #tpu.memory_space<vmem>>, vector<32xbf16>,
      %get3A_302 = arith.index_cast %add3A_298 : i32 to index
      %get3A_303 = arith.constant 0 : index
      %get3A_304 = tpu.vector_load %arg10[%get3A_302, %get3A_303] {strides = array<i32>} : memref<80x128xbf16, #tpu.memory_space<vmem>>, vector<32xbf16>,
      %mul3A_305 = arith.mulf %get3A_301, %get3A_304 : vector<32xbf16>
      %get3A_306 = arith.index_cast %add3A_298 : i32 to index
      %get3A_307 = arith.constant 32 : index
      %get3A_308 = tpu.vector_load %arg9[%get3A_306, %get3A_307] {strides = array<i32>} : memref<80x128xbf16, #tpu.memory_space<vmem>>, vector<32xbf16>,
      %get3A_309 = arith.index_cast %add3A_298 : i32 to index
      %get3A_310 = arith.constant 32 : index
      %get3A_311 = tpu.vector_load %arg10[%get3A_309, %get3A_310] {strides = array<i32>} : memref<80x128xbf16, #tpu.memory_space<vmem>>, vector<32xbf16>,
      %mul3A_312 = arith.mulf %get3A_308, %get3A_311 : vector<32xbf16>
      %get3A_313 = arith.index_cast %add3A_298 : i32 to index
      %get3A_314 = arith.constant 64 : index
      %get3A_315 = tpu.vector_load %arg9[%get3A_313, %get3A_314] {strides = array<i32>} : memref<80x128xbf16, #tpu.memory_space<vmem>>, vector<32xbf16>,
      %get3A_316 = arith.index_cast %add3A_298 : i32 to index
      %get3A_317 = arith.constant 64 : index
      %get3A_318 = tpu.vector_load %arg10[%get3A_316, %get3A_317] {strides = array<i32>} : memref<80x128xbf16, #tpu.memory_space<vmem>>, vector<32xbf16>,
      %mul3A_319 = arith.mulf %get3A_315, %get3A_318 : vector<32xbf16>
      %get3A_320 = arith.index_cast %add3A_298 : i32 to index
      %get3A_321 = arith.constant 96 : index
      %get3A_322 = tpu.vector_load %arg9[%get3A_320, %get3A_321] {strides = array<i32>} : memref<80x128xbf16, #tpu.memory_space<vmem>>, vector<32xbf16>,
      %get3A_323 = arith.index_cast %add3A_298 : i32 to index
      %get3A_324 = arith.constant 96 : index
      %get3A_325 = tpu.vector_load %arg10[%get3A_323, %get3A_324] {strides = array<i32>} : memref<80x128xbf16, #tpu.memory_space<vmem>>, vector<32xbf16>,
      %mul3A_326 = arith.mulf %get3A_322, %get3A_325 : vector<32xbf16>
      %add3A_327 = arith.addf %mul3A_305, %mul3A_312 : vector<32xbf16>
      %add3A_328 = arith.addf %mul3A_319, %mul3A_326 : vector<32xbf16>
      %add3A_329 = arith.addf %add3A_327, %add3A_328 : vector<32xbf16>
      %swap3A_330 = arith.index_cast %add3A_298 : i32 to index
      %swap3A_331 = arith.constant 0 : index
      %swap3A_332 = tpu.vector_load %arg13[%swap3A_330, %swap3A_331] {strides = array<i32>} : memref<80x32xbf16, #tpu.memory_space<vmem>>, vector<32xbf16>,
      tpu.vector_store %arg13[%swap3A_330, %swap3A_331], %add3A_329 {strides = array<i32>} : memref<80x32xbf16, #tpu.memory_space<vmem>>, vector<32xbf16>,
      %mul3A_333 = arith.constant 16 : i32
      %mul3A_334 = arith.muli %add3A_68, %mul3A_333 : i32
      %add3A_335 = arith.constant 7 : i32
      %add3A_336 = arith.addi %mul3A_334, %add3A_335 : i32
      %get3A_337 = arith.index_cast %add3A_336 : i32 to index
      %get3A_338 = arith.constant 0 : index
      %get3A_339 = tpu.vector_load %arg9[%get3A_337, %get3A_338] {strides = array<i32>} : memref<80x128xbf16, #tpu.memory_space<vmem>>, vector<32xbf16>,
      %get3A_340 = arith.index_cast %add3A_336 : i32 to index
      %get3A_341 = arith.constant 0 : index
      %get3A_342 = tpu.vector_load %arg10[%get3A_340, %get3A_341] {strides = array<i32>} : memref<80x128xbf16, #tpu.memory_space<vmem>>, vector<32xbf16>,
      %mul3A_343 = arith.mulf %get3A_339, %get3A_342 : vector<32xbf16>
      %get3A_344 = arith.index_cast %add3A_336 : i32 to index
      %get3A_345 = arith.constant 32 : index
      %get3A_346 = tpu.vector_load %arg9[%get3A_344, %get3A_345] {strides = array<i32>} : memref<80x128xbf16, #tpu.memory_space<vmem>>, vector<32xbf16>,
      %get3A_347 = arith.index_cast %add3A_336 : i32 to index
      %get3A_348 = arith.constant 32 : index
      %get3A_349 = tpu.vector_load %arg10[%get3A_347, %get3A_348] {strides = array<i32>} : memref<80x128xbf16, #tpu.memory_space<vmem>>, vector<32xbf16>,
      %mul3A_350 = arith.mulf %get3A_346, %get3A_349 : vector<32xbf16>
      %get3A_351 = arith.index_cast %add3A_336 : i32 to index
      %get3A_352 = arith.constant 64 : index
      %get3A_353 = tpu.vector_load %arg9[%get3A_351, %get3A_352] {strides = array<i32>} : memref<80x128xbf16, #tpu.memory_space<vmem>>, vector<32xbf16>,
      %get3A_354 = arith.index_cast %add3A_336 : i32 to index
      %get3A_355 = arith.constant 64 : index
      %get3A_356 = tpu.vector_load %arg10[%get3A_354, %get3A_355] {strides = array<i32>} : memref<80x128xbf16, #tpu.memory_space<vmem>>, vector<32xbf16>,
      %mul3A_357 = arith.mulf %get3A_353, %get3A_356 : vector<32xbf16>
      %get3A_358 = arith.index_cast %add3A_336 : i32 to index
      %get3A_359 = arith.constant 96 : index
      %get3A_360 = tpu.vector_load %arg9[%get3A_358, %get3A_359] {strides = array<i32>} : memref<80x128xbf16, #tpu.memory_space<vmem>>, vector<32xbf16>,
      %get3A_361 = arith.index_cast %add3A_336 : i32 to index
      %get3A_362 = arith.constant 96 : index
      %get3A_363 = tpu.vector_load %arg10[%get3A_361, %get3A_362] {strides = array<i32>} : memref<80x128xbf16, #tpu.memory_space<vmem>>, vector<32xbf16>,
      %mul3A_364 = arith.mulf %get3A_360, %get3A_363 : vector<32xbf16>
      %add3A_365 = arith.addf %mul3A_343, %mul3A_350 : vector<32xbf16>
      %add3A_366 = arith.addf %mul3A_357, %mul3A_364 : vector<32xbf16>
      %add3A_367 = arith.addf %add3A_365, %add3A_366 : vector<32xbf16>
      %swap3A_368 = arith.index_cast %add3A_336 : i32 to index
      %swap3A_369 = arith.constant 0 : index
      %swap3A_370 = tpu.vector_load %arg13[%swap3A_368, %swap3A_369] {strides = array<i32>} : memref<80x32xbf16, #tpu.memory_space<vmem>>, vector<32xbf16>,
      tpu.vector_store %arg13[%swap3A_368, %swap3A_369], %add3A_367 {strides = array<i32>} : memref<80x32xbf16, #tpu.memory_space<vmem>>, vector<32xbf16>,
      %mul3A_371 = arith.constant 16 : i32
      %mul3A_372 = arith.muli %add3A_68, %mul3A_371 : i32
      %add3A_373 = arith.constant 8 : i32
      %add3A_374 = arith.addi %mul3A_372, %add3A_373 : i32
      %get3A_375 = arith.index_cast %add3A_374 : i32 to index
      %get3A_376 = arith.constant 0 : index
      %get3A_377 = tpu.vector_load %arg9[%get3A_375, %get3A_376] {strides = array<i32>} : memref<80x128xbf16, #tpu.memory_space<vmem>>, vector<32xbf16>,
      %get3A_378 = arith.index_cast %add3A_374 : i32 to index
      %get3A_379 = arith.constant 0 : index
      %get3A_380 = tpu.vector_load %arg10[%get3A_378, %get3A_379] {strides = array<i32>} : memref<80x128xbf16, #tpu.memory_space<vmem>>, vector<32xbf16>,
      %mul3A_381 = arith.mulf %get3A_377, %get3A_380 : vector<32xbf16>
      %get3A_382 = arith.index_cast %add3A_374 : i32 to index
      %get3A_383 = arith.constant 32 : index
      %get3A_384 = tpu.vector_load %arg9[%get3A_382, %get3A_383] {strides = array<i32>} : memref<80x128xbf16, #tpu.memory_space<vmem>>, vector<32xbf16>,
      %get3A_385 = arith.index_cast %add3A_374 : i32 to index
      %get3A_386 = arith.constant 32 : index
      %get3A_387 = tpu.vector_load %arg10[%get3A_385, %get3A_386] {strides = array<i32>} : memref<80x128xbf16, #tpu.memory_space<vmem>>, vector<32xbf16>,
      %mul3A_388 = arith.mulf %get3A_384, %get3A_387 : vector<32xbf16>
      %get3A_389 = arith.index_cast %add3A_374 : i32 to index
      %get3A_390 = arith.constant 64 : index
      %get3A_391 = tpu.vector_load %arg9[%get3A_389, %get3A_390] {strides = array<i32>} : memref<80x128xbf16, #tpu.memory_space<vmem>>, vector<32xbf16>,
      %get3A_392 = arith.index_cast %add3A_374 : i32 to index
      %get3A_393 = arith.constant 64 : index
      %get3A_394 = tpu.vector_load %arg10[%get3A_392, %get3A_393] {strides = array<i32>} : memref<80x128xbf16, #tpu.memory_space<vmem>>, vector<32xbf16>,
      %mul3A_395 = arith.mulf %get3A_391, %get3A_394 : vector<32xbf16>
      %get3A_396 = arith.index_cast %add3A_374 : i32 to index
      %get3A_397 = arith.constant 96 : index
      %get3A_398 = tpu.vector_load %arg9[%get3A_396, %get3A_397] {strides = array<i32>} : memref<80x128xbf16, #tpu.memory_space<vmem>>, vector<32xbf16>,
      %get3A_399 = arith.index_cast %add3A_374 : i32 to index
      %get3A_400 = arith.constant 96 : index
      %get3A_401 = tpu.vector_load %arg10[%get3A_399, %get3A_400] {strides = array<i32>} : memref<80x128xbf16, #tpu.memory_space<vmem>>, vector<32xbf16>,
      %mul3A_402 = arith.mulf %get3A_398, %get3A_401 : vector<32xbf16>
      %add3A_403 = arith.addf %mul3A_381, %mul3A_388 : vector<32xbf16>
      %add3A_404 = arith.addf %mul3A_395, %mul3A_402 : vector<32xbf16>
      %add3A_405 = arith.addf %add3A_403, %add3A_404 : vector<32xbf16>
      %swap3A_406 = arith.index_cast %add3A_374 : i32 to index
      %swap3A_407 = arith.constant 0 : index
      %swap3A_408 = tpu.vector_load %arg13[%swap3A_406, %swap3A_407] {strides = array<i32>} : memref<80x32xbf16, #tpu.memory_space<vmem>>, vector<32xbf16>,
      tpu.vector_store %arg13[%swap3A_406, %swap3A_407], %add3A_405 {strides = array<i32>} : memref<80x32xbf16, #tpu.memory_space<vmem>>, vector<32xbf16>,
      %mul3A_409 = arith.constant 16 : i32
      %mul3A_410 = arith.muli %add3A_68, %mul3A_409 : i32
      %add3A_411 = arith.constant 9 : i32
      %add3A_412 = arith.addi %mul3A_410, %add3A_411 : i32
      %get3A_413 = arith.index_cast %add3A_412 : i32 to index
      %get3A_414 = arith.constant 0 : index
      %get3A_415 = tpu.vector_load %arg9[%get3A_413, %get3A_414] {strides = array<i32>} : memref<80x128xbf16, #tpu.memory_space<vmem>>, vector<32xbf16>,
      %get3A_416 = arith.index_cast %add3A_412 : i32 to index
      %get3A_417 = arith.constant 0 : index
      %get3A_418 = tpu.vector_load %arg10[%get3A_416, %get3A_417] {strides = array<i32>} : memref<80x128xbf16, #tpu.memory_space<vmem>>, vector<32xbf16>,
      %mul3A_419 = arith.mulf %get3A_415, %get3A_418 : vector<32xbf16>
      %get3A_420 = arith.index_cast %add3A_412 : i32 to index
      %get3A_421 = arith.constant 32 : index
      %get3A_422 = tpu.vector_load %arg9[%get3A_420, %get3A_421] {strides = array<i32>} : memref<80x128xbf16, #tpu.memory_space<vmem>>, vector<32xbf16>,
      %get3A_423 = arith.index_cast %add3A_412 : i32 to index
      %get3A_424 = arith.constant 32 : index
      %get3A_425 = tpu.vector_load %arg10[%get3A_423, %get3A_424] {strides = array<i32>} : memref<80x128xbf16, #tpu.memory_space<vmem>>, vector<32xbf16>,
      %mul3A_426 = arith.mulf %get3A_422, %get3A_425 : vector<32xbf16>
      %get3A_427 = arith.index_cast %add3A_412 : i32 to index
      %get3A_428 = arith.constant 64 : index
      %get3A_429 = tpu.vector_load %arg9[%get3A_427, %get3A_428] {strides = array<i32>} : memref<80x128xbf16, #tpu.memory_space<vmem>>, vector<32xbf16>,
      %get3A_430 = arith.index_cast %add3A_412 : i32 to index
      %get3A_431 = arith.constant 64 : index
      %get3A_432 = tpu.vector_load %arg10[%get3A_430, %get3A_431] {strides = array<i32>} : memref<80x128xbf16, #tpu.memory_space<vmem>>, vector<32xbf16>,
      %mul3A_433 = arith.mulf %get3A_429, %get3A_432 : vector<32xbf16>
      %get3A_434 = arith.index_cast %add3A_412 : i32 to index
      %get3A_435 = arith.constant 96 : index
      %get3A_436 = tpu.vector_load %arg9[%get3A_434, %get3A_435] {strides = array<i32>} : memref<80x128xbf16, #tpu.memory_space<vmem>>, vector<32xbf16>,
      %get3A_437 = arith.index_cast %add3A_412 : i32 to index
      %get3A_438 = arith.constant 96 : index
      %get3A_439 = tpu.vector_load %arg10[%get3A_437, %get3A_438] {strides = array<i32>} : memref<80x128xbf16, #tpu.memory_space<vmem>>, vector<32xbf16>,
      %mul3A_440 = arith.mulf %get3A_436, %get3A_439 : vector<32xbf16>
      %add3A_441 = arith.addf %mul3A_419, %mul3A_426 : vector<32xbf16>
      %add3A_442 = arith.addf %mul3A_433, %mul3A_440 : vector<32xbf16>
      %add3A_443 = arith.addf %add3A_441, %add3A_442 : vector<32xbf16>
      %swap3A_444 = arith.index_cast %add3A_412 : i32 to index
      %swap3A_445 = arith.constant 0 : index
      %swap3A_446 = tpu.vector_load %arg13[%swap3A_444, %swap3A_445] {strides = array<i32>} : memref<80x32xbf16, #tpu.memory_space<vmem>>, vector<32xbf16>,
      tpu.vector_store %arg13[%swap3A_444, %swap3A_445], %add3A_443 {strides = array<i32>} : memref<80x32xbf16, #tpu.memory_space<vmem>>, vector<32xbf16>,
      %mul3A_447 = arith.constant 16 : i32
      %mul3A_448 = arith.muli %add3A_68, %mul3A_447 : i32
      %add3A_449 = arith.constant 10 : i32
      %add3A_450 = arith.addi %mul3A_448, %add3A_449 : i32
      %get3A_451 = arith.index_cast %add3A_450 : i32 to index
      %get3A_452 = arith.constant 0 : index
      %get3A_453 = tpu.vector_load %arg9[%get3A_451, %get3A_452] {strides = array<i32>} : memref<80x128xbf16, #tpu.memory_space<vmem>>, vector<32xbf16>,
      %get3A_454 = arith.index_cast %add3A_450 : i32 to index
      %get3A_455 = arith.constant 0 : index
      %get3A_456 = tpu.vector_load %arg10[%get3A_454, %get3A_455] {strides = array<i32>} : memref<80x128xbf16, #tpu.memory_space<vmem>>, vector<32xbf16>,
      %mul3A_457 = arith.mulf %get3A_453, %get3A_456 : vector<32xbf16>
      %get3A_458 = arith.index_cast %add3A_450 : i32 to index
      %get3A_459 = arith.constant 32 : index
      %get3A_460 = tpu.vector_load %arg9[%get3A_458, %get3A_459] {strides = array<i32>} : memref<80x128xbf16, #tpu.memory_space<vmem>>, vector<32xbf16>,
      %get3A_461 = arith.index_cast %add3A_450 : i32 to index
      %get3A_462 = arith.constant 32 : index
      %get3A_463 = tpu.vector_load %arg10[%get3A_461, %get3A_462] {strides = array<i32>} : memref<80x128xbf16, #tpu.memory_space<vmem>>, vector<32xbf16>,
      %mul3A_464 = arith.mulf %get3A_460, %get3A_463 : vector<32xbf16>
      %get3A_465 = arith.index_cast %add3A_450 : i32 to index
      %get3A_466 = arith.constant 64 : index
      %get3A_467 = tpu.vector_load %arg9[%get3A_465, %get3A_466] {strides = array<i32>} : memref<80x128xbf16, #tpu.memory_space<vmem>>, vector<32xbf16>,
      %get3A_468 = arith.index_cast %add3A_450 : i32 to index
      %get3A_469 = arith.constant 64 : index
      %get3A_470 = tpu.vector_load %arg10[%get3A_468, %get3A_469] {strides = array<i32>} : memref<80x128xbf16, #tpu.memory_space<vmem>>, vector<32xbf16>,
      %mul3A_471 = arith.mulf %get3A_467, %get3A_470 : vector<32xbf16>
      %get3A_472 = arith.index_cast %add3A_450 : i32 to index
      %get3A_473 = arith.constant 96 : index
      %get3A_474 = tpu.vector_load %arg9[%get3A_472, %get3A_473] {strides = array<i32>} : memref<80x128xbf16, #tpu.memory_space<vmem>>, vector<32xbf16>,
      %get3A_475 = arith.index_cast %add3A_450 : i32 to index
      %get3A_476 = arith.constant 96 : index
      %get3A_477 = tpu.vector_load %arg10[%get3A_475, %get3A_476] {strides = array<i32>} : memref<80x128xbf16, #tpu.memory_space<vmem>>, vector<32xbf16>,
      %mul3A_478 = arith.mulf %get3A_474, %get3A_477 : vector<32xbf16>
      %add3A_479 = arith.addf %mul3A_457, %mul3A_464 : vector<32xbf16>
      %add3A_480 = arith.addf %mul3A_471, %mul3A_478 : vector<32xbf16>
      %add3A_481 = arith.addf %add3A_479, %add3A_480 : vector<32xbf16>
      %swap3A_482 = arith.index_cast %add3A_450 : i32 to index
      %swap3A_483 = arith.constant 0 : index
      %swap3A_484 = tpu.vector_load %arg13[%swap3A_482, %swap3A_483] {strides = array<i32>} : memref<80x32xbf16, #tpu.memory_space<vmem>>, vector<32xbf16>,
      tpu.vector_store %arg13[%swap3A_482, %swap3A_483], %add3A_481 {strides = array<i32>} : memref<80x32xbf16, #tpu.memory_space<vmem>>, vector<32xbf16>,
      %mul3A_485 = arith.constant 16 : i32
      %mul3A_486 = arith.muli %add3A_68, %mul3A_485 : i32
      %add3A_487 = arith.constant 11 : i32
      %add3A_488 = arith.addi %mul3A_486, %add3A_487 : i32
      %get3A_489 = arith.index_cast %add3A_488 : i32 to index
      %get3A_490 = arith.constant 0 : index
      %get3A_491 = tpu.vector_load %arg9[%get3A_489, %get3A_490] {strides = array<i32>} : memref<80x128xbf16, #tpu.memory_space<vmem>>, vector<32xbf16>,
      %get3A_492 = arith.index_cast %add3A_488 : i32 to index
      %get3A_493 = arith.constant 0 : index
      %get3A_494 = tpu.vector_load %arg10[%get3A_492, %get3A_493] {strides = array<i32>} : memref<80x128xbf16, #tpu.memory_space<vmem>>, vector<32xbf16>,
      %mul3A_495 = arith.mulf %get3A_491, %get3A_494 : vector<32xbf16>
      %get3A_496 = arith.index_cast %add3A_488 : i32 to index
      %get3A_497 = arith.constant 32 : index
      %get3A_498 = tpu.vector_load %arg9[%get3A_496, %get3A_497] {strides = array<i32>} : memref<80x128xbf16, #tpu.memory_space<vmem>>, vector<32xbf16>,
      %get3A_499 = arith.index_cast %add3A_488 : i32 to index
      %get3A_500 = arith.constant 32 : index
      %get3A_501 = tpu.vector_load %arg10[%get3A_499, %get3A_500] {strides = array<i32>} : memref<80x128xbf16, #tpu.memory_space<vmem>>, vector<32xbf16>,
      %mul3A_502 = arith.mulf %get3A_498, %get3A_501 : vector<32xbf16>
      %get3A_503 = arith.index_cast %add3A_488 : i32 to index
      %get3A_504 = arith.constant 64 : index
      %get3A_505 = tpu.vector_load %arg9[%get3A_503, %get3A_504] {strides = array<i32>} : memref<80x128xbf16, #tpu.memory_space<vmem>>, vector<32xbf16>,
      %get3A_506 = arith.index_cast %add3A_488 : i32 to index
      %get3A_507 = arith.constant 64 : index
      %get3A_508 = tpu.vector_load %arg10[%get3A_506, %get3A_507] {strides = array<i32>} : memref<80x128xbf16, #tpu.memory_space<vmem>>, vector<32xbf16>,
      %mul3A_509 = arith.mulf %get3A_505, %get3A_508 : vector<32xbf16>
      %get3A_510 = arith.index_cast %add3A_488 : i32 to index
      %get3A_511 = arith.constant 96 : index
      %get3A_512 = tpu.vector_load %arg9[%get3A_510, %get3A_511] {strides = array<i32>} : memref<80x128xbf16, #tpu.memory_space<vmem>>, vector<32xbf16>,
      %get3A_513 = arith.index_cast %add3A_488 : i32 to index
      %get3A_514 = arith.constant 96 : index
      %get3A_515 = tpu.vector_load %arg10[%get3A_513, %get3A_514] {strides = array<i32>} : memref<80x128xbf16, #tpu.memory_space<vmem>>, vector<32xbf16>,
      %mul3A_516 = arith.mulf %get3A_512, %get3A_515 : vector<32xbf16>
      %add3A_517 = arith.addf %mul3A_495, %mul3A_502 : vector<32xbf16>
      %add3A_518 = arith.addf %mul3A_509, %mul3A_516 : vector<32xbf16>
      %add3A_519 = arith.addf %add3A_517, %add3A_518 : vector<32xbf16>
      %swap3A_520 = arith.index_cast %add3A_488 : i32 to index
      %swap3A_521 = arith.constant 0 : index
      %swap3A_522 = tpu.vector_load %arg13[%swap3A_520, %swap3A_521] {strides = array<i32>} : memref<80x32xbf16, #tpu.memory_space<vmem>>, vector<32xbf16>,
      tpu.vector_store %arg13[%swap3A_520, %swap3A_521], %add3A_519 {strides = array<i32>} : memref<80x32xbf16, #tpu.memory_space<vmem>>, vector<32xbf16>,
      %mul3A_523 = arith.constant 16 : i32
      %mul3A_524 = arith.muli %add3A_68, %mul3A_523 : i32
      %add3A_525 = arith.constant 12 : i32
      %add3A_526 = arith.addi %mul3A_524, %add3A_525 : i32
      %get3A_527 = arith.index_cast %add3A_526 : i32 to index
      %get3A_528 = arith.constant 0 : index
      %get3A_529 = tpu.vector_load %arg9[%get3A_527, %get3A_528] {strides = array<i32>} : memref<80x128xbf16, #tpu.memory_space<vmem>>, vector<32xbf16>,
      %get3A_530 = arith.index_cast %add3A_526 : i32 to index
      %get3A_531 = arith.constant 0 : index
      %get3A_532 = tpu.vector_load %arg10[%get3A_530, %get3A_531] {strides = array<i32>} : memref<80x128xbf16, #tpu.memory_space<vmem>>, vector<32xbf16>,
      %mul3A_533 = arith.mulf %get3A_529, %get3A_532 : vector<32xbf16>
      %get3A_534 = arith.index_cast %add3A_526 : i32 to index
      %get3A_535 = arith.constant 32 : index
      %get3A_536 = tpu.vector_load %arg9[%get3A_534, %get3A_535] {strides = array<i32>} : memref<80x128xbf16, #tpu.memory_space<vmem>>, vector<32xbf16>,
      %get3A_537 = arith.index_cast %add3A_526 : i32 to index
      %get3A_538 = arith.constant 32 : index
      %get3A_539 = tpu.vector_load %arg10[%get3A_537, %get3A_538] {strides = array<i32>} : memref<80x128xbf16, #tpu.memory_space<vmem>>, vector<32xbf16>,
      %mul3A_540 = arith.mulf %get3A_536, %get3A_539 : vector<32xbf16>
      %get3A_541 = arith.index_cast %add3A_526 : i32 to index
      %get3A_542 = arith.constant 64 : index
      %get3A_543 = tpu.vector_load %arg9[%get3A_541, %get3A_542] {strides = array<i32>} : memref<80x128xbf16, #tpu.memory_space<vmem>>, vector<32xbf16>,
      %get3A_544 = arith.index_cast %add3A_526 : i32 to index
      %get3A_545 = arith.constant 64 : index
      %get3A_546 = tpu.vector_load %arg10[%get3A_544, %get3A_545] {strides = array<i32>} : memref<80x128xbf16, #tpu.memory_space<vmem>>, vector<32xbf16>,
      %mul3A_547 = arith.mulf %get3A_543, %get3A_546 : vector<32xbf16>
      %get3A_548 = arith.index_cast %add3A_526 : i32 to index
      %get3A_549 = arith.constant 96 : index
      %get3A_550 = tpu.vector_load %arg9[%get3A_548, %get3A_549] {strides = array<i32>} : memref<80x128xbf16, #tpu.memory_space<vmem>>, vector<32xbf16>,
      %get3A_551 = arith.index_cast %add3A_526 : i32 to index
      %get3A_552 = arith.constant 96 : index
      %get3A_553 = tpu.vector_load %arg10[%get3A_551, %get3A_552] {strides = array<i32>} : memref<80x128xbf16, #tpu.memory_space<vmem>>, vector<32xbf16>,
      %mul3A_554 = arith.mulf %get3A_550, %get3A_553 : vector<32xbf16>
      %add3A_555 = arith.addf %mul3A_533, %mul3A_540 : vector<32xbf16>
      %add3A_556 = arith.addf %mul3A_547, %mul3A_554 : vector<32xbf16>
      %add3A_557 = arith.addf %add3A_555, %add3A_556 : vector<32xbf16>
      %swap3A_558 = arith.index_cast %add3A_526 : i32 to index
      %swap3A_559 = arith.constant 0 : index
      %swap3A_560 = tpu.vector_load %arg13[%swap3A_558, %swap3A_559] {strides = array<i32>} : memref<80x32xbf16, #tpu.memory_space<vmem>>, vector<32xbf16>,
      tpu.vector_store %arg13[%swap3A_558, %swap3A_559], %add3A_557 {strides = array<i32>} : memref<80x32xbf16, #tpu.memory_space<vmem>>, vector<32xbf16>,
      %mul3A_561 = arith.constant 16 : i32
      %mul3A_562 = arith.muli %add3A_68, %mul3A_561 : i32
      %add3A_563 = arith.constant 13 : i32
      %add3A_564 = arith.addi %mul3A_562, %add3A_563 : i32
      %get3A_565 = arith.index_cast %add3A_564 : i32 to index
      %get3A_566 = arith.constant 0 : index
      %get3A_567 = tpu.vector_load %arg9[%get3A_565, %get3A_566] {strides = array<i32>} : memref<80x128xbf16, #tpu.memory_space<vmem>>, vector<32xbf16>,
      %get3A_568 = arith.index_cast %add3A_564 : i32 to index
      %get3A_569 = arith.constant 0 : index
      %get3A_570 = tpu.vector_load %arg10[%get3A_568, %get3A_569] {strides = array<i32>} : memref<80x128xbf16, #tpu.memory_space<vmem>>, vector<32xbf16>,
      %mul3A_571 = arith.mulf %get3A_567, %get3A_570 : vector<32xbf16>
      %get3A_572 = arith.index_cast %add3A_564 : i32 to index
      %get3A_573 = arith.constant 32 : index
      %get3A_574 = tpu.vector_load %arg9[%get3A_572, %get3A_573] {strides = array<i32>} : memref<80x128xbf16, #tpu.memory_space<vmem>>, vector<32xbf16>,
      %get3A_575 = arith.index_cast %add3A_564 : i32 to index
      %get3A_576 = arith.constant 32 : index
      %get3A_577 = tpu.vector_load %arg10[%get3A_575, %get3A_576] {strides = array<i32>} : memref<80x128xbf16, #tpu.memory_space<vmem>>, vector<32xbf16>,
      %mul3A_578 = arith.mulf %get3A_574, %get3A_577 : vector<32xbf16>
      %get3A_579 = arith.index_cast %add3A_564 : i32 to index
      %get3A_580 = arith.constant 64 : index
      %get3A_581 = tpu.vector_load %arg9[%get3A_579, %get3A_580] {strides = array<i32>} : memref<80x128xbf16, #tpu.memory_space<vmem>>, vector<32xbf16>,
      %get3A_582 = arith.index_cast %add3A_564 : i32 to index
      %get3A_583 = arith.constant 64 : index
      %get3A_584 = tpu.vector_load %arg10[%get3A_582, %get3A_583] {strides = array<i32>} : memref<80x128xbf16, #tpu.memory_space<vmem>>, vector<32xbf16>,
      %mul3A_585 = arith.mulf %get3A_581, %get3A_584 : vector<32xbf16>
      %get3A_586 = arith.index_cast %add3A_564 : i32 to index
      %get3A_587 = arith.constant 96 : index
      %get3A_588 = tpu.vector_load %arg9[%get3A_586, %get3A_587] {strides = array<i32>} : memref<80x128xbf16, #tpu.memory_space<vmem>>, vector<32xbf16>,
      %get3A_589 = arith.index_cast %add3A_564 : i32 to index
      %get3A_590 = arith.constant 96 : index
      %get3A_591 = tpu.vector_load %arg10[%get3A_589, %get3A_590] {strides = array<i32>} : memref<80x128xbf16, #tpu.memory_space<vmem>>, vector<32xbf16>,
      %mul3A_592 = arith.mulf %get3A_588, %get3A_591 : vector<32xbf16>
      %add3A_593 = arith.addf %mul3A_571, %mul3A_578 : vector<32xbf16>
      %add3A_594 = arith.addf %mul3A_585, %mul3A_592 : vector<32xbf16>
      %add3A_595 = arith.addf %add3A_593, %add3A_594 : vector<32xbf16>
      %swap3A_596 = arith.index_cast %add3A_564 : i32 to index
      %swap3A_597 = arith.constant 0 : index
      %swap3A_598 = tpu.vector_load %arg13[%swap3A_596, %swap3A_597] {strides = array<i32>} : memref<80x32xbf16, #tpu.memory_space<vmem>>, vector<32xbf16>,
      tpu.vector_store %arg13[%swap3A_596, %swap3A_597], %add3A_595 {strides = array<i32>} : memref<80x32xbf16, #tpu.memory_space<vmem>>, vector<32xbf16>,
      %mul3A_599 = arith.constant 16 : i32
      %mul3A_600 = arith.muli %add3A_68, %mul3A_599 : i32
      %add3A_601 = arith.constant 14 : i32
      %add3A_602 = arith.addi %mul3A_600, %add3A_601 : i32
      %get3A_603 = arith.index_cast %add3A_602 : i32 to index
      %get3A_604 = arith.constant 0 : index
      %get3A_605 = tpu.vector_load %arg9[%get3A_603, %get3A_604] {strides = array<i32>} : memref<80x128xbf16, #tpu.memory_space<vmem>>, vector<32xbf16>,
      %get3A_606 = arith.index_cast %add3A_602 : i32 to index
      %get3A_607 = arith.constant 0 : index
      %get3A_608 = tpu.vector_load %arg10[%get3A_606, %get3A_607] {strides = array<i32>} : memref<80x128xbf16, #tpu.memory_space<vmem>>, vector<32xbf16>,
      %mul3A_609 = arith.mulf %get3A_605, %get3A_608 : vector<32xbf16>
      %get3A_610 = arith.index_cast %add3A_602 : i32 to index
      %get3A_611 = arith.constant 32 : index
      %get3A_612 = tpu.vector_load %arg9[%get3A_610, %get3A_611] {strides = array<i32>} : memref<80x128xbf16, #tpu.memory_space<vmem>>, vector<32xbf16>,
      %get3A_613 = arith.index_cast %add3A_602 : i32 to index
      %get3A_614 = arith.constant 32 : index
      %get3A_615 = tpu.vector_load %arg10[%get3A_613, %get3A_614] {strides = array<i32>} : memref<80x128xbf16, #tpu.memory_space<vmem>>, vector<32xbf16>,
      %mul3A_616 = arith.mulf %get3A_612, %get3A_615 : vector<32xbf16>
      %get3A_617 = arith.index_cast %add3A_602 : i32 to index
      %get3A_618 = arith.constant 64 : index
      %get3A_619 = tpu.vector_load %arg9[%get3A_617, %get3A_618] {strides = array<i32>} : memref<80x128xbf16, #tpu.memory_space<vmem>>, vector<32xbf16>,
      %get3A_620 = arith.index_cast %add3A_602 : i32 to index
      %get3A_621 = arith.constant 64 : index
      %get3A_622 = tpu.vector_load %arg10[%get3A_620, %get3A_621] {strides = array<i32>} : memref<80x128xbf16, #tpu.memory_space<vmem>>, vector<32xbf16>,
      %mul3A_623 = arith.mulf %get3A_619, %get3A_622 : vector<32xbf16>
      %get3A_624 = arith.index_cast %add3A_602 : i32 to index
      %get3A_625 = arith.constant 96 : index
      %get3A_626 = tpu.vector_load %arg9[%get3A_624, %get3A_625] {strides = array<i32>} : memref<80x128xbf16, #tpu.memory_space<vmem>>, vector<32xbf16>,
      %get3A_627 = arith.index_cast %add3A_602 : i32 to index
      %get3A_628 = arith.constant 96 : index
      %get3A_629 = tpu.vector_load %arg10[%get3A_627, %get3A_628] {strides = array<i32>} : memref<80x128xbf16, #tpu.memory_space<vmem>>, vector<32xbf16>,
      %mul3A_630 = arith.mulf %get3A_626, %get3A_629 : vector<32xbf16>
      %add3A_631 = arith.addf %mul3A_609, %mul3A_616 : vector<32xbf16>
      %add3A_632 = arith.addf %mul3A_623, %mul3A_630 : vector<32xbf16>
      %add3A_633 = arith.addf %add3A_631, %add3A_632 : vector<32xbf16>
      %swap3A_634 = arith.index_cast %add3A_602 : i32 to index
      %swap3A_635 = arith.constant 0 : index
      %swap3A_636 = tpu.vector_load %arg13[%swap3A_634, %swap3A_635] {strides = array<i32>} : memref<80x32xbf16, #tpu.memory_space<vmem>>, vector<32xbf16>,
      tpu.vector_store %arg13[%swap3A_634, %swap3A_635], %add3A_633 {strides = array<i32>} : memref<80x32xbf16, #tpu.memory_space<vmem>>, vector<32xbf16>,
      %mul3A_637 = arith.constant 16 : i32
      %mul3A_638 = arith.muli %add3A_68, %mul3A_637 : i32
      %add3A_639 = arith.constant 15 : i32
      %add3A_640 = arith.addi %mul3A_638, %add3A_639 : i32
      %get3A_641 = arith.index_cast %add3A_640 : i32 to index
      %get3A_642 = arith.constant 0 : index
      %get3A_643 = tpu.vector_load %arg9[%get3A_641, %get3A_642] {strides = array<i32>} : memref<80x128xbf16, #tpu.memory_space<vmem>>, vector<32xbf16>,
      %get3A_644 = arith.index_cast %add3A_640 : i32 to index
      %get3A_645 = arith.constant 0 : index
      %get3A_646 = tpu.vector_load %arg10[%get3A_644, %get3A_645] {strides = array<i32>} : memref<80x128xbf16, #tpu.memory_space<vmem>>, vector<32xbf16>,
      %mul3A_647 = arith.mulf %get3A_643, %get3A_646 : vector<32xbf16>
      %get3A_648 = arith.index_cast %add3A_640 : i32 to index
      %get3A_649 = arith.constant 32 : index
      %get3A_650 = tpu.vector_load %arg9[%get3A_648, %get3A_649] {strides = array<i32>} : memref<80x128xbf16, #tpu.memory_space<vmem>>, vector<32xbf16>,
      %get3A_651 = arith.index_cast %add3A_640 : i32 to index
      %get3A_652 = arith.constant 32 : index
      %get3A_653 = tpu.vector_load %arg10[%get3A_651, %get3A_652] {strides = array<i32>} : memref<80x128xbf16, #tpu.memory_space<vmem>>, vector<32xbf16>,
      %mul3A_654 = arith.mulf %get3A_650, %get3A_653 : vector<32xbf16>
      %get3A_655 = arith.index_cast %add3A_640 : i32 to index
      %get3A_656 = arith.constant 64 : index
      %get3A_657 = tpu.vector_load %arg9[%get3A_655, %get3A_656] {strides = array<i32>} : memref<80x128xbf16, #tpu.memory_space<vmem>>, vector<32xbf16>,
      %get3A_658 = arith.index_cast %add3A_640 : i32 to index
      %get3A_659 = arith.constant 64 : index
      %get3A_660 = tpu.vector_load %arg10[%get3A_658, %get3A_659] {strides = array<i32>} : memref<80x128xbf16, #tpu.memory_space<vmem>>, vector<32xbf16>,
      %mul3A_661 = arith.mulf %get3A_657, %get3A_660 : vector<32xbf16>
      %get3A_662 = arith.index_cast %add3A_640 : i32 to index
      %get3A_663 = arith.constant 96 : index
      %get3A_664 = tpu.vector_load %arg9[%get3A_662, %get3A_663] {strides = array<i32>} : memref<80x128xbf16, #tpu.memory_space<vmem>>, vector<32xbf16>,
      %get3A_665 = arith.index_cast %add3A_640 : i32 to index
      %get3A_666 = arith.constant 96 : index
      %get3A_667 = tpu.vector_load %arg10[%get3A_665, %get3A_666] {strides = array<i32>} : memref<80x128xbf16, #tpu.memory_space<vmem>>, vector<32xbf16>,
      %mul3A_668 = arith.mulf %get3A_664, %get3A_667 : vector<32xbf16>
      %add3A_669 = arith.addf %mul3A_647, %mul3A_654 : vector<32xbf16>
      %add3A_670 = arith.addf %mul3A_661, %mul3A_668 : vector<32xbf16>
      %add3A_671 = arith.addf %add3A_669, %add3A_670 : vector<32xbf16>
      %swap3A_672 = arith.index_cast %add3A_640 : i32 to index
      %swap3A_673 = arith.constant 0 : index
      %swap3A_674 = tpu.vector_load %arg13[%swap3A_672, %swap3A_673] {strides = array<i32>} : memref<80x32xbf16, #tpu.memory_space<vmem>>, vector<32xbf16>,
      tpu.vector_store %arg13[%swap3A_672, %swap3A_673], %add3A_671 {strides = array<i32>} : memref<80x32xbf16, #tpu.memory_space<vmem>>, vector<32xbf16>,
    }
    %scan3A_45 = arith.constant 5 : i32
    %add3A_46 = arith.constant 9920 : i32
    %add3A_47 = arith.addi %mul3A_2, %add3A_46 : i32
    %dma_start3A_48 = arith.constant 0 : i32
    %dma_start3A_49 = tpu.memref_slice %arg6[%add3A_47, %dma_start3A_48] : memref<320000x32xbf16, #tpu.memory_space<hbm>> -> memref<80x32xbf16, #tpu.memory_space<hbm>>
    %dma_start3A_50 = arith.constant 0 : i32
    %dma_start3A_51 = tpu.memref_slice %arg6[%add3A_47, %dma_start3A_50] : memref<320000x32xbf16, #tpu.memory_space<hbm>> -> memref<80x32xbf16, #tpu.memory_space<hbm>>
    tpu.enqueue_dma source(%arg13 : memref<80x32xbf16, #tpu.memory_space<vmem>>) target(%dma_start3A_51 : memref<80x32xbf16, #tpu.memory_space<hbm>>) target_semaphore(%arg19 : memref<!tpu.dma_semaphore, #tpu.memory_space<semaphore_mem>>)
    %add3A_52 = arith.constant 9920 : i32
    %add3A_53 = arith.addi %mul3A_2, %add3A_52 : i32
    %dma_wait3A_54 = arith.constant 0 : i32
    %dma_wait3A_55 = tpu.memref_slice %arg6[%add3A_53, %dma_wait3A_54] : memref<320000x32xbf16, #tpu.memory_space<hbm>> -> memref<80x32xbf16, #tpu.memory_space<hbm>>
    %dma_wait3A_56 = arith.constant 0 : i32
    %dma_wait3A_57 = tpu.memref_slice %arg6[%add3A_53, %dma_wait3A_56] : memref<320000x32xbf16, #tpu.memory_space<hbm>> -> memref<80x32xbf16, #tpu.memory_space<hbm>>
    tpu.wait_dma2 semaphore(%arg19 : memref<!tpu.dma_semaphore, #tpu.memory_space<semaphore_mem>>) src(%arg13 : memref<80x32xbf16, #tpu.memory_space<vmem>>) dst(%dma_wait3A_57 : memref<80x32xbf16, #tpu.memory_space<hbm>>)
    %add3A_58 = arith.constant 9840 : i32
    %add3A_59 = arith.addi %mul3A_2, %add3A_58 : i32
    %dma_wait3A_60 = arith.constant 0 : i32
    %dma_wait3A_61 = tpu.memref_slice %arg6[%add3A_59, %dma_wait3A_60] : memref<320000x32xbf16, #tpu.memory_space<hbm>> -> memref<80x32xbf16, #tpu.memory_space<hbm>>
    %dma_wait3A_62 = arith.constant 0 : i32
    %dma_wait3A_63 = tpu.memref_slice %arg6[%add3A_59, %dma_wait3A_62] : memref<320000x32xbf16, #tpu.memory_space<hbm>> -> memref<80x32xbf16, #tpu.memory_space<hbm>>
    tpu.wait_dma2 semaphore(%arg20 : memref<!tpu.dma_semaphore, #tpu.memory_space<semaphore_mem>>) src(%arg14 : memref<80x32xbf16, #tpu.memory_space<vmem>>) dst(%dma_wait3A_63 : memref<80x32xbf16, #tpu.memory_space<hbm>>)
    return
  }
}

</mosaic_0001>

<sc_bundles>
// kernel: kernel.3.cloned.1.call-start
scs
__scs_entry_jumppad:
0x0: {  	(pc) =	sbr.rel $0x88, $3  }
0x1: {  	(tag) =	ssettag $0x0;
	lr =	simm.s32 $0x1  }
0x2: {  	[smem:$0x3F9E] =	sst lr;
	_ =	strace $0xD0000000  }
0x3: {  	_ = 	snop  }
0x4: {  	_ = 	snop  }
0x5: {  	_ = 	snop  }
0x6: {  	_ = 	snop  }
0x7: {  	_ = 	snop  }
__scs_overlays_trampoline_lowered:
0x8: {  	[smem:$0x3FAD] =	sst s0  }
0x9: {  	[smem:$0x3FAE] =	sst s1  }
0xa: {  	[smem:$0x3FAF] =	sst s2  }
0xb: {  	[smem:$0x3FB0] =	sst s3  }
0xc: {  	[smem:$0x3FB1] =	sst s4  }
0xd: {  	[smem:$0x3FB2] =	sst s5  }
0xe: {  	[smem:$0x3FB3] =	sst s6  }
0xf: {  	[smem:$0x3FB4] =	sst s7  }
0x10: {  	[smem:$0x3FB5] =	sst s8  }
0x11: {  	[smem:$0x3FB6] =	sst s9;
	s0 =	simm.s32 @!p0 $0x0  }
0x12: {  	s1 =	sld [smem:$0x3F9C];
	s0 =	simm.s32 @p0 $0x1  }
0x13: {  	[smem:$0x3FB7] =	sst s0;
	s0 =	simm.s32 @!p1 $0x0  }
0x14: {  	s2 =	sld [smem:$0x3F9B];
	s0 =	simm.s32 @p1 $0x1  }
0x15: {  	[smem:$0x3FB8] =	sst s0;
	s0 =	simm.s32 @!p2 $0x0  }
0x16: {  	s3 =	sld [smem:$0x3FDB];
	s0 =	simm.s32 @p2 $0x1  }
0x17: {  	s4 =	simm.s32 $0x1BF5;
	[smem:$0x3FBA] =	sst s0  }
0x18: {  	s0 =	sld [smem:$0x3F9D];
	_ =	swait.ge [sflag:s4], $0x0  }
0x19: {  	s7 =	sld [smem:$0x3F9E]  }
0x1a: {  	s8 =	sadd.s32 $0xFFFFE003, lr  }
0x1b: {  	s9 =	sadd.s32 $0xFFFFFEF7, lr;
	s5 =	simm.s32 $0xFFFFFFFF;
	p2 =	slt.u32 s8, $0xFFFFF086  }
0x1c: {  	p1 =	slt.u32 s9, $0xF7A;
	s5 =	simm.s32 @!p2 $0x0  }
0x1d: {  	s5 =	simm.s32 @p1 $0x1;
	p0 =	seq.s32 s7, s2  }
0x1e: {  	s7 =	smul.u32 @!p0 $0xF7A, s2;
	p2 =	seq.s32 @!p0 s5, $0x0  }
0x1f: {  	s9 =	smul.u32 $0xF7A, s1;
	s8 =	simm.s32 @!p0 $0x1BF5;
	p2 =	por !p2, p0  }
0x20: {  	[sflag:s8] =	ssyncset.s32 @!p0 $0xFFFFF086;
	s6 =	sadd.s32 @!p0 s3, s7;
	s7 =	simm.s32 @!p0 $0x108  }
0x21: {  	s3 =	sadd.s32 s3, s9;
	s6 =	sadd.s32 @!p0 $0x88, s6;
	s7 =	simm.s32 @p2 $0x1082  }
0x22: {  	[simem:s7], [sflag:s8] =	dma.local @!p0 [hbm:s6], $0xF7A  }
0x23: {  	s9 =	sor.u32 $0xD0000000, s2;
	s6 =	simm.s32 $0x108;
	_ =	swait.ge @!p0 [sflag:s8], $0x0  }
0x24: {  	s3 =	sadd.s32 $0x88, s3;
	s6 =	simm.s32 @!p1 $0x1082;
	[sflag:s4] =	ssyncset.s32 $0xFFFFF086  }
0x25: {  	[simem:s6], [sflag:s4] =	dma.local [hbm:s3], $0xF7A  }
0x26: {  	[smem:$0x3F9E] =	sst s1;
	(tag) =	ssettag s2;
	_ =	strace s9  }
0x27: {  	s1 =	sld [smem:$0x3FAE]  }
0x28: {  	s2 =	sld [smem:$0x3FAF]  }
0x29: {  	s4 =	sld [smem:$0x3FB1]  }
0x2a: {  	p0 =	seq.s32 s5, $0x0;
	s5 =	sld [smem:$0x3FB2]  }
0x2b: {  	s6 =	sld [smem:$0x3FB3]  }
0x2c: {  	s7 =	sld [smem:$0x3FB4]  }
0x2d: {  	s3 =	simm.s32 $0x108;
	s8 =	sld [smem:$0x3FB5]  }
0x2e: {  	s3 =	simm.s32 @!p0 $0x1082;
	s9 =	sld [smem:$0x3FB6]  }
0x2f: {  	lr =	sadd.s32 s0, s3;
	s0 =	sld [smem:$0x3FAD]  }
0x30: {  	s3 =	sld [smem:$0x3FB0]  }
0x31: {  	[smem:$0x3FB9] =	sst s10  }
0x32: {  	s10 =	sld [smem:$0x3FB7];
	_ =	sdelay $0x3  }
0x33: {  	p0 =	seq.s32 s10, $0x1;
	s10 =	sld [smem:$0x3FB9];
	_ =	sdelay $0x3  }
0x34: {  	[smem:$0x3FB9] =	sst s10  }
0x35: {  	s10 =	sld [smem:$0x3FB8];
	_ =	sdelay $0x3  }
0x36: {  	p1 =	seq.s32 s10, $0x1;
	s10 =	sld [smem:$0x3FB9];
	_ =	sdelay $0x3  }
0x37: {  	[smem:$0x3FB9] =	sst s10  }
0x38: {  	s10 =	sld [smem:$0x3FBA]  }
0x39: {  	_ = 	snop;
	(pc) =	sbr.ind lr, $3  }
0x3a: {  	_ = 	snop  }
0x3b: {  	_ = 	snop  }
0x3c: {  	p2 =	seq.s32 s10, $0x1;
	s10 =	sld [smem:$0x3FB9]  }
0x3d: {  	_ =	shalt  }
0x3e: {  	_ =	shalt  }
0x3f: {  	_ =	shalt  }
0x40: {  	_ =	shalt  }
0x41: {  	_ =	shalt  }
0x42: {  	_ =	shalt  }
0x43: {  	_ =	shalt  }
0x44: {  	_ =	shalt  }
0x45: {  	_ =	shalt  }
0x46: {  	_ =	shalt  }
0x47: {  	_ =	shalt  }
0x48: {  	_ =	shalt  }
0x49: {  	_ =	shalt  }
0x4a: {  	_ =	shalt  }
0x4b: {  	_ =	shalt  }
0x4c: {  	_ =	shalt  }
0x4d: {  	_ =	shalt  }
0x4e: {  	_ =	shalt  }
0x4f: {  	_ =	shalt  }
0x50: {  	_ =	shalt  }
0x51: {  	_ =	shalt  }
0x52: {  	_ =	shalt  }
0x53: {  	_ =	shalt  }
0x54: {  	_ =	shalt  }
0x55: {  	_ =	shalt  }
0x56: {  	_ =	shalt  }
0x57: {  	_ =	shalt  }
0x58: {  	_ =	shalt  }
0x59: {  	_ =	shalt  }
0x5a: {  	_ =	shalt  }
0x5b: {  	_ =	shalt  }
0x5c: {  	_ =	shalt  }
0x5d: {  	_ =	shalt  }
0x5e: {  	_ =	shalt  }
0x5f: {  	_ =	shalt  }
0x60: {  	_ =	shalt  }
0x61: {  	_ =	shalt  }
0x62: {  	_ =	shalt  }
0x63: {  	_ =	shalt  }
0x64: {  	_ =	shalt  }
0x65: {  	_ =	shalt  }
0x66: {  	_ =	shalt  }
0x67: {  	_ =	shalt  }
0x68: {  	_ =	shalt  }
0x69: {  	_ =	shalt  }
0x6a: {  	_ =	shalt  }
0x6b: {  	_ =	shalt  }
0x6c: {  	_ =	shalt  }
0x6d: {  	_ =	shalt  }
0x6e: {  	_ =	shalt  }
0x6f: {  	_ =	shalt  }
0x70: {  	_ =	shalt  }
0x71: {  	_ =	shalt  }
0x72: {  	_ =	shalt  }
0x73: {  	_ =	shalt  }
0x74: {  	_ =	shalt  }
0x75: {  	_ =	shalt  }
0x76: {  	_ =	shalt  }
0x77: {  	_ =	shalt  }
0x78: {  	_ =	shalt  }
0x79: {  	_ =	shalt  }
0x7a: {  	_ =	shalt  }
0x7b: {  	_ =	shalt  }
0x7c: {  	_ =	shalt  }
0x7d: {  	_ =	shalt  }
0x7e: {  	_ =	shalt  }
0x7f: {  	_ =	shalt  }
0x80: {  	_ =	shalt  }
0x81: {  	_ =	shalt  }
0x82: {  	_ =	shalt  }
0x83: {  	_ =	shalt  }
0x84: {  	_ =	shalt  }
0x85: {  	_ =	shalt  }
0x86: {  	_ =	shalt  }
0x87: {  	_ =	shalt  }
.Lfunc_end0:
.L_simem_size_0:
called_computation_lowered:
.L_overlay_start_0:
0x88: {  	s2 =	sld [smem:$0x3FD9]  }
0x89: {  	s3 =	sld [smem:$0x3FFE];
	_ =	sdelay $0x1  }
0x8a: {  	s1 =	srdreg.scid  }
0x8b: {  	s0 =	sand.u32 $0x1, s1  }
0x8c: {  	s16 =	sshll.u32 s0, $0xA;
	s2 =	sadd.s32 s3, s2  }
0x8d: {  	s2 =	sadd.s32 s2, s16  }
0x8e: {  	[smem:$0x3FC5] =	sst s2  }
0x8f: {  	_ = 	snop  }
0x90: {  	(tm) =	ssettm $0x1  }
0x91: {  	s17 =	sld [smem:$0x3FFB];
	_ =	sdelay $0x3  }
0x92: {  	_ =	strace s17  }
0x93: {  	s2 =	sld [smem:$0x3FFC];
	_ =	sdelay $0x3  }
0x94: {  	_ =	strace s2  }
0x95: {  	s2 =	sld [smem:$0x3FFD];
	_ =	sdelay $0x3  }
0x96: {  	_ =	strace s2  }
0x97: {  	_ =	strace $0x8FFFFFFF  }
0x98: {  	s18 =	sld [smem:$0x3FDB];
	_ =	sdelay $0x1  }
0x99: {  	s19 =	simm.s32 $_scs_section_size  }
0x9a: {  	s4 =	simm.s32 $_size__tile_overlayer_lowered;
	s5 =	simm.s32 $_tile_overlayer_lowered  }
0x9b: {  	s22 =	simm.s32 $0x1BFF;
	s21 =	sshll.u32 s5, $0x1;
	s2 =	sadd.s32 s19, s18  }
0x9c: {  	s6 =	simm.s32 $0x0;
	s20 =	sshll.u32 s4, $0x1;
	s4 =	sadd.s32 s21, s2  }
0x9d: {  	[timem:s6], [sflag:s22] =	dma.local [hbm:s4], s20  }
0x9e: {  	_ =	swait.ge [sflag:s22], s20  }
0x9f: {  	s3 =	ssub.s32 $0x0, s20;
	[sflag:s22] =	ssyncset.done $0x0  }
0xa0: {  	[sflag:s22] =	ssyncadd.s32 s3;
	_ =	sdelay $0x1  }
0xa1: {  	s23 =	simm.s32 $0x1B8B  }
0xa2: {  	_ =	swait.ge [sflag:s23], $0x1  }
0xa3: {  	[sflag:s23] =	ssyncset.done $0x0  }
0xa4: {  	s25 =	simm.s32 $0x1B8E;
	s24 =	sld [smem:$0x3FFE];
	[sflag:s23] =	ssyncadd.s32 $0xFFFFFFFF  }
0xa5: {  	s26 =	simm.s32 $execute0_lowered;
	[smem:$0x3FD2] =	sst s25  }
0xa6: {  	s4 =	sshll.u32 s26, $0x1;
	_ =	strace $0x80000046;
	[dreg:$0x1] =	wrdreg $0xFFFFFFFF  }
0xa7: {  	s28 =	simm.s32 $_size_execute0_lowered;
	s2 =	sadd.s32 s2, s4;
	[dreg:$0x0] =	wrdreg $0x0  }
0xa8: {  	s4 =	sshll.u32 s28, $0x1;
	[dreg:$0x2] =	wrdreg s2  }
0xa9: {  	[dreg:$0x3] =	wrdreg s4  }
0xaa: {  	[dreg:$0x4] =	wrdreg $0xC0  }
0xab: {  	_ =	task [dreg:s6], $0x5FFFF  }
0xac: {  	[dreg:$0x1] =	wrdreg $0xFFFFFFFF  }
0xad: {  	[dreg:$0x0] =	wrdreg $0x60  }
0xae: {  	[dreg:$0x2] =	wrdreg s24  }
0xaf: {  	[dreg:$0x3] =	wrdreg $0x9  }
0xb0: {  	_ =	task.clear_ibuf [dreg:s6], $0x4FFFF;
	_ =	strace $0x90000046  }
0xb1: {  	s29 =	simm.s32 $0x9;
	_ =	strace $0x80000048  }
0xb2: {  	_ =	swait.ge [sflag:s29], $0x1  }
0xb3: {  	[sflag:s29] =	ssyncadd.s32 $0xFFFFFFFF  }
0xb4: {  	_ =	strace $0x90000048  }
0xb5: {  	_ =	sfence  }
0xb6: {  	s30 =	sld [smem:$0x0];
	_ =	sdelay $0x2  }
0xb7: {  	s31 =	sshll.u32 s1, $0xD;
	s1 =	sshrl.u32 s1, $0x2  }
0xb8: {  	s3 =	sand.u32 $0x4000, s31;
	s1 =	sadd.s32 s1, s30  }
0xb9: {  	s0 =	sor.u32 s3, s0;
	s1 =	sshll.u32 s1, $0x11  }
0xba: {  	s0 =	sor.u32 s1, s0  }
0xbb: {  	s0 =	sadd.s32 $0x8F2B, s0  }
0xbc: {  	[sflag:s0] =	ssyncadd.remote.s32 $0x1  }
0xbd: {  	_ =	sfence.sel $0xFFFF  }
0xbe: {  	[dreg:$0x0] =	wrdreg $0xFFFFFFFF;
	(pc) =	sbr.abs _section_cstart, $3  }
0xbf: {  	[dreg:$0x1] =	wrdreg $0xFFFFFFFF  }
0xc0: {  	_ =	task.clear_ibuf [dreg:s6], $0x2FFFF;
	_ =	strace $0x9FFFFFFF  }
0xc1: {  	(tm) =	ssettm $0x7FFFFFFF  }
tec
execute0_lowered:
.L_overlay_start_1:
0x0: {  	(tag) =	ssettag $0x1  }
0x1: {  	s0 =	srdreg.scid;
	s1 =	stileid.u32  }
0x2: {  	s2 =	rddreg [dreg:$0x0];
	s3 =	simm.s32 $0x0;
	s12 =	simm.s32 $0x7  }
0x3: {  	s13 =	simm.s32 $0x2710;
	s14 =	simm.s32 $0x50;
	s15 =	simm.s32 $0x4E20  }
0x4: {  	s16 =	simm.s32 $0x6220;
	s17 =	simm.s32 $0x7620;
	s19 =	simm.s32 $0x8A20  }
0x5: {  	s20 =	simm.s32 $0x1;
	s21 =	simm.s32 $0x2;
	s22 =	simm.s32 $0x9E20  }
0x6: {  	s23 =	simm.s32 $0x3;
	s24 =	simm.s32 $0x4;
	s25 =	simm.s32 $0xA320  }
0x7: {  	s26 =	simm.s32 $0x5;
	s0 =	sand.u32 $0x1, s0;
	s1 =	sshll.u32 s1, $0x1  }
0x8: {  	s28 =	simm.s32 $0x6;
	s29 =	simm.s32 $0x0;
	s1 =	sor.u32 s0, s1  }
0x9: {  	[smem:$0x7FF] =	sst s3;
	s0 =	ssub.s32 $0x2, s0;
	s4 =	smul.u32 $0x2710, s1  }
0xa: {  	s5 =	sadd.s32 $0x13A00, s2;
	s1 =	smul.u32 $0x4E200, s1;
	s7 =	sshrl.u32 s0, $0x1  }
0xb: {  	_ =	strace $0x80000047;
	s0 =	ssub.s32 s0, s7;
	s6 =	sshrl.u32 s4, $0x3  }
0xc: {  	s1 =	sshrl.u32 s1, $0x4;
	s8 =	sadd.s32 s6, s2;
	s6 =	sadd.s32 $0x3B000, s2  }
0xd: {  	s9 =	sadd.s32 $0x50, s4;
	s11 =	smax.u32 s0, $0x1;
	s1 =	sadd.s32 s6, s1  }
0xe: {  	s7 =	sadd.s32 $0x31200, s8;
	s8 =	sadd.s32 $0x27400, s8;
	s10 =	sadd.s32 $0x4D80, s1  }
.LBB2_1:
0xf: {  	[tilespmem:s3], [sflag:$0x7] =	stream.linear.gather [hbm4b:s7+s3], $0x2710, $0x38;
	[tilespmem:$0xA820] =	vst v63  }
0x10: {  	_ =	swait.ge [sflag:s12], $0x2710  }
0x11: {  	[sflag:s12] =	ssyncset.done $0x0  }
0x12: {  	[sflag:s12] =	ssyncadd.s32 $0xFFFFD8F0  }
0x13: {  	[tilespmem:s13], [sflag:$0x7] =	stream.linear.gather [hbm4b:s8+s3], $0x2710, $0x38;
	[tilespmem:$0xA820] =	vst v63  }
0x14: {  	_ =	swait.ge [sflag:s12], $0x2710  }
0x15: {  	[sflag:s12] =	ssyncset.done $0x0  }
0x16: {  	[sflag:s12] =	ssyncadd.s32 $0xFFFFD8F0  }
0x17: {  	[tilespmem:s15], [sflag:$0x1] =	stream.indirect.gather [hbm4b:s2+s14], $0x40, s3, s14, $0xb8;
	[tilespmem:$0xA820] =	vst v63  }
0x18: {  	_ = 	snop  }
0x19: {  	[tilespmem:s16], [sflag:$0x2] =	stream.indirect.gather [hbm4b:s5+s14], $0x40, s13, s14, $0xb8;
	[tilespmem:$0xA820] =	vst v63  }
0x1a: {  	_ = 	snop  }
0x1b: {  	[tilespmem:s17], [sflag:$0x3] =	stream.indirect.gather [hbm4b:s2+s14], $0x40, s14, s14, $0xb8;
	[tilespmem:$0xA820] =	vst v63  }
0x1c: {  	s0 =	simm.s32 $0x2760;
	s30 =	simm.s32 $0x0  }
0x1d: {  	[tilespmem:s19], [sflag:$0x4] =	stream.indirect.gather [hbm4b:s5+s14], $0x40, s0, s14, $0xb8;
	[tilespmem:$0xA820] =	vst v63  }
.LBB2_2:
0x1e: {  	_ =	swait.ge [sflag:s20], $0x1400  }
0x1f: {  	[sflag:s20] =	ssyncset.done $0x0  }
0x20: {  	[sflag:s20] =	ssyncadd.s32 $0xFFFFEC00  }
0x21: {  	_ =	swait.ge [sflag:s21], $0x1400  }
0x22: {  	p0 =	seq.s32 s30, $0x0;
	[sflag:s21] =	ssyncset.done $0x0  }
0x23: {  	s0 =	simm.s32 @!p0 $0x5;
	[sflag:s21] =	ssyncadd.s32 $0xFFFFEC00  }
0x24: {  	_ =	swait.ge @!p0 [sflag:s0], $0x500  }
0x25: {  	[sflag:s0] =	ssyncset.done @!p0 $0x0  }
0x26: {  	s31 =	simm.s32 $0x0;
	s1 =	simm.s32 $0x9EA0;
	[sflag:s0] =	ssyncadd.s32 @!p0 $0xFFFFFB00  }
.LBB2_3:
0x27: {  	s0 =	sshra.s32 s31, $0x2  }
0x28: {  	v0 =	vld [tilespmem:s0+$0x4E20]  }
0x29: {  	v1 =	vld [tilespmem:s0+$0x6220]  }
0x2a: {  	v2 =	vld [tilespmem:s0+$0x4E30]  }
0x2b: {  	v3 =	vld [tilespmem:s0+$0x6230]  }
0x2c: {  	v4 =	vld [tilespmem:s0+$0x4E40]  }
0x2d: {  	v5 =	vld [tilespmem:s0+$0x6240]  }
0x2e: {  	v6 =	vld [tilespmem:s0+$0x4E50]  }
0x2f: {  	v7 =	vld [tilespmem:s0+$0x6250];
	_ =	sdelay $0x3  }
0x30: {  	v0 =	vmul.bf16 v1, v0;
	v8 =	vmul.bf16 v3, v2  }
0x31: {  	v9 =	vmul.bf16 v5, v4;
	v10 =	vmul.bf16 v7, v6;
	_ =	sdelay $0x1  }
0x32: {  	v0 =	vadd.bf16 v8, v0;
	v11 =	vadd.bf16 v10, v9;
	_ =	sdelay $0x1  }
0x33: {  	v0 =	vadd.bf16 v11, v0;
	_ =	sdelay $0x1  }
0x34: {  	[tilespmem:s1+$0xFFFFFF80] =	vst v0  }
0x35: {  	v0 =	vld [tilespmem:s0+$0x4E60]  }
0x36: {  	v12 =	vld [tilespmem:s0+$0x6260]  }
0x37: {  	v13 =	vld [tilespmem:s0+$0x4E70]  }
0x38: {  	v14 =	vld [tilespmem:s0+$0x6270]  }
0x39: {  	v15 =	vld [tilespmem:s0+$0x4E80]  }
0x3a: {  	v16 =	vld [tilespmem:s0+$0x6280]  }
0x3b: {  	v17 =	vld [tilespmem:s0+$0x4E90]  }
0x3c: {  	v18 =	vld [tilespmem:s0+$0x6290];
	_ =	sdelay $0x3  }
0x3d: {  	v0 =	vmul.bf16 v12, v0;
	v19 =	vmul.bf16 v14, v13  }
0x3e: {  	v20 =	vmul.bf16 v16, v15;
	v21 =	vmul.bf16 v18, v17;
	_ =	sdelay $0x1  }
0x3f: {  	v0 =	vadd.bf16 v19, v0;
	v22 =	vadd.bf16 v21, v20;
	_ =	sdelay $0x1  }
0x40: {  	v0 =	vadd.bf16 v22, v0;
	_ =	sdelay $0x1  }
0x41: {  	[tilespmem:s1+$0xFFFFFF90] =	vst v0  }
0x42: {  	v0 =	vld [tilespmem:s0+$0x4EA0]  }
0x43: {  	v23 =	vld [tilespmem:s0+$0x62A0]  }
0x44: {  	v24 =	vld [tilespmem:s0+$0x4EB0]  }
0x45: {  	v25 =	vld [tilespmem:s0+$0x62B0]  }
0x46: {  	v26 =	vld [tilespmem:s0+$0x4EC0]  }
0x47: {  	v27 =	vld [tilespmem:s0+$0x62C0]  }
0x48: {  	v28 =	vld [tilespmem:s0+$0x4ED0]  }
0x49: {  	v29 =	vld [tilespmem:s0+$0x62D0];
	_ =	sdelay $0x3  }
0x4a: {  	v0 =	vmul.bf16 v23, v0;
	v30 =	vmul.bf16 v25, v24  }
0x4b: {  	v31 =	vmul.bf16 v27, v26;
	v32 =	vmul.bf16 v29, v28;
	_ =	sdelay $0x1  }
0x4c: {  	v0 =	vadd.bf16 v30, v0;
	v33 =	vadd.bf16 v32, v31;
	_ =	sdelay $0x1  }
0x4d: {  	v0 =	vadd.bf16 v33, v0;
	_ =	sdelay $0x1  }
0x4e: {  	[tilespmem:s1+$0xFFFFFFA0] =	vst v0  }
0x4f: {  	v0 =	vld [tilespmem:s0+$0x4EE0]  }
0x50: {  	v34 =	vld [tilespmem:s0+$0x62E0]  }
0x51: {  	v35 =	vld [tilespmem:s0+$0x4EF0]  }
0x52: {  	v36 =	vld [tilespmem:s0+$0x62F0]  }
0x53: {  	v37 =	vld [tilespmem:s0+$0x4F00]  }
0x54: {  	v38 =	vld [tilespmem:s0+$0x6300]  }
0x55: {  	v39 =	vld [tilespmem:s0+$0x4F10]  }
0x56: {  	v40 =	vld [tilespmem:s0+$0x6310];
	_ =	sdelay $0x3  }
0x57: {  	v0 =	vmul.bf16 v34, v0;
	v41 =	vmul.bf16 v36, v35  }
0x58: {  	v42 =	vmul.bf16 v38, v37;
	v43 =	vmul.bf16 v40, v39;
	_ =	sdelay $0x1  }
0x59: {  	v0 =	vadd.bf16 v41, v0;
	v44 =	vadd.bf16 v43, v42;
	_ =	sdelay $0x1  }
0x5a: {  	v0 =	vadd.bf16 v44, v0;
	_ =	sdelay $0x1  }
0x5b: {  	[tilespmem:s1+$0xFFFFFFB0] =	vst v0  }
0x5c: {  	v0 =	vld [tilespmem:s0+$0x4F20]  }
0x5d: {  	v45 =	vld [tilespmem:s0+$0x6320]  }
0x5e: {  	v46 =	vld [tilespmem:s0+$0x4F30]  }
0x5f: {  	v47 =	vld [tilespmem:s0+$0x6330]  }
0x60: {  	v48 =	vld [tilespmem:s0+$0x4F40]  }
0x61: {  	v49 =	vld [tilespmem:s0+$0x6340]  }
0x62: {  	v50 =	vld [tilespmem:s0+$0x4F50]  }
0x63: {  	v51 =	vld [tilespmem:s0+$0x6350];
	_ =	sdelay $0x3  }
0x64: {  	v0 =	vmul.bf16 v45, v0;
	v52 =	vmul.bf16 v47, v46  }
0x65: {  	v53 =	vmul.bf16 v49, v48;
	v54 =	vmul.bf16 v51, v50;
	_ =	sdelay $0x1  }
0x66: {  	v0 =	vadd.bf16 v52, v0;
	v55 =	vadd.bf16 v54, v53;
	_ =	sdelay $0x1  }
0x67: {  	v0 =	vadd.bf16 v55, v0;
	_ =	sdelay $0x1  }
0x68: {  	[tilespmem:s1+$0xFFFFFFC0] =	vst v0  }
0x69: {  	v0 =	vld [tilespmem:s0+$0x4F60]  }
0x6a: {  	v56 =	vld [tilespmem:s0+$0x6360]  }
0x6b: {  	v57 =	vld [tilespmem:s0+$0x4F70]  }
0x6c: {  	v58 =	vld [tilespmem:s0+$0x6370]  }
0x6d: {  	v59 =	vld [tilespmem:s0+$0x4F80]  }
0x6e: {  	v60 =	vld [tilespmem:s0+$0x6380]  }
0x6f: {  	v61 =	vld [tilespmem:s0+$0x4F90]  }
0x70: {  	v62 =	vld [tilespmem:s0+$0x6390];
	_ =	sdelay $0x3  }
0x71: {  	v0 =	vmul.bf16 v56, v0;
	v63 =	vmul.bf16 v58, v57  }
0x72: {  	v8 =	vmul.bf16 v60, v59;
	v9 =	vmul.bf16 v62, v61;
	_ =	sdelay $0x1  }
0x73: {  	v0 =	vadd.bf16 v63, v0;
	v10 =	vadd.bf16 v9, v8;
	_ =	sdelay $0x1  }
0x74: {  	v0 =	vadd.bf16 v10, v0;
	_ =	sdelay $0x1  }
0x75: {  	[tilespmem:s1+$0xFFFFFFD0] =	vst v0  }
0x76: {  	v0 =	vld [tilespmem:s0+$0x4FA0]  }
0x77: {  	v11 =	vld [tilespmem:s0+$0x63A0]  }
0x78: {  	v12 =	vld [tilespmem:s0+$0x4FB0]  }
0x79: {  	v13 =	vld [tilespmem:s0+$0x63B0]  }
0x7a: {  	v14 =	vld [tilespmem:s0+$0x4FC0]  }
0x7b: {  	v15 =	vld [tilespmem:s0+$0x63C0]  }
0x7c: {  	v16 =	vld [tilespmem:s0+$0x4FD0]  }
0x7d: {  	v17 =	vld [tilespmem:s0+$0x63D0];
	_ =	sdelay $0x3  }
0x7e: {  	v0 =	vmul.bf16 v11, v0;
	v18 =	vmul.bf16 v13, v12  }
0x7f: {  	v19 =	vmul.bf16 v15, v14;
	v20 =	vmul.bf16 v17, v16;
	_ =	sdelay $0x1  }
0x80: {  	v0 =	vadd.bf16 v18, v0;
	v21 =	vadd.bf16 v20, v19;
	_ =	sdelay $0x1  }
0x81: {  	v0 =	vadd.bf16 v21, v0;
	_ =	sdelay $0x1  }
0x82: {  	[tilespmem:s1+$0xFFFFFFE0] =	vst v0  }
0x83: {  	v0 =	vld [tilespmem:s0+$0x4FE0]  }
0x84: {  	v22 =	vld [tilespmem:s0+$0x63E0]  }
0x85: {  	v23 =	vld [tilespmem:s0+$0x4FF0]  }
0x86: {  	v24 =	vld [tilespmem:s0+$0x63F0]  }
0x87: {  	v25 =	vld [tilespmem:s0+$0x5000]  }
0x88: {  	v26 =	vld [tilespmem:s0+$0x6400]  }
0x89: {  	v27 =	vld [tilespmem:s0+$0x5010]  }
0x8a: {  	v28 =	vld [tilespmem:s0+$0x6410];
	_ =	sdelay $0x3  }
0x8b: {  	v0 =	vmul.bf16 v22, v0;
	v29 =	vmul.bf16 v24, v23  }
0x8c: {  	v30 =	vmul.bf16 v26, v25;
	v31 =	vmul.bf16 v28, v27;
	_ =	sdelay $0x1  }
0x8d: {  	v0 =	vadd.bf16 v29, v0;
	v32 =	vadd.bf16 v31, v30;
	_ =	sdelay $0x1  }
0x8e: {  	v0 =	vadd.bf16 v32, v0;
	_ =	sdelay $0x1  }
0x8f: {  	[tilespmem:s1+$0xFFFFFFF0] =	vst v0  }
0x90: {  	v0 =	vld [tilespmem:s0+$0x5020]  }
0x91: {  	v33 =	vld [tilespmem:s0+$0x6420]  }
0x92: {  	v34 =	vld [tilespmem:s0+$0x5030]  }
0x93: {  	v35 =	vld [tilespmem:s0+$0x6430]  }
0x94: {  	v36 =	vld [tilespmem:s0+$0x5040]  }
0x95: {  	v37 =	vld [tilespmem:s0+$0x6440]  }
0x96: {  	v38 =	vld [tilespmem:s0+$0x5050]  }
0x97: {  	v39 =	vld [tilespmem:s0+$0x6450];
	_ =	sdelay $0x3  }
0x98: {  	v0 =	vmul.bf16 v33, v0;
	v40 =	vmul.bf16 v35, v34  }
0x99: {  	v41 =	vmul.bf16 v37, v36;
	v42 =	vmul.bf16 v39, v38;
	_ =	sdelay $0x1  }
0x9a: {  	v0 =	vadd.bf16 v40, v0;
	v43 =	vadd.bf16 v42, v41;
	_ =	sdelay $0x1  }
0x9b: {  	v0 =	vadd.bf16 v43, v0;
	_ =	sdelay $0x1  }
0x9c: {  	[tilespmem:s1+$0x0] =	vst v0  }
0x9d: {  	v0 =	vld [tilespmem:s0+$0x5060]  }
0x9e: {  	v44 =	vld [tilespmem:s0+$0x6460]  }
0x9f: {  	v45 =	vld [tilespmem:s0+$0x5070]  }
0xa0: {  	v46 =	vld [tilespmem:s0+$0x6470]  }
0xa1: {  	v47 =	vld [tilespmem:s0+$0x5080]  }
0xa2: {  	v48 =	vld [tilespmem:s0+$0x6480]  }
0xa3: {  	v49 =	vld [tilespmem:s0+$0x5090]  }
0xa4: {  	v50 =	vld [tilespmem:s0+$0x6490];
	_ =	sdelay $0x3  }
0xa5: {  	v0 =	vmul.bf16 v44, v0;
	v51 =	vmul.bf16 v46, v45  }
0xa6: {  	v52 =	vmul.bf16 v48, v47;
	v53 =	vmul.bf16 v50, v49;
	_ =	sdelay $0x1  }
0xa7: {  	v0 =	vadd.bf16 v51, v0;
	v54 =	vadd.bf16 v53, v52;
	_ =	sdelay $0x1  }
0xa8: {  	v0 =	vadd.bf16 v54, v0;
	_ =	sdelay $0x1  }
0xa9: {  	[tilespmem:s1+$0x10] =	vst v0  }
0xaa: {  	v0 =	vld [tilespmem:s0+$0x50A0]  }
0xab: {  	v55 =	vld [tilespmem:s0+$0x64A0]  }
0xac: {  	v56 =	vld [tilespmem:s0+$0x50B0]  }
0xad: {  	v57 =	vld [tilespmem:s0+$0x64B0]  }
0xae: {  	v58 =	vld [tilespmem:s0+$0x50C0]  }
0xaf: {  	v59 =	vld [tilespmem:s0+$0x64C0]  }
0xb0: {  	v60 =	vld [tilespmem:s0+$0x50D0]  }
0xb1: {  	v61 =	vld [tilespmem:s0+$0x64D0];
	_ =	sdelay $0x3  }
0xb2: {  	v0 =	vmul.bf16 v55, v0;
	v62 =	vmul.bf16 v57, v56  }
0xb3: {  	v63 =	vmul.bf16 v59, v58;
	v7 =	vmul.bf16 v61, v60;
	_ =	sdelay $0x1  }
0xb4: {  	v0 =	vadd.bf16 v62, v0;
	v8 =	vadd.bf16 v7, v63;
	_ =	sdelay $0x1  }
0xb5: {  	v0 =	vadd.bf16 v8, v0;
	_ =	sdelay $0x1  }
0xb6: {  	[tilespmem:s1+$0x20] =	vst v0  }
0xb7: {  	v0 =	vld [tilespmem:s0+$0x50E0]  }
0xb8: {  	v9 =	vld [tilespmem:s0+$0x64E0]  }
0xb9: {  	v10 =	vld [tilespmem:s0+$0x50F0]  }
0xba: {  	v11 =	vld [tilespmem:s0+$0x64F0]  }
0xbb: {  	v12 =	vld [tilespmem:s0+$0x5100]  }
0xbc: {  	v13 =	vld [tilespmem:s0+$0x6500]  }
0xbd: {  	v14 =	vld [tilespmem:s0+$0x5110]  }
0xbe: {  	v15 =	vld [tilespmem:s0+$0x6510];
	_ =	sdelay $0x3  }
0xbf: {  	v0 =	vmul.bf16 v9, v0;
	v16 =	vmul.bf16 v11, v10  }
0xc0: {  	v17 =	vmul.bf16 v13, v12;
	v18 =	vmul.bf16 v15, v14;
	_ =	sdelay $0x1  }
0xc1: {  	v0 =	vadd.bf16 v16, v0;
	v19 =	vadd.bf16 v18, v17;
	_ =	sdelay $0x1  }
0xc2: {  	v0 =	vadd.bf16 v19, v0;
	_ =	sdelay $0x1  }
0xc3: {  	[tilespmem:s1+$0x30] =	vst v0  }
0xc4: {  	v0 =	vld [tilespmem:s0+$0x5120]  }
0xc5: {  	v20 =	vld [tilespmem:s0+$0x6520]  }
0xc6: {  	v21 =	vld [tilespmem:s0+$0x5130]  }
0xc7: {  	v22 =	vld [tilespmem:s0+$0x6530]  }
0xc8: {  	v23 =	vld [tilespmem:s0+$0x5140]  }
0xc9: {  	v24 =	vld [tilespmem:s0+$0x6540]  }
0xca: {  	v25 =	vld [tilespmem:s0+$0x5150]  }
0xcb: {  	v26 =	vld [tilespmem:s0+$0x6550];
	_ =	sdelay $0x3  }
0xcc: {  	v0 =	vmul.bf16 v20, v0;
	v27 =	vmul.bf16 v22, v21  }
0xcd: {  	v28 =	vmul.bf16 v24, v23;
	v29 =	vmul.bf16 v26, v25;
	_ =	sdelay $0x1  }
0xce: {  	v0 =	vadd.bf16 v27, v0;
	v30 =	vadd.bf16 v29, v28;
	_ =	sdelay $0x1  }
0xcf: {  	v0 =	vadd.bf16 v30, v0;
	_ =	sdelay $0x1  }
0xd0: {  	[tilespmem:s1+$0x40] =	vst v0  }
0xd1: {  	v0 =	vld [tilespmem:s0+$0x5160]  }
0xd2: {  	v31 =	vld [tilespmem:s0+$0x6560]  }
0xd3: {  	v32 =	vld [tilespmem:s0+$0x5170]  }
0xd4: {  	v33 =	vld [tilespmem:s0+$0x6570]  }
0xd5: {  	v34 =	vld [tilespmem:s0+$0x5180]  }
0xd6: {  	v35 =	vld [tilespmem:s0+$0x6580]  }
0xd7: {  	v36 =	vld [tilespmem:s0+$0x5190]  }
0xd8: {  	v37 =	vld [tilespmem:s0+$0x6590];
	_ =	sdelay $0x3  }
0xd9: {  	v0 =	vmul.bf16 v31, v0;
	v38 =	vmul.bf16 v33, v32  }
0xda: {  	v39 =	vmul.bf16 v35, v34;
	v40 =	vmul.bf16 v37, v36;
	_ =	sdelay $0x1  }
0xdb: {  	v0 =	vadd.bf16 v38, v0;
	v41 =	vadd.bf16 v40, v39;
	_ =	sdelay $0x1  }
0xdc: {  	v0 =	vadd.bf16 v41, v0;
	_ =	sdelay $0x1  }
0xdd: {  	[tilespmem:s1+$0x50] =	vst v0  }
0xde: {  	v0 =	vld [tilespmem:s0+$0x51A0]  }
0xdf: {  	v42 =	vld [tilespmem:s0+$0x65A0]  }
0xe0: {  	v43 =	vld [tilespmem:s0+$0x51B0]  }
0xe1: {  	v44 =	vld [tilespmem:s0+$0x65B0]  }
0xe2: {  	v45 =	vld [tilespmem:s0+$0x51C0]  }
0xe3: {  	v46 =	vld [tilespmem:s0+$0x65C0]  }
0xe4: {  	v47 =	vld [tilespmem:s0+$0x51D0]  }
0xe5: {  	v48 =	vld [tilespmem:s0+$0x65D0];
	_ =	sdelay $0x3  }
0xe6: {  	v0 =	vmul.bf16 v42, v0;
	v49 =	vmul.bf16 v44, v43  }
0xe7: {  	v50 =	vmul.bf16 v46, v45;
	v51 =	vmul.bf16 v48, v47;
	_ =	sdelay $0x1  }
0xe8: {  	v0 =	vadd.bf16 v49, v0;
	v52 =	vadd.bf16 v51, v50;
	_ =	sdelay $0x1  }
0xe9: {  	v0 =	vadd.bf16 v52, v0;
	_ =	sdelay $0x1  }
0xea: {  	[tilespmem:s1+$0x60] =	vst v0  }
0xeb: {  	v0 =	vld [tilespmem:s0+$0x51E0]  }
0xec: {  	v53 =	vld [tilespmem:s0+$0x65E0]  }
0xed: {  	v54 =	vld [tilespmem:s0+$0x51F0]  }
0xee: {  	v55 =	vld [tilespmem:s0+$0x65F0]  }
0xef: {  	v56 =	vld [tilespmem:s0+$0x5200]  }
0xf0: {  	v57 =	vld [tilespmem:s0+$0x6600]  }
0xf1: {  	v58 =	vld [tilespmem:s0+$0x5210]  }
0xf2: {  	v59 =	vld [tilespmem:s0+$0x6610];
	_ =	sdelay $0x3  }
0xf3: {  	v0 =	vmul.bf16 v53, v0;
	v60 =	vmul.bf16 v55, v54  }
0xf4: {  	v61 =	vmul.bf16 v57, v56;
	v62 =	vmul.bf16 v59, v58  }
0xf5: {  	p1 =	sne.s32 s31, $0x4000  }
.Ltmp0:
0xf6: {  	v0 =	vadd.bf16 v60, v0;
	v63 =	vadd.bf16 v62, v61;
	(pc) =	sbr.rel @p1 .LBB2_3-.Ltmp0, $3  }
0xf7: {  	_ = 	snop  }
0xf8: {  	v0 =	vadd.bf16 v63, v0;
	_ =	sdelay $0x1  }
0xf9: {  	s31 =	sadd.s32 $0x1000, s31;
	[tilespmem:s1+$0x70] =	vst v0;
	s1 =	sadd.s32 $0x100, s1  }
0xfa: {  	s31 =	smul.u32 $0xA0, s30;
	_ =	sdelay $0x1  }
0xfb: {  	s0 =	sadd.s32 s4, s31  }
0xfc: {  	s0 =	sshll.u32 s0, $0x1  }
0xfd: {  	s0 =	sadd.s32 s6, s0  }
0xfe: {  	[hbm4b:s0+s3] =	stream.linear.scatter [tilespmem:s22], [sflag:$0x5], $0x500, $0x38;
	[tilespmem:$0xA820] =	vst v63  }
0xff: {  	s1 =	sadd.s32 $0xA0, s31  }
0x100: {  	[tilespmem:s15], [sflag:$0x1] =	stream.indirect.gather [hbm4b:s2+s14], $0x40, s1, s14, $0xb8;
	[tilespmem:$0xA820] =	vst v63  }
0x101: {  	s18 =	sadd.s32 $0x27B0, s31  }
0x102: {  	[tilespmem:s16], [sflag:$0x2] =	stream.indirect.gather [hbm4b:s5+s14], $0x40, s18, s14, $0xb8;
	[tilespmem:$0xA820] =	vst v63  }
0x103: {  	_ =	swait.ge [sflag:s23], $0x1400  }
0x104: {  	[sflag:s23] =	ssyncset.done $0x0  }
0x105: {  	[sflag:s23] =	ssyncadd.s32 $0xFFFFEC00  }
0x106: {  	_ =	swait.ge [sflag:s24], $0x1400  }
0x107: {  	[sflag:s24] =	ssyncset.done $0x0  }
0x108: {  	s0 =	simm.s32 @!p0 $0x6;
	[sflag:s24] =	ssyncadd.s32 $0xFFFFEC00  }
0x109: {  	_ =	swait.ge @!p0 [sflag:s0], $0x500  }
0x10a: {  	[sflag:s0] =	ssyncset.done @!p0 $0x0  }
0x10b: {  	s1 =	simm.s32 $0x0;
	[sflag:s0] =	ssyncadd.s32 @!p0 $0xFFFFFB00;
	s0 =	simm.s32 $0xA3A0  }
.LBB2_5:
0x10c: {  	s18 =	sshra.s32 s1, $0x2  }
0x10d: {  	v0 =	vld [tilespmem:s18+$0x7620]  }
0x10e: {  	v1 =	vld [tilespmem:s18+$0x8A20]  }
0x10f: {  	v2 =	vld [tilespmem:s18+$0x7630]  }
0x110: {  	v3 =	vld [tilespmem:s18+$0x8A30]  }
0x111: {  	v4 =	vld [tilespmem:s18+$0x7640]  }
0x112: {  	v5 =	vld [tilespmem:s18+$0x8A40]  }
0x113: {  	v6 =	vld [tilespmem:s18+$0x7650]  }
0x114: {  	v7 =	vld [tilespmem:s18+$0x8A50];
	_ =	sdelay $0x3  }
0x115: {  	v0 =	vmul.bf16 v1, v0;
	v8 =	vmul.bf16 v3, v2  }
0x116: {  	v9 =	vmul.bf16 v5, v4;
	v10 =	vmul.bf16 v7, v6;
	_ =	sdelay $0x1  }
0x117: {  	v0 =	vadd.bf16 v8, v0;
	v11 =	vadd.bf16 v10, v9;
	_ =	sdelay $0x1  }
0x118: {  	v0 =	vadd.bf16 v11, v0;
	_ =	sdelay $0x1  }
0x119: {  	[tilespmem:s0+$0xFFFFFF80] =	vst v0  }
0x11a: {  	v0 =	vld [tilespmem:s18+$0x7660]  }
0x11b: {  	v12 =	vld [tilespmem:s18+$0x8A60]  }
0x11c: {  	v13 =	vld [tilespmem:s18+$0x7670]  }
0x11d: {  	v14 =	vld [tilespmem:s18+$0x8A70]  }
0x11e: {  	v15 =	vld [tilespmem:s18+$0x7680]  }
0x11f: {  	v16 =	vld [tilespmem:s18+$0x8A80]  }
0x120: {  	v17 =	vld [tilespmem:s18+$0x7690]  }
0x121: {  	v18 =	vld [tilespmem:s18+$0x8A90];
	_ =	sdelay $0x3  }
0x122: {  	v0 =	vmul.bf16 v12, v0;
	v19 =	vmul.bf16 v14, v13  }
0x123: {  	v20 =	vmul.bf16 v16, v15;
	v21 =	vmul.bf16 v18, v17;
	_ =	sdelay $0x1  }
0x124: {  	v0 =	vadd.bf16 v19, v0;
	v22 =	vadd.bf16 v21, v20;
	_ =	sdelay $0x1  }
0x125: {  	v0 =	vadd.bf16 v22, v0;
	_ =	sdelay $0x1  }
0x126: {  	[tilespmem:s0+$0xFFFFFF90] =	vst v0  }
0x127: {  	v0 =	vld [tilespmem:s18+$0x76A0]  }
0x128: {  	v23 =	vld [tilespmem:s18+$0x8AA0]  }
0x129: {  	v24 =	vld [tilespmem:s18+$0x76B0]  }
0x12a: {  	v25 =	vld [tilespmem:s18+$0x8AB0]  }
0x12b: {  	v26 =	vld [tilespmem:s18+$0x76C0]  }
0x12c: {  	v27 =	vld [tilespmem:s18+$0x8AC0]  }
0x12d: {  	v28 =	vld [tilespmem:s18+$0x76D0]  }
0x12e: {  	v29 =	vld [tilespmem:s18+$0x8AD0];
	_ =	sdelay $0x3  }
0x12f: {  	v0 =	vmul.bf16 v23, v0;
	v30 =	vmul.bf16 v25, v24  }
0x130: {  	v31 =	vmul.bf16 v27, v26;
	v32 =	vmul.bf16 v29, v28;
	_ =	sdelay $0x1  }
0x131: {  	v0 =	vadd.bf16 v30, v0;
	v33 =	vadd.bf16 v32, v31;
	_ =	sdelay $0x1  }
0x132: {  	v0 =	vadd.bf16 v33, v0;
	_ =	sdelay $0x1  }
0x133: {  	[tilespmem:s0+$0xFFFFFFA0] =	vst v0  }
0x134: {  	v0 =	vld [tilespmem:s18+$0x76E0]  }
0x135: {  	v34 =	vld [tilespmem:s18+$0x8AE0]  }
0x136: {  	v35 =	vld [tilespmem:s18+$0x76F0]  }
0x137: {  	v36 =	vld [tilespmem:s18+$0x8AF0]  }
0x138: {  	v37 =	vld [tilespmem:s18+$0x7700]  }
0x139: {  	v38 =	vld [tilespmem:s18+$0x8B00]  }
0x13a: {  	v39 =	vld [tilespmem:s18+$0x7710]  }
0x13b: {  	v40 =	vld [tilespmem:s18+$0x8B10];
	_ =	sdelay $0x3  }
0x13c: {  	v0 =	vmul.bf16 v34, v0;
	v41 =	vmul.bf16 v36, v35  }
0x13d: {  	v42 =	vmul.bf16 v38, v37;
	v43 =	vmul.bf16 v40, v39;
	_ =	sdelay $0x1  }
0x13e: {  	v0 =	vadd.bf16 v41, v0;
	v44 =	vadd.bf16 v43, v42;
	_ =	sdelay $0x1  }
0x13f: {  	v0 =	vadd.bf16 v44, v0;
	_ =	sdelay $0x1  }
0x140: {  	[tilespmem:s0+$0xFFFFFFB0] =	vst v0  }
0x141: {  	v0 =	vld [tilespmem:s18+$0x7720]  }
0x142: {  	v45 =	vld [tilespmem:s18+$0x8B20]  }
0x143: {  	v46 =	vld [tilespmem:s18+$0x7730]  }
0x144: {  	v47 =	vld [tilespmem:s18+$0x8B30]  }
0x145: {  	v48 =	vld [tilespmem:s18+$0x7740]  }
0x146: {  	v49 =	vld [tilespmem:s18+$0x8B40]  }
0x147: {  	v50 =	vld [tilespmem:s18+$0x7750]  }
0x148: {  	v51 =	vld [tilespmem:s18+$0x8B50];
	_ =	sdelay $0x3  }
0x149: {  	v0 =	vmul.bf16 v45, v0;
	v52 =	vmul.bf16 v47, v46  }
0x14a: {  	v53 =	vmul.bf16 v49, v48;
	v54 =	vmul.bf16 v51, v50;
	_ =	sdelay $0x1  }
0x14b: {  	v0 =	vadd.bf16 v52, v0;
	v55 =	vadd.bf16 v54, v53;
	_ =	sdelay $0x1  }
0x14c: {  	v0 =	vadd.bf16 v55, v0;
	_ =	sdelay $0x1  }
0x14d: {  	[tilespmem:s0+$0xFFFFFFC0] =	vst v0  }
0x14e: {  	v0 =	vld [tilespmem:s18+$0x7760]  }
0x14f: {  	v56 =	vld [tilespmem:s18+$0x8B60]  }
0x150: {  	v57 =	vld [tilespmem:s18+$0x7770]  }
0x151: {  	v58 =	vld [tilespmem:s18+$0x8B70]  }
0x152: {  	v59 =	vld [tilespmem:s18+$0x7780]  }
0x153: {  	v60 =	vld [tilespmem:s18+$0x8B80]  }
0x154: {  	v61 =	vld [tilespmem:s18+$0x7790]  }
0x155: {  	v62 =	vld [tilespmem:s18+$0x8B90];
	_ =	sdelay $0x3  }
0x156: {  	v0 =	vmul.bf16 v56, v0;
	v63 =	vmul.bf16 v58, v57  }
0x157: {  	v8 =	vmul.bf16 v60, v59;
	v9 =	vmul.bf16 v62, v61;
	_ =	sdelay $0x1  }
0x158: {  	v0 =	vadd.bf16 v63, v0;
	v10 =	vadd.bf16 v9, v8;
	_ =	sdelay $0x1  }
0x159: {  	v0 =	vadd.bf16 v10, v0;
	_ =	sdelay $0x1  }
0x15a: {  	[tilespmem:s0+$0xFFFFFFD0] =	vst v0  }
0x15b: {  	v0 =	vld [tilespmem:s18+$0x77A0]  }
0x15c: {  	v11 =	vld [tilespmem:s18+$0x8BA0]  }
0x15d: {  	v12 =	vld [tilespmem:s18+$0x77B0]  }
0x15e: {  	v13 =	vld [tilespmem:s18+$0x8BB0]  }
0x15f: {  	v14 =	vld [tilespmem:s18+$0x77C0]  }
0x160: {  	v15 =	vld [tilespmem:s18+$0x8BC0]  }
0x161: {  	v16 =	vld [tilespmem:s18+$0x77D0]  }
0x162: {  	v17 =	vld [tilespmem:s18+$0x8BD0];
	_ =	sdelay $0x3  }
0x163: {  	v0 =	vmul.bf16 v11, v0;
	v18 =	vmul.bf16 v13, v12  }
0x164: {  	v19 =	vmul.bf16 v15, v14;
	v20 =	vmul.bf16 v17, v16;
	_ =	sdelay $0x1  }
0x165: {  	v0 =	vadd.bf16 v18, v0;
	v21 =	vadd.bf16 v20, v19;
	_ =	sdelay $0x1  }
0x166: {  	v0 =	vadd.bf16 v21, v0;
	_ =	sdelay $0x1  }
0x167: {  	[tilespmem:s0+$0xFFFFFFE0] =	vst v0  }
0x168: {  	v0 =	vld [tilespmem:s18+$0x77E0]  }
0x169: {  	v22 =	vld [tilespmem:s18+$0x8BE0]  }
0x16a: {  	v23 =	vld [tilespmem:s18+$0x77F0]  }
0x16b: {  	v24 =	vld [tilespmem:s18+$0x8BF0]  }
0x16c: {  	v25 =	vld [tilespmem:s18+$0x7800]  }
0x16d: {  	v26 =	vld [tilespmem:s18+$0x8C00]  }
0x16e: {  	v27 =	vld [tilespmem:s18+$0x7810]  }
0x16f: {  	v28 =	vld [tilespmem:s18+$0x8C10];
	_ =	sdelay $0x3  }
0x170: {  	v0 =	vmul.bf16 v22, v0;
	v29 =	vmul.bf16 v24, v23  }
0x171: {  	v30 =	vmul.bf16 v26, v25;
	v31 =	vmul.bf16 v28, v27;
	_ =	sdelay $0x1  }
0x172: {  	v0 =	vadd.bf16 v29, v0;
	v32 =	vadd.bf16 v31, v30;
	_ =	sdelay $0x1  }
0x173: {  	v0 =	vadd.bf16 v32, v0;
	_ =	sdelay $0x1  }
0x174: {  	[tilespmem:s0+$0xFFFFFFF0] =	vst v0  }
0x175: {  	v0 =	vld [tilespmem:s18+$0x7820]  }
0x176: {  	v33 =	vld [tilespmem:s18+$0x8C20]  }
0x177: {  	v34 =	vld [tilespmem:s18+$0x7830]  }
0x178: {  	v35 =	vld [tilespmem:s18+$0x8C30]  }
0x179: {  	v36 =	vld [tilespmem:s18+$0x7840]  }
0x17a: {  	v37 =	vld [tilespmem:s18+$0x8C40]  }
0x17b: {  	v38 =	vld [tilespmem:s18+$0x7850]  }
0x17c: {  	v39 =	vld [tilespmem:s18+$0x8C50];
	_ =	sdelay $0x3  }
0x17d: {  	v0 =	vmul.bf16 v33, v0;
	v40 =	vmul.bf16 v35, v34  }
0x17e: {  	v41 =	vmul.bf16 v37, v36;
	v42 =	vmul.bf16 v39, v38;
	_ =	sdelay $0x1  }
0x17f: {  	v0 =	vadd.bf16 v40, v0;
	v43 =	vadd.bf16 v42, v41;
	_ =	sdelay $0x1  }
0x180: {  	v0 =	vadd.bf16 v43, v0;
	_ =	sdelay $0x1  }
0x181: {  	[tilespmem:s0+$0x0] =	vst v0  }
0x182: {  	v0 =	vld [tilespmem:s18+$0x7860]  }
0x183: {  	v44 =	vld [tilespmem:s18+$0x8C60]  }
0x184: {  	v45 =	vld [tilespmem:s18+$0x7870]  }
0x185: {  	v46 =	vld [tilespmem:s18+$0x8C70]  }
0x186: {  	v47 =	vld [tilespmem:s18+$0x7880]  }
0x187: {  	v48 =	vld [tilespmem:s18+$0x8C80]  }
0x188: {  	v49 =	vld [tilespmem:s18+$0x7890]  }
0x189: {  	v50 =	vld [tilespmem:s18+$0x8C90];
	_ =	sdelay $0x3  }
0x18a: {  	v0 =	vmul.bf16 v44, v0;
	v51 =	vmul.bf16 v46, v45  }
0x18b: {  	v52 =	vmul.bf16 v48, v47;
	v53 =	vmul.bf16 v50, v49;
	_ =	sdelay $0x1  }
0x18c: {  	v0 =	vadd.bf16 v51, v0;
	v54 =	vadd.bf16 v53, v52;
	_ =	sdelay $0x1  }
0x18d: {  	v0 =	vadd.bf16 v54, v0;
	_ =	sdelay $0x1  }
0x18e: {  	[tilespmem:s0+$0x10] =	vst v0  }
0x18f: {  	v0 =	vld [tilespmem:s18+$0x78A0]  }
0x190: {  	v55 =	vld [tilespmem:s18+$0x8CA0]  }
0x191: {  	v56 =	vld [tilespmem:s18+$0x78B0]  }
0x192: {  	v57 =	vld [tilespmem:s18+$0x8CB0]  }
0x193: {  	v58 =	vld [tilespmem:s18+$0x78C0]  }
0x194: {  	v59 =	vld [tilespmem:s18+$0x8CC0]  }
0x195: {  	v60 =	vld [tilespmem:s18+$0x78D0]  }
0x196: {  	v61 =	vld [tilespmem:s18+$0x8CD0];
	_ =	sdelay $0x3  }
0x197: {  	v0 =	vmul.bf16 v55, v0;
	v62 =	vmul.bf16 v57, v56  }
0x198: {  	v63 =	vmul.bf16 v59, v58;
	v7 =	vmul.bf16 v61, v60;
	_ =	sdelay $0x1  }
0x199: {  	v0 =	vadd.bf16 v62, v0;
	v8 =	vadd.bf16 v7, v63;
	_ =	sdelay $0x1  }
0x19a: {  	v0 =	vadd.bf16 v8, v0;
	_ =	sdelay $0x1  }
0x19b: {  	[tilespmem:s0+$0x20] =	vst v0  }
0x19c: {  	v0 =	vld [tilespmem:s18+$0x78E0]  }
0x19d: {  	v9 =	vld [tilespmem:s18+$0x8CE0]  }
0x19e: {  	v10 =	vld [tilespmem:s18+$0x78F0]  }
0x19f: {  	v11 =	vld [tilespmem:s18+$0x8CF0]  }
0x1a0: {  	v12 =	vld [tilespmem:s18+$0x7900]  }
0x1a1: {  	v13 =	vld [tilespmem:s18+$0x8D00]  }
0x1a2: {  	v14 =	vld [tilespmem:s18+$0x7910]  }
0x1a3: {  	v15 =	vld [tilespmem:s18+$0x8D10];
	_ =	sdelay $0x3  }
0x1a4: {  	v0 =	vmul.bf16 v9, v0;
	v16 =	vmul.bf16 v11, v10  }
0x1a5: {  	v17 =	vmul.bf16 v13, v12;
	v18 =	vmul.bf16 v15, v14;
	_ =	sdelay $0x1  }
0x1a6: {  	v0 =	vadd.bf16 v16, v0;
	v19 =	vadd.bf16 v18, v17;
	_ =	sdelay $0x1  }
0x1a7: {  	v0 =	vadd.bf16 v19, v0;
	_ =	sdelay $0x1  }
0x1a8: {  	[tilespmem:s0+$0x30] =	vst v0  }
0x1a9: {  	v0 =	vld [tilespmem:s18+$0x7920]  }
0x1aa: {  	v20 =	vld [tilespmem:s18+$0x8D20]  }
0x1ab: {  	v21 =	vld [tilespmem:s18+$0x7930]  }
0x1ac: {  	v22 =	vld [tilespmem:s18+$0x8D30]  }
0x1ad: {  	v23 =	vld [tilespmem:s18+$0x7940]  }
0x1ae: {  	v24 =	vld [tilespmem:s18+$0x8D40]  }
0x1af: {  	v25 =	vld [tilespmem:s18+$0x7950]  }
0x1b0: {  	v26 =	vld [tilespmem:s18+$0x8D50];
	_ =	sdelay $0x3  }
0x1b1: {  	v0 =	vmul.bf16 v20, v0;
	v27 =	vmul.bf16 v22, v21  }
0x1b2: {  	v28 =	vmul.bf16 v24, v23;
	v29 =	vmul.bf16 v26, v25;
	_ =	sdelay $0x1  }
0x1b3: {  	v0 =	vadd.bf16 v27, v0;
	v30 =	vadd.bf16 v29, v28;
	_ =	sdelay $0x1  }
0x1b4: {  	v0 =	vadd.bf16 v30, v0;
	_ =	sdelay $0x1  }
0x1b5: {  	[tilespmem:s0+$0x40] =	vst v0  }
0x1b6: {  	v0 =	vld [tilespmem:s18+$0x7960]  }
0x1b7: {  	v31 =	vld [tilespmem:s18+$0x8D60]  }
0x1b8: {  	v32 =	vld [tilespmem:s18+$0x7970]  }
0x1b9: {  	v33 =	vld [tilespmem:s18+$0x8D70]  }
0x1ba: {  	v34 =	vld [tilespmem:s18+$0x7980]  }
0x1bb: {  	v35 =	vld [tilespmem:s18+$0x8D80]  }
0x1bc: {  	v36 =	vld [tilespmem:s18+$0x7990]  }
0x1bd: {  	v37 =	vld [tilespmem:s18+$0x8D90];
	_ =	sdelay $0x3  }
0x1be: {  	v0 =	vmul.bf16 v31, v0;
	v38 =	vmul.bf16 v33, v32  }
0x1bf: {  	v39 =	vmul.bf16 v35, v34;
	v40 =	vmul.bf16 v37, v36;
	_ =	sdelay $0x1  }
0x1c0: {  	v0 =	vadd.bf16 v38, v0;
	v41 =	vadd.bf16 v40, v39;
	_ =	sdelay $0x1  }
0x1c1: {  	v0 =	vadd.bf16 v41, v0;
	_ =	sdelay $0x1  }
0x1c2: {  	[tilespmem:s0+$0x50] =	vst v0  }
0x1c3: {  	v0 =	vld [tilespmem:s18+$0x79A0]  }
0x1c4: {  	v42 =	vld [tilespmem:s18+$0x8DA0]  }
0x1c5: {  	v43 =	vld [tilespmem:s18+$0x79B0]  }
0x1c6: {  	v44 =	vld [tilespmem:s18+$0x8DB0]  }
0x1c7: {  	v45 =	vld [tilespmem:s18+$0x79C0]  }
0x1c8: {  	v46 =	vld [tilespmem:s18+$0x8DC0]  }
0x1c9: {  	v47 =	vld [tilespmem:s18+$0x79D0]  }
0x1ca: {  	v48 =	vld [tilespmem:s18+$0x8DD0];
	_ =	sdelay $0x3  }
0x1cb: {  	v0 =	vmul.bf16 v42, v0;
	v49 =	vmul.bf16 v44, v43  }
0x1cc: {  	v50 =	vmul.bf16 v46, v45;
	v51 =	vmul.bf16 v48, v47;
	_ =	sdelay $0x1  }
0x1cd: {  	v0 =	vadd.bf16 v49, v0;
	v52 =	vadd.bf16 v51, v50;
	_ =	sdelay $0x1  }
0x1ce: {  	v0 =	vadd.bf16 v52, v0;
	_ =	sdelay $0x1  }
0x1cf: {  	[tilespmem:s0+$0x60] =	vst v0  }
0x1d0: {  	v0 =	vld [tilespmem:s18+$0x79E0]  }
0x1d1: {  	v53 =	vld [tilespmem:s18+$0x8DE0]  }
0x1d2: {  	v54 =	vld [tilespmem:s18+$0x79F0]  }
0x1d3: {  	v55 =	vld [tilespmem:s18+$0x8DF0]  }
0x1d4: {  	v56 =	vld [tilespmem:s18+$0x7A00]  }
0x1d5: {  	v57 =	vld [tilespmem:s18+$0x8E00]  }
0x1d6: {  	v58 =	vld [tilespmem:s18+$0x7A10]  }
0x1d7: {  	v59 =	vld [tilespmem:s18+$0x8E10];
	_ =	sdelay $0x3  }
0x1d8: {  	v0 =	vmul.bf16 v53, v0;
	v60 =	vmul.bf16 v55, v54  }
0x1d9: {  	v61 =	vmul.bf16 v57, v56;
	v62 =	vmul.bf16 v59, v58  }
0x1da: {  	p0 =	sne.s32 s1, $0x4000  }
.Ltmp1:
0x1db: {  	v0 =	vadd.bf16 v60, v0;
	v63 =	vadd.bf16 v62, v61;
	(pc) =	sbr.rel @p0 .LBB2_5-.Ltmp1, $3  }
0x1dc: {  	_ = 	snop  }
0x1dd: {  	v0 =	vadd.bf16 v63, v0;
	_ =	sdelay $0x1  }
0x1de: {  	s1 =	sadd.s32 $0x1000, s1;
	[tilespmem:s0+$0x70] =	vst v0;
	s0 =	sadd.s32 $0x100, s0  }
0x1df: {  	p0 =	seq.s32 s30, $0x3D  }
.Ltmp2:
0x1e0: {  	s0 =	sadd.s32 s31, s9;
	(pc) =	sbr.rel @p0 .LBB2_8-.Ltmp2, $4  }
0x1e1: {  	s0 =	sshll.u32 s0, $0x1  }
0x1e2: {  	s0 =	sand.u32 $0xFFFFFE0, s0  }
0x1e3: {  	s0 =	sadd.s32 s6, s0  }
0x1e4: {  	[hbm4b:s0+s3] =	stream.linear.scatter [tilespmem:s25], [sflag:$0x6], $0x500, $0x38;
	[tilespmem:$0xA820] =	vst v63  }
.Ltmp3:
0x1e5: {  	(pc) =	sbr.rel .LBB2_2-.Ltmp3, $4  }
0x1e6: {  	s0 =	sadd.s32 $0xF0, s31  }
0x1e7: {  	[tilespmem:s17], [sflag:$0x3] =	stream.indirect.gather [hbm4b:s2+s14], $0x40, s0, s14, $0xb8;
	[tilespmem:$0xA820] =	vst v63  }
0x1e8: {  	s31 =	sadd.s32 $0x2800, s31;
	s30 =	sadd.s32 $0x1, s30  }
0x1e9: {  	[tilespmem:s19], [sflag:$0x4] =	stream.indirect.gather [hbm4b:s5+s14], $0x40, s31, s14, $0xb8;
	[tilespmem:$0xA820] =	vst v63  }
.LBB2_8:
0x1ea: {  	_ =	swait.ge [sflag:s20], $0x1400  }
0x1eb: {  	[sflag:s20] =	ssyncset.done $0x0  }
0x1ec: {  	[sflag:s20] =	ssyncadd.s32 $0xFFFFEC00  }
0x1ed: {  	_ =	swait.ge [sflag:s21], $0x1400  }
0x1ee: {  	[sflag:s21] =	ssyncset.done $0x0  }
0x1ef: {  	[sflag:s21] =	ssyncadd.s32 $0xFFFFEC00  }
0x1f0: {  	_ =	swait.ge [sflag:s26], $0x500  }
0x1f1: {  	[sflag:s26] =	ssyncset.done $0x0  }
0x1f2: {  	s1 =	simm.s32 $0x0;
	s0 =	simm.s32 $0x9EA0;
	[sflag:s26] =	ssyncadd.s32 $0xFFFFFB00  }
.LBB2_9:
0x1f3: {  	s18 =	sshra.s32 s1, $0x2  }
0x1f4: {  	v0 =	vld [tilespmem:s18+$0x4E20]  }
0x1f5: {  	v1 =	vld [tilespmem:s18+$0x6220]  }
0x1f6: {  	v2 =	vld [tilespmem:s18+$0x4E30]  }
0x1f7: {  	v3 =	vld [tilespmem:s18+$0x6230]  }
0x1f8: {  	v4 =	vld [tilespmem:s18+$0x4E40]  }
0x1f9: {  	v5 =	vld [tilespmem:s18+$0x6240]  }
0x1fa: {  	v6 =	vld [tilespmem:s18+$0x4E50]  }
0x1fb: {  	v7 =	vld [tilespmem:s18+$0x6250];
	_ =	sdelay $0x3  }
0x1fc: {  	v0 =	vmul.bf16 v1, v0;
	v8 =	vmul.bf16 v3, v2  }
0x1fd: {  	v9 =	vmul.bf16 v5, v4;
	v10 =	vmul.bf16 v7, v6;
	_ =	sdelay $0x1  }
0x1fe: {  	v0 =	vadd.bf16 v8, v0;
	v11 =	vadd.bf16 v10, v9;
	_ =	sdelay $0x1  }
0x1ff: {  	v0 =	vadd.bf16 v11, v0;
	_ =	sdelay $0x1  }
0x200: {  	[tilespmem:s0+$0xFFFFFF80] =	vst v0  }
0x201: {  	v0 =	vld [tilespmem:s18+$0x4E60]  }
0x202: {  	v12 =	vld [tilespmem:s18+$0x6260]  }
0x203: {  	v13 =	vld [tilespmem:s18+$0x4E70]  }
0x204: {  	v14 =	vld [tilespmem:s18+$0x6270]  }
0x205: {  	v15 =	vld [tilespmem:s18+$0x4E80]  }
0x206: {  	v16 =	vld [tilespmem:s18+$0x6280]  }
0x207: {  	v17 =	vld [tilespmem:s18+$0x4E90]  }
0x208: {  	v18 =	vld [tilespmem:s18+$0x6290];
	_ =	sdelay $0x3  }
0x209: {  	v0 =	vmul.bf16 v12, v0;
	v19 =	vmul.bf16 v14, v13  }
0x20a: {  	v20 =	vmul.bf16 v16, v15;
	v21 =	vmul.bf16 v18, v17;
	_ =	sdelay $0x1  }
0x20b: {  	v0 =	vadd.bf16 v19, v0;
	v22 =	vadd.bf16 v21, v20;
	_ =	sdelay $0x1  }
0x20c: {  	v0 =	vadd.bf16 v22, v0;
	_ =	sdelay $0x1  }
0x20d: {  	[tilespmem:s0+$0xFFFFFF90] =	vst v0  }
0x20e: {  	v0 =	vld [tilespmem:s18+$0x4EA0]  }
0x20f: {  	v23 =	vld [tilespmem:s18+$0x62A0]  }
0x210: {  	v24 =	vld [tilespmem:s18+$0x4EB0]  }
0x211: {  	v25 =	vld [tilespmem:s18+$0x62B0]  }
0x212: {  	v26 =	vld [tilespmem:s18+$0x4EC0]  }
0x213: {  	v27 =	vld [tilespmem:s18+$0x62C0]  }
0x214: {  	v28 =	vld [tilespmem:s18+$0x4ED0]  }
0x215: {  	v29 =	vld [tilespmem:s18+$0x62D0];
	_ =	sdelay $0x3  }
0x216: {  	v0 =	vmul.bf16 v23, v0;
	v30 =	vmul.bf16 v25, v24  }
0x217: {  	v31 =	vmul.bf16 v27, v26;
	v32 =	vmul.bf16 v29, v28;
	_ =	sdelay $0x1  }
0x218: {  	v0 =	vadd.bf16 v30, v0;
	v33 =	vadd.bf16 v32, v31;
	_ =	sdelay $0x1  }
0x219: {  	v0 =	vadd.bf16 v33, v0;
	_ =	sdelay $0x1  }
0x21a: {  	[tilespmem:s0+$0xFFFFFFA0] =	vst v0  }
0x21b: {  	v0 =	vld [tilespmem:s18+$0x4EE0]  }
0x21c: {  	v34 =	vld [tilespmem:s18+$0x62E0]  }
0x21d: {  	v35 =	vld [tilespmem:s18+$0x4EF0]  }
0x21e: {  	v36 =	vld [tilespmem:s18+$0x62F0]  }
0x21f: {  	v37 =	vld [tilespmem:s18+$0x4F00]  }
0x220: {  	v38 =	vld [tilespmem:s18+$0x6300]  }
0x221: {  	v39 =	vld [tilespmem:s18+$0x4F10]  }
0x222: {  	v40 =	vld [tilespmem:s18+$0x6310];
	_ =	sdelay $0x3  }
0x223: {  	v0 =	vmul.bf16 v34, v0;
	v41 =	vmul.bf16 v36, v35  }
0x224: {  	v42 =	vmul.bf16 v38, v37;
	v43 =	vmul.bf16 v40, v39;
	_ =	sdelay $0x1  }
0x225: {  	v0 =	vadd.bf16 v41, v0;
	v44 =	vadd.bf16 v43, v42;
	_ =	sdelay $0x1  }
0x226: {  	v0 =	vadd.bf16 v44, v0;
	_ =	sdelay $0x1  }
0x227: {  	[tilespmem:s0+$0xFFFFFFB0] =	vst v0  }
0x228: {  	v0 =	vld [tilespmem:s18+$0x4F20]  }
0x229: {  	v45 =	vld [tilespmem:s18+$0x6320]  }
0x22a: {  	v46 =	vld [tilespmem:s18+$0x4F30]  }
0x22b: {  	v47 =	vld [tilespmem:s18+$0x6330]  }
0x22c: {  	v48 =	vld [tilespmem:s18+$0x4F40]  }
0x22d: {  	v49 =	vld [tilespmem:s18+$0x6340]  }
0x22e: {  	v50 =	vld [tilespmem:s18+$0x4F50]  }
0x22f: {  	v51 =	vld [tilespmem:s18+$0x6350];
	_ =	sdelay $0x3  }
0x230: {  	v0 =	vmul.bf16 v45, v0;
	v52 =	vmul.bf16 v47, v46  }
0x231: {  	v53 =	vmul.bf16 v49, v48;
	v54 =	vmul.bf16 v51, v50;
	_ =	sdelay $0x1  }
0x232: {  	v0 =	vadd.bf16 v52, v0;
	v55 =	vadd.bf16 v54, v53;
	_ =	sdelay $0x1  }
0x233: {  	v0 =	vadd.bf16 v55, v0;
	_ =	sdelay $0x1  }
0x234: {  	[tilespmem:s0+$0xFFFFFFC0] =	vst v0  }
0x235: {  	v0 =	vld [tilespmem:s18+$0x4F60]  }
0x236: {  	v56 =	vld [tilespmem:s18+$0x6360]  }
0x237: {  	v57 =	vld [tilespmem:s18+$0x4F70]  }
0x238: {  	v58 =	vld [tilespmem:s18+$0x6370]  }
0x239: {  	v59 =	vld [tilespmem:s18+$0x4F80]  }
0x23a: {  	v60 =	vld [tilespmem:s18+$0x6380]  }
0x23b: {  	v61 =	vld [tilespmem:s18+$0x4F90]  }
0x23c: {  	v62 =	vld [tilespmem:s18+$0x6390];
	_ =	sdelay $0x3  }
0x23d: {  	v0 =	vmul.bf16 v56, v0;
	v63 =	vmul.bf16 v58, v57  }
0x23e: {  	v8 =	vmul.bf16 v60, v59;
	v9 =	vmul.bf16 v62, v61;
	_ =	sdelay $0x1  }
0x23f: {  	v0 =	vadd.bf16 v63, v0;
	v10 =	vadd.bf16 v9, v8;
	_ =	sdelay $0x1  }
0x240: {  	v0 =	vadd.bf16 v10, v0;
	_ =	sdelay $0x1  }
0x241: {  	[tilespmem:s0+$0xFFFFFFD0] =	vst v0  }
0x242: {  	v0 =	vld [tilespmem:s18+$0x4FA0]  }
0x243: {  	v11 =	vld [tilespmem:s18+$0x63A0]  }
0x244: {  	v12 =	vld [tilespmem:s18+$0x4FB0]  }
0x245: {  	v13 =	vld [tilespmem:s18+$0x63B0]  }
0x246: {  	v14 =	vld [tilespmem:s18+$0x4FC0]  }
0x247: {  	v15 =	vld [tilespmem:s18+$0x63C0]  }
0x248: {  	v16 =	vld [tilespmem:s18+$0x4FD0]  }
0x249: {  	v17 =	vld [tilespmem:s18+$0x63D0];
	_ =	sdelay $0x3  }
0x24a: {  	v0 =	vmul.bf16 v11, v0;
	v18 =	vmul.bf16 v13, v12  }
0x24b: {  	v19 =	vmul.bf16 v15, v14;
	v20 =	vmul.bf16 v17, v16;
	_ =	sdelay $0x1  }
0x24c: {  	v0 =	vadd.bf16 v18, v0;
	v21 =	vadd.bf16 v20, v19;
	_ =	sdelay $0x1  }
0x24d: {  	v0 =	vadd.bf16 v21, v0;
	_ =	sdelay $0x1  }
0x24e: {  	[tilespmem:s0+$0xFFFFFFE0] =	vst v0  }
0x24f: {  	v0 =	vld [tilespmem:s18+$0x4FE0]  }
0x250: {  	v22 =	vld [tilespmem:s18+$0x63E0]  }
0x251: {  	v23 =	vld [tilespmem:s18+$0x4FF0]  }
0x252: {  	v24 =	vld [tilespmem:s18+$0x63F0]  }
0x253: {  	v25 =	vld [tilespmem:s18+$0x5000]  }
0x254: {  	v26 =	vld [tilespmem:s18+$0x6400]  }
0x255: {  	v27 =	vld [tilespmem:s18+$0x5010]  }
0x256: {  	v28 =	vld [tilespmem:s18+$0x6410];
	_ =	sdelay $0x3  }
0x257: {  	v0 =	vmul.bf16 v22, v0;
	v29 =	vmul.bf16 v24, v23  }
0x258: {  	v30 =	vmul.bf16 v26, v25;
	v31 =	vmul.bf16 v28, v27;
	_ =	sdelay $0x1  }
0x259: {  	v0 =	vadd.bf16 v29, v0;
	v32 =	vadd.bf16 v31, v30;
	_ =	sdelay $0x1  }
0x25a: {  	v0 =	vadd.bf16 v32, v0;
	_ =	sdelay $0x1  }
0x25b: {  	[tilespmem:s0+$0xFFFFFFF0] =	vst v0  }
0x25c: {  	v0 =	vld [tilespmem:s18+$0x5020]  }
0x25d: {  	v33 =	vld [tilespmem:s18+$0x6420]  }
0x25e: {  	v34 =	vld [tilespmem:s18+$0x5030]  }
0x25f: {  	v35 =	vld [tilespmem:s18+$0x6430]  }
0x260: {  	v36 =	vld [tilespmem:s18+$0x5040]  }
0x261: {  	v37 =	vld [tilespmem:s18+$0x6440]  }
0x262: {  	v38 =	vld [tilespmem:s18+$0x5050]  }
0x263: {  	v39 =	vld [tilespmem:s18+$0x6450];
	_ =	sdelay $0x3  }
0x264: {  	v0 =	vmul.bf16 v33, v0;
	v40 =	vmul.bf16 v35, v34  }
0x265: {  	v41 =	vmul.bf16 v37, v36;
	v42 =	vmul.bf16 v39, v38;
	_ =	sdelay $0x1  }
0x266: {  	v0 =	vadd.bf16 v40, v0;
	v43 =	vadd.bf16 v42, v41;
	_ =	sdelay $0x1  }
0x267: {  	v0 =	vadd.bf16 v43, v0;
	_ =	sdelay $0x1  }
0x268: {  	[tilespmem:s0+$0x0] =	vst v0  }
0x269: {  	v0 =	vld [tilespmem:s18+$0x5060]  }
0x26a: {  	v44 =	vld [tilespmem:s18+$0x6460]  }
0x26b: {  	v45 =	vld [tilespmem:s18+$0x5070]  }
0x26c: {  	v46 =	vld [tilespmem:s18+$0x6470]  }
0x26d: {  	v47 =	vld [tilespmem:s18+$0x5080]  }
0x26e: {  	v48 =	vld [tilespmem:s18+$0x6480]  }
0x26f: {  	v49 =	vld [tilespmem:s18+$0x5090]  }
0x270: {  	v50 =	vld [tilespmem:s18+$0x6490];
	_ =	sdelay $0x3  }
0x271: {  	v0 =	vmul.bf16 v44, v0;
	v51 =	vmul.bf16 v46, v45  }
0x272: {  	v52 =	vmul.bf16 v48, v47;
	v53 =	vmul.bf16 v50, v49;
	_ =	sdelay $0x1  }
0x273: {  	v0 =	vadd.bf16 v51, v0;
	v54 =	vadd.bf16 v53, v52;
	_ =	sdelay $0x1  }
0x274: {  	v0 =	vadd.bf16 v54, v0;
	_ =	sdelay $0x1  }
0x275: {  	[tilespmem:s0+$0x10] =	vst v0  }
0x276: {  	v0 =	vld [tilespmem:s18+$0x50A0]  }
0x277: {  	v55 =	vld [tilespmem:s18+$0x64A0]  }
0x278: {  	v56 =	vld [tilespmem:s18+$0x50B0]  }
0x279: {  	v57 =	vld [tilespmem:s18+$0x64B0]  }
0x27a: {  	v58 =	vld [tilespmem:s18+$0x50C0]  }
0x27b: {  	v59 =	vld [tilespmem:s18+$0x64C0]  }
0x27c: {  	v60 =	vld [tilespmem:s18+$0x50D0]  }
0x27d: {  	v61 =	vld [tilespmem:s18+$0x64D0];
	_ =	sdelay $0x3  }
0x27e: {  	v0 =	vmul.bf16 v55, v0;
	v62 =	vmul.bf16 v57, v56  }
0x27f: {  	v63 =	vmul.bf16 v59, v58;
	v7 =	vmul.bf16 v61, v60;
	_ =	sdelay $0x1  }
0x280: {  	v0 =	vadd.bf16 v62, v0;
	v8 =	vadd.bf16 v7, v63;
	_ =	sdelay $0x1  }
0x281: {  	v0 =	vadd.bf16 v8, v0;
	_ =	sdelay $0x1  }
0x282: {  	[tilespmem:s0+$0x20] =	vst v0  }
0x283: {  	v0 =	vld [tilespmem:s18+$0x50E0]  }
0x284: {  	v9 =	vld [tilespmem:s18+$0x64E0]  }
0x285: {  	v10 =	vld [tilespmem:s18+$0x50F0]  }
0x286: {  	v11 =	vld [tilespmem:s18+$0x64F0]  }
0x287: {  	v12 =	vld [tilespmem:s18+$0x5100]  }
0x288: {  	v13 =	vld [tilespmem:s18+$0x6500]  }
0x289: {  	v14 =	vld [tilespmem:s18+$0x5110]  }
0x28a: {  	v15 =	vld [tilespmem:s18+$0x6510];
	_ =	sdelay $0x3  }
0x28b: {  	v0 =	vmul.bf16 v9, v0;
	v16 =	vmul.bf16 v11, v10  }
0x28c: {  	v17 =	vmul.bf16 v13, v12;
	v18 =	vmul.bf16 v15, v14;
	_ =	sdelay $0x1  }
0x28d: {  	v0 =	vadd.bf16 v16, v0;
	v19 =	vadd.bf16 v18, v17;
	_ =	sdelay $0x1  }
0x28e: {  	v0 =	vadd.bf16 v19, v0;
	_ =	sdelay $0x1  }
0x28f: {  	[tilespmem:s0+$0x30] =	vst v0  }
0x290: {  	v0 =	vld [tilespmem:s18+$0x5120]  }
0x291: {  	v20 =	vld [tilespmem:s18+$0x6520]  }
0x292: {  	v21 =	vld [tilespmem:s18+$0x5130]  }
0x293: {  	v22 =	vld [tilespmem:s18+$0x6530]  }
0x294: {  	v23 =	vld [tilespmem:s18+$0x5140]  }
0x295: {  	v24 =	vld [tilespmem:s18+$0x6540]  }
0x296: {  	v25 =	vld [tilespmem:s18+$0x5150]  }
0x297: {  	v26 =	vld [tilespmem:s18+$0x6550];
	_ =	sdelay $0x3  }
0x298: {  	v0 =	vmul.bf16 v20, v0;
	v27 =	vmul.bf16 v22, v21  }
0x299: {  	v28 =	vmul.bf16 v24, v23;
	v29 =	vmul.bf16 v26, v25;
	_ =	sdelay $0x1  }
0x29a: {  	v0 =	vadd.bf16 v27, v0;
	v30 =	vadd.bf16 v29, v28;
	_ =	sdelay $0x1  }
0x29b: {  	v0 =	vadd.bf16 v30, v0;
	_ =	sdelay $0x1  }
0x29c: {  	[tilespmem:s0+$0x40] =	vst v0  }
0x29d: {  	v0 =	vld [tilespmem:s18+$0x5160]  }
0x29e: {  	v31 =	vld [tilespmem:s18+$0x6560]  }
0x29f: {  	v32 =	vld [tilespmem:s18+$0x5170]  }
0x2a0: {  	v33 =	vld [tilespmem:s18+$0x6570]  }
0x2a1: {  	v34 =	vld [tilespmem:s18+$0x5180]  }
0x2a2: {  	v35 =	vld [tilespmem:s18+$0x6580]  }
0x2a3: {  	v36 =	vld [tilespmem:s18+$0x5190]  }
0x2a4: {  	v37 =	vld [tilespmem:s18+$0x6590];
	_ =	sdelay $0x3  }
0x2a5: {  	v0 =	vmul.bf16 v31, v0;
	v38 =	vmul.bf16 v33, v32  }
0x2a6: {  	v39 =	vmul.bf16 v35, v34;
	v40 =	vmul.bf16 v37, v36;
	_ =	sdelay $0x1  }
0x2a7: {  	v0 =	vadd.bf16 v38, v0;
	v41 =	vadd.bf16 v40, v39;
	_ =	sdelay $0x1  }
0x2a8: {  	v0 =	vadd.bf16 v41, v0;
	_ =	sdelay $0x1  }
0x2a9: {  	[tilespmem:s0+$0x50] =	vst v0  }
0x2aa: {  	v0 =	vld [tilespmem:s18+$0x51A0]  }
0x2ab: {  	v42 =	vld [tilespmem:s18+$0x65A0]  }
0x2ac: {  	v43 =	vld [tilespmem:s18+$0x51B0]  }
0x2ad: {  	v44 =	vld [tilespmem:s18+$0x65B0]  }
0x2ae: {  	v45 =	vld [tilespmem:s18+$0x51C0]  }
0x2af: {  	v46 =	vld [tilespmem:s18+$0x65C0]  }
0x2b0: {  	v47 =	vld [tilespmem:s18+$0x51D0]  }
0x2b1: {  	v48 =	vld [tilespmem:s18+$0x65D0];
	_ =	sdelay $0x3  }
0x2b2: {  	v0 =	vmul.bf16 v42, v0;
	v49 =	vmul.bf16 v44, v43  }
0x2b3: {  	v50 =	vmul.bf16 v46, v45;
	v51 =	vmul.bf16 v48, v47;
	_ =	sdelay $0x1  }
0x2b4: {  	v0 =	vadd.bf16 v49, v0;
	v52 =	vadd.bf16 v51, v50;
	_ =	sdelay $0x1  }
0x2b5: {  	v0 =	vadd.bf16 v52, v0;
	_ =	sdelay $0x1  }
0x2b6: {  	[tilespmem:s0+$0x60] =	vst v0  }
0x2b7: {  	v0 =	vld [tilespmem:s18+$0x51E0]  }
0x2b8: {  	v53 =	vld [tilespmem:s18+$0x65E0]  }
0x2b9: {  	v54 =	vld [tilespmem:s18+$0x51F0]  }
0x2ba: {  	v55 =	vld [tilespmem:s18+$0x65F0]  }
0x2bb: {  	v56 =	vld [tilespmem:s18+$0x5200]  }
0x2bc: {  	v57 =	vld [tilespmem:s18+$0x6600]  }
0x2bd: {  	v58 =	vld [tilespmem:s18+$0x5210]  }
0x2be: {  	v59 =	vld [tilespmem:s18+$0x6610];
	_ =	sdelay $0x3  }
0x2bf: {  	v0 =	vmul.bf16 v53, v0;
	v60 =	vmul.bf16 v55, v54  }
0x2c0: {  	v61 =	vmul.bf16 v57, v56;
	v62 =	vmul.bf16 v59, v58  }
0x2c1: {  	p0 =	sne.s32 s1, $0x4000  }
.Ltmp4:
0x2c2: {  	v0 =	vadd.bf16 v60, v0;
	v63 =	vadd.bf16 v62, v61;
	(pc) =	sbr.rel @p0 .LBB2_9-.Ltmp4, $3  }
0x2c3: {  	_ = 	snop  }
0x2c4: {  	v0 =	vadd.bf16 v63, v0;
	_ =	sdelay $0x1  }
0x2c5: {  	s1 =	sadd.s32 $0x1000, s1;
	[tilespmem:s0+$0x70] =	vst v0;
	s0 =	sadd.s32 $0x100, s0  }
0x2c6: {  	[hbm4b:s10+s3] =	stream.linear.scatter [tilespmem:s22], [sflag:$0x5], $0x500, $0x38;
	[tilespmem:$0xA820] =	vst v63  }
0x2c7: {  	s29 =	sadd.s32 $0x1, s29  }
0x2c8: {  	_ =	swait.ge [sflag:s26], $0x500;
	p0 =	sne.s32 s29, s11  }
.Ltmp5:
0x2c9: {  	[sflag:s26] =	ssyncset.done $0x0;
	(pc) =	sbr.rel @p0 .LBB2_1-.Ltmp5, $4  }
0x2ca: {  	[sflag:s26] =	ssyncadd.s32 $0xFFFFFB00  }
0x2cb: {  	_ =	swait.ge [sflag:s28], $0x500  }
0x2cc: {  	[sflag:s28] =	ssyncset.done $0x0  }
0x2cd: {  	[sflag:s28] =	ssyncadd.s32 $0xFFFFFB00  }
0x2ce: {  	_ =	sfence.sel $0x180000  }
0x2cf: {  	[bflag:$0x0] =	sbarrier.arrive $0xFFFF  }
0x2d0: {  	_ =	strace $0x90000047  }
0x2d1: {  	s0 =	stileid.u32;
	[bflag:$0x2] =	sbarrier.arrive $0xFFFF  }
0x2d2: {  	p0 =	sne.s32 s0, $0x0;
	s0 =	rddreg [dreg:$0x1]  }
0x2d3: {  	s0 =	sadd.s32 @!p0 $0x100000, s0  }
0x2d4: {  	[sflag:s0] =	ssyncadd.tile.s32 @!p0 $0x1;
	_ =	shalt  }
.Lfunc_end2:
_tile_overlayer_lowered:
.L_overlay_start_2:
0x2d5: {  	(tag) =	ssettag $0x2  }
0x2d6: {  	s0 =	rddreg [dreg:$0x0];
	s2 =	stileid.u32  }
0x2d7: {  	s1 =	rddreg [dreg:$0x1];
	p0 =	sne.s32 s2, $0x0  }
0x2d8: {  	s3 =	rddreg [dreg:$0x2];
	[bflag:$0x3] =	sbarrier.arrive $0xFFFF;
	s2 =	simm.s32 @!p0 $0x1C07  }
0x2d9: {  	[timem:s3], [sflag:s2] =	dma.local @!p0 [hbm:s0], s1  }
0x2da: {  	s0 =	simm.s32 @!p0 $0x7  }
0x2db: {  	_ =	swait.ge @!p0 [sflag:s0], s1  }
0x2dc: {  	s1 =	ssub.s32 @!p0 $0x0, s1;
	[sflag:s0] =	ssyncset.done @!p0 $0x0  }
0x2dd: {  	[sflag:s0] =	ssyncadd.s32 @!p0 s1  }
0x2de: {  	[bflag:$0x3] =	sbarrier.arrive $0xFFFF  }
0x2df: {  	_ =	shalt  }

</sc_bundles>
